<compile_context>
chip_gen: v7x
topology: tpu7x:2x2x1
jax: 0.10.2.dev20260603
libtpu: 0.0.44.dev20260713+nightly
codegen_flags: <defaults>
</compile_context>

<pallas_src>
import functools

import jax
import jax.numpy as jnp
from jax import lax
from jax.experimental import pallas as pl
from jax.experimental.pallas import tpu as pltpu
from jax.experimental.pallas import tpu_sc as plsc

NC = 2
NS = 16
NW = NC * NS

B, T, F = 16, 1024, 768
TPW = T // NC
CHUNK = 32
NCH = TPW // CHUNK
NB = 5
SUB = 8
VL = 16

_K2 = -2.0 * 0.7978845608028654
_A = 0.044715


def _gelu_vec(x):
    x2 = x * x
    arg = (_K2 * x) * (1.0 + _A * x2)
    return x / (1.0 + jnp.exp(arg))


def _sc_body(hid, idx, out, bufs, mask_v, idx_v, gsems, ssems):
    wid = lax.axis_index("s") * NC + lax.axis_index("c")
    batch = wid // NC
    t0 = (wid % NC) * TPW

    def g_copy(c, q):
        return pltpu.make_async_copy(
            hid.at[batch, pl.ds(t0 + c * CHUNK, CHUNK)], bufs[q], gsems[q])

    def s_copy(c, q):
        return pltpu.make_async_copy(
            bufs[q], out.at[batch, pl.ds(t0 + c * CHUNK, CHUNK)], ssems[q])

    g_copy(0, 0).start()

    pltpu.sync_copy(idx, idx_v)
    zeros = jnp.zeros((VL,), jnp.float32)
    ones = jnp.ones((VL,), jnp.float32)
    for k in range(TPW // VL):
        mask_v[pl.ds(k * VL, VL)] = zeros
    nidx = idx.shape[0]
    for k in range(nidx // VL):
        iv = idx_v[pl.ds(k * VL, VL)] - t0
        inb = (iv >= 0) & (iv < TPW)
        ivc = jnp.clip(iv, 0, TPW - 1)
        plsc.store_scatter(mask_v, [ivc], ones, mask=inb)

    def chunk_step(c, q):
        qn = (q + 1) % NB

        @pl.when(c >= NB - 1)
        def _():
            s_copy(c - (NB - 1), qn).wait()

        @pl.when(c + 1 < NCH)
        def _():
            g_copy(c + 1, qn).start()

        g_copy(c, q).wait()
        buf = bufs[q]

        def row_step(j, _):
            tloc = c * CHUNK + j
            m = plsc.load_gather(mask_v, [jnp.full((VL,), tloc, jnp.int32)])
            sel = m[0] > 0.5

            @pl.when(sel)
            def _():
                @plsc.parallel_loop(0, F, VL, unroll=16)
                def _(v):
                    sl = pl.ds(v, VL)
                    buf[j, sl] = _gelu_vec(buf[j, sl])

            return 0

        lax.fori_loop(0, CHUNK, row_step, 0)
        s_copy(c, q).start()

    def outer(g, _):
        for k in range(NB):
            chunk_step(g * NB + k, k)
        return 0

    lax.fori_loop(0, NCH // NB, outer, 0)
    for c in range(NCH - NCH % NB, NCH):
        chunk_step(c, c % NB)

    for c in range(NCH - NB + 1, NCH):
        s_copy(c, c % NB).wait()


@functools.partial(
    pl.kernel,
    out_type=jax.ShapeDtypeStruct((B, T, F), jnp.float32),
    mesh=plsc.VectorSubcoreMesh(core_axis_name="c", subcore_axis_name="s"),
    compiler_params=pltpu.CompilerParams(needs_layout_passes=False),
    scratch_types=[
        [pltpu.VMEM((CHUNK, F), jnp.float32) for _ in range(NB)],
        pltpu.VMEM((TPW,), jnp.float32),
        pltpu.VMEM((512,), jnp.int32),
        [pltpu.SemaphoreType.DMA for _ in range(NB)],
        [pltpu.SemaphoreType.DMA for _ in range(NB)],
    ],
)
def _sc_kernel(hid, idx, out, bufs, mask_v, idx_v, gsems, ssems):
    _sc_body(hid, idx, out, bufs, mask_v, idx_v, gsems, ssems)


def kernel(hidden_states, true_indices):
    return _sc_kernel(hidden_states, true_indices)

# --- scband reference (transcript-rebuilt; emitter-appended) ---
"""Pipeline reference for scband-choose-activation-55147380081326 (READ-ONLY COPY).

The authoritative reference and input builder live on the scoring server;
editing this copy changes nothing except your own understanding.
"""

import jax, jax.numpy as jnp
import numpy as np


def setup_inputs(seed: int = 0) -> dict:
    key = jax.random.key(seed)
    k1, k2 = jax.random.split(key)
    hidden_states = jax.random.normal(k1, (16, 1024, 768), dtype=jnp.float32)
    # sorted indices emulate jnp.where(infer_alpha, size=alpha_size)[0]
    true_indices = jnp.sort(jax.random.randint(k2, (512,), 0, 1024, dtype=jnp.int32))
    return {"hidden_states": hidden_states, "true_indices": true_indices}


def reference(hidden_states, true_indices):
    # Faithful translation of ChooseActivation.__call__:
    # gather selected token positions, apply (tanh-approx) gelu as flax nn.gelu does,
    # scatter-overwrite them back into the hidden states.
    selected_hidden_states = hidden_states[:, true_indices, :]
    activated_hidden_states = jax.nn.gelu(selected_hidden_states, approximate=True)
    updated_hidden_states = hidden_states.at[:, true_indices, :].set(activated_hidden_states)
    return updated_hidden_states

if __name__ == "__main__":
    import jax
    _d = setup_inputs()
    print(jax.jit(kernel)(*tuple(_d.values())))

</pallas_src>

<mosaic_0001>
#map = affine_map<(d0, d1) -> (0, 0, 0)>
#map1 = affine_map<(d0, d1) -> (0)>
module attributes {stable_mosaic.version = 14 : i64} {
  func.func @_sc_kernel(%arg0: i32, %arg1: i32, %arg2: memref<16x1024x768xf32, #tpu.memory_space<hbm>>, %arg3: memref<512xi32, #tpu.memory_space<hbm>>, %arg4: memref<16x1024x768xf32, #tpu.memory_space<hbm>>, %arg5: memref<32x768xf32, #tpu.memory_space<vmem>>, %arg6: memref<32x768xf32, #tpu.memory_space<vmem>>, %arg7: memref<32x768xf32, #tpu.memory_space<vmem>>, %arg8: memref<32x768xf32, #tpu.memory_space<vmem>>, %arg9: memref<32x768xf32, #tpu.memory_space<vmem>>, %arg10: memref<512xf32, #tpu.memory_space<vmem>>, %arg11: memref<512xi32, #tpu.memory_space<vmem>>, %arg12: memref<!tpu.dma_semaphore, #tpu.memory_space<semaphore_mem>>, %arg13: memref<!tpu.dma_semaphore, #tpu.memory_space<semaphore_mem>>, %arg14: memref<!tpu.dma_semaphore, #tpu.memory_space<semaphore_mem>>, %arg15: memref<!tpu.dma_semaphore, #tpu.memory_space<semaphore_mem>>, %arg16: memref<!tpu.dma_semaphore, #tpu.memory_space<semaphore_mem>>, %arg17: memref<!tpu.dma_semaphore, #tpu.memory_space<semaphore_mem>>, %arg18: memref<!tpu.dma_semaphore, #tpu.memory_space<semaphore_mem>>, %arg19: memref<!tpu.dma_semaphore, #tpu.memory_space<semaphore_mem>>, %arg20: memref<!tpu.dma_semaphore, #tpu.memory_space<semaphore_mem>>, %arg21: memref<!tpu.dma_semaphore, #tpu.memory_space<semaphore_mem>>) attributes {dimension_semantics = [#tpu.dimension_semantics<core_parallel>, #tpu.dimension_semantics<subcore_parallel>], iteration_bounds = array<i64: 2, 16>, scalar_prefetch = 0 : i64, scratch_operands = 17 : i64, tpu.core_type = #tpu.core_type<sc_vector_subcore>, window_params = [{transform_indices = #map}, {transform_indices = #map1}, {transform_indices = #map}]} {
    %mul3A = arith.constant 2 : i32
    %mul3A_0 = arith.muli %arg1, %mul3A : i32
    %add3A = arith.addi %mul3A_0, %arg0 : i32
    %jit3A = arith.constant 2 : i32
    %div3A = arith.divsi %add3A, %jit3A : i32
    %sign3A = arith.constant 0 : i32
    %sign3A_1 = arith.cmpi sgt, %add3A, %sign3A : i32
    %sign3A_2 = arith.extui %sign3A_1 : i1 to i32
    %sign3A_3 = arith.constant 0 : i32
    %sign3A_4 = arith.cmpi slt, %add3A, %sign3A_3 : i32
    %sign3A_5 = arith.extui %sign3A_4 : i1 to i32
    %sign3A_6 = arith.subi %sign3A_2, %sign3A_5 : i32
    %sign3A_7 = arith.constant 0 : i32
    %sign3A_8 = arith.cmpi sgt, %jit3A, %sign3A_7 : i32
    %sign3A_9 = arith.extui %sign3A_8 : i1 to i32
    %sign3A_10 = arith.constant 0 : i32
    %sign3A_11 = arith.cmpi slt, %jit3A, %sign3A_10 : i32
    %sign3A_12 = arith.extui %sign3A_11 : i1 to i32
    %sign3A_13 = arith.subi %sign3A_9, %sign3A_12 : i32
    %ne3A = arith.cmpi ne, %sign3A_6, %sign3A_13 : i32
    %rem3A = arith.remsi %add3A, %jit3A : i32
    %ne3A_14 = arith.constant 0 : i32
    %ne3A_15 = arith.cmpi ne, %rem3A, %ne3A_14 : i32
    %and3A = arith.andi %ne3A, %ne3A_15 : i1
    %sub3A = arith.constant 1 : i32
    %sub3A_16 = arith.subi %div3A, %sub3A : i32
    %select_n3A = arith.select %and3A, %sub3A_16, %div3A : i32
    %jit3A_17 = arith.constant 2 : i32
    %eq3A = arith.constant 0 : i32
    %eq3A_18 = arith.cmpi eq, %jit3A_17, %eq3A : i32
    %jit3A_19 = arith.constant 1 : i32
    %select_n3A_20 = arith.select %eq3A_18, %jit3A_19, %jit3A_17 : i32
    %rem3A_21 = arith.remsi %add3A, %select_n3A_20 : i32
    %ne3A_22 = arith.constant 0 : i32
    %ne3A_23 = arith.cmpi ne, %rem3A_21, %ne3A_22 : i32
    %lt3A = arith.constant 0 : i32
    %lt3A_24 = arith.cmpi slt, %rem3A_21, %lt3A : i32
    %lt3A_25 = arith.constant 0 : i32
    %lt3A_26 = arith.cmpi slt, %select_n3A_20, %lt3A_25 : i32
    %ne3A_27 = arith.xori %lt3A_24, %lt3A_26 : i1
    %and3A_28 = arith.andi %ne3A_27, %ne3A_23 : i1
    %add3A_29 = arith.addi %rem3A_21, %select_n3A_20 : i32
    %select_n3A_30 = arith.select %and3A_28, %add3A_29, %rem3A_21 : i32
    %mul3A_31 = arith.constant 512 : i32
    %mul3A_32 = arith.muli %select_n3A_30, %mul3A_31 : i32
    %add3A_33 = arith.constant 0 : i32
    %add3A_34 = arith.addi %mul3A_32, %add3A_33 : i32
    %dma_start3A = arith.constant 0 : i32
    %dma_start3A_35 = tpu.memref_slice %arg2[%select_n3A, %add3A_34, %dma_start3A] : memref<16x1024x768xf32, #tpu.memory_space<hbm>> -> memref<1x32x768xf32, #tpu.memory_space<hbm>>
    %dma_start3A_36 = tpu.memref_squeeze %dma_start3A_35 : memref<1x32x768xf32, #tpu.memory_space<hbm>> -> memref<32x768xf32, #tpu.memory_space<hbm>>
    %dma_start3A_37 = arith.constant 0 : i32
    %dma_start3A_38 = tpu.memref_slice %arg2[%select_n3A, %add3A_34, %dma_start3A_37] : memref<16x1024x768xf32, #tpu.memory_space<hbm>> -> memref<1x32x768xf32, #tpu.memory_space<hbm>>
    %dma_start3A_39 = tpu.memref_squeeze %dma_start3A_38 : memref<1x32x768xf32, #tpu.memory_space<hbm>> -> memref<32x768xf32, #tpu.memory_space<hbm>>
    tpu.enqueue_dma source(%dma_start3A_39 : memref<32x768xf32, #tpu.memory_space<hbm>>) target(%arg5 : memref<32x768xf32, #tpu.memory_space<vmem>>) target_semaphore(%arg12 : memref<!tpu.dma_semaphore, #tpu.memory_space<semaphore_mem>>)
    "tpu.region"() ({
      %run_scoped3A = tpu.sem_alloc : memref<!tpu.dma_semaphore, #tpu.memory_space<semaphore_mem>>
      tpu.enqueue_dma source(%arg3 : memref<512xi32, #tpu.memory_space<hbm>>) target(%arg11 : memref<512xi32, #tpu.memory_space<vmem>>) target_semaphore(%run_scoped3A : memref<!tpu.dma_semaphore, #tpu.memory_space<semaphore_mem>>)
      tpu.wait_dma2 semaphore(%run_scoped3A : memref<!tpu.dma_semaphore, #tpu.memory_space<semaphore_mem>>) src(%arg3 : memref<512xi32, #tpu.memory_space<hbm>>) dst(%arg11 : memref<512xi32, #tpu.memory_space<vmem>>)
      tpu.yield
    }) : () -> ()
    %broadcast_in_dim3A = arith.constant 0.000000e+00 : f32
    %broadcast_in_dim3A_40 = vector.broadcast %broadcast_in_dim3A : f32 to vector<16xf32>
    %broadcast_in_dim3A_41 = arith.constant 1.000000e+00 : f32
    %broadcast_in_dim3A_42 = vector.broadcast %broadcast_in_dim3A_41 : f32 to vector<16xf32>
    %swap3A = arith.constant 0 : index
    %swap3A_43 = tpu.vector_load %arg10[%swap3A] {strides = array<i32>} : memref<512xf32, #tpu.memory_space<vmem>>, vector<16xf32>,
    tpu.vector_store %arg10[%swap3A], %broadcast_in_dim3A_40 {strides = array<i32>} : memref<512xf32, #tpu.memory_space<vmem>>, vector<16xf32>,
    %swap3A_44 = arith.constant 16 : index
    %swap3A_45 = tpu.vector_load %arg10[%swap3A_44] {strides = array<i32>} : memref<512xf32, #tpu.memory_space<vmem>>, vector<16xf32>,
    tpu.vector_store %arg10[%swap3A_44], %broadcast_in_dim3A_40 {strides = array<i32>} : memref<512xf32, #tpu.memory_space<vmem>>, vector<16xf32>,
    %swap3A_46 = arith.constant 32 : index
    %swap3A_47 = tpu.vector_load %arg10[%swap3A_46] {strides = array<i32>} : memref<512xf32, #tpu.memory_space<vmem>>, vector<16xf32>,
    tpu.vector_store %arg10[%swap3A_46], %broadcast_in_dim3A_40 {strides = array<i32>} : memref<512xf32, #tpu.memory_space<vmem>>, vector<16xf32>,
    %swap3A_48 = arith.constant 48 : index
    %swap3A_49 = tpu.vector_load %arg10[%swap3A_48] {strides = array<i32>} : memref<512xf32, #tpu.memory_space<vmem>>, vector<16xf32>,
    tpu.vector_store %arg10[%swap3A_48], %broadcast_in_dim3A_40 {strides = array<i32>} : memref<512xf32, #tpu.memory_space<vmem>>, vector<16xf32>,
    %swap3A_50 = arith.constant 64 : index
    %swap3A_51 = tpu.vector_load %arg10[%swap3A_50] {strides = array<i32>} : memref<512xf32, #tpu.memory_space<vmem>>, vector<16xf32>,
    tpu.vector_store %arg10[%swap3A_50], %broadcast_in_dim3A_40 {strides = array<i32>} : memref<512xf32, #tpu.memory_space<vmem>>, vector<16xf32>,
    %swap3A_52 = arith.constant 80 : index
    %swap3A_53 = tpu.vector_load %arg10[%swap3A_52] {strides = array<i32>} : memref<512xf32, #tpu.memory_space<vmem>>, vector<16xf32>,
    tpu.vector_store %arg10[%swap3A_52], %broadcast_in_dim3A_40 {strides = array<i32>} : memref<512xf32, #tpu.memory_space<vmem>>, vector<16xf32>,
    %swap3A_54 = arith.constant 96 : index
    %swap3A_55 = tpu.vector_load %arg10[%swap3A_54] {strides = array<i32>} : memref<512xf32, #tpu.memory_space<vmem>>, vector<16xf32>,
    tpu.vector_store %arg10[%swap3A_54], %broadcast_in_dim3A_40 {strides = array<i32>} : memref<512xf32, #tpu.memory_space<vmem>>, vector<16xf32>,
    %swap3A_56 = arith.constant 112 : index
    %swap3A_57 = tpu.vector_load %arg10[%swap3A_56] {strides = array<i32>} : memref<512xf32, #tpu.memory_space<vmem>>, vector<16xf32>,
    tpu.vector_store %arg10[%swap3A_56], %broadcast_in_dim3A_40 {strides = array<i32>} : memref<512xf32, #tpu.memory_space<vmem>>, vector<16xf32>,
    %swap3A_58 = arith.constant 128 : index
    %swap3A_59 = tpu.vector_load %arg10[%swap3A_58] {strides = array<i32>} : memref<512xf32, #tpu.memory_space<vmem>>, vector<16xf32>,
    tpu.vector_store %arg10[%swap3A_58], %broadcast_in_dim3A_40 {strides = array<i32>} : memref<512xf32, #tpu.memory_space<vmem>>, vector<16xf32>,
    %swap3A_60 = arith.constant 144 : index
    %swap3A_61 = tpu.vector_load %arg10[%swap3A_60] {strides = array<i32>} : memref<512xf32, #tpu.memory_space<vmem>>, vector<16xf32>,
    tpu.vector_store %arg10[%swap3A_60], %broadcast_in_dim3A_40 {strides = array<i32>} : memref<512xf32, #tpu.memory_space<vmem>>, vector<16xf32>,
    %swap3A_62 = arith.constant 160 : index
    %swap3A_63 = tpu.vector_load %arg10[%swap3A_62] {strides = array<i32>} : memref<512xf32, #tpu.memory_space<vmem>>, vector<16xf32>,
    tpu.vector_store %arg10[%swap3A_62], %broadcast_in_dim3A_40 {strides = array<i32>} : memref<512xf32, #tpu.memory_space<vmem>>, vector<16xf32>,
    %swap3A_64 = arith.constant 176 : index
    %swap3A_65 = tpu.vector_load %arg10[%swap3A_64] {strides = array<i32>} : memref<512xf32, #tpu.memory_space<vmem>>, vector<16xf32>,
    tpu.vector_store %arg10[%swap3A_64], %broadcast_in_dim3A_40 {strides = array<i32>} : memref<512xf32, #tpu.memory_space<vmem>>, vector<16xf32>,
    %swap3A_66 = arith.constant 192 : index
    %swap3A_67 = tpu.vector_load %arg10[%swap3A_66] {strides = array<i32>} : memref<512xf32, #tpu.memory_space<vmem>>, vector<16xf32>,
    tpu.vector_store %arg10[%swap3A_66], %broadcast_in_dim3A_40 {strides = array<i32>} : memref<512xf32, #tpu.memory_space<vmem>>, vector<16xf32>,
    %swap3A_68 = arith.constant 208 : index
    %swap3A_69 = tpu.vector_load %arg10[%swap3A_68] {strides = array<i32>} : memref<512xf32, #tpu.memory_space<vmem>>, vector<16xf32>,
    tpu.vector_store %arg10[%swap3A_68], %broadcast_in_dim3A_40 {strides = array<i32>} : memref<512xf32, #tpu.memory_space<vmem>>, vector<16xf32>,
    %swap3A_70 = arith.constant 224 : index
    %swap3A_71 = tpu.vector_load %arg10[%swap3A_70] {strides = array<i32>} : memref<512xf32, #tpu.memory_space<vmem>>, vector<16xf32>,
    tpu.vector_store %arg10[%swap3A_70], %broadcast_in_dim3A_40 {strides = array<i32>} : memref<512xf32, #tpu.memory_space<vmem>>, vector<16xf32>,
    %swap3A_72 = arith.constant 240 : index
    %swap3A_73 = tpu.vector_load %arg10[%swap3A_72] {strides = array<i32>} : memref<512xf32, #tpu.memory_space<vmem>>, vector<16xf32>,
    tpu.vector_store %arg10[%swap3A_72], %broadcast_in_dim3A_40 {strides = array<i32>} : memref<512xf32, #tpu.memory_space<vmem>>, vector<16xf32>,
    %swap3A_74 = arith.constant 256 : index
    %swap3A_75 = tpu.vector_load %arg10[%swap3A_74] {strides = array<i32>} : memref<512xf32, #tpu.memory_space<vmem>>, vector<16xf32>,
    tpu.vector_store %arg10[%swap3A_74], %broadcast_in_dim3A_40 {strides = array<i32>} : memref<512xf32, #tpu.memory_space<vmem>>, vector<16xf32>,
    %swap3A_76 = arith.constant 272 : index
    %swap3A_77 = tpu.vector_load %arg10[%swap3A_76] {strides = array<i32>} : memref<512xf32, #tpu.memory_space<vmem>>, vector<16xf32>,
    tpu.vector_store %arg10[%swap3A_76], %broadcast_in_dim3A_40 {strides = array<i32>} : memref<512xf32, #tpu.memory_space<vmem>>, vector<16xf32>,
    %swap3A_78 = arith.constant 288 : index
    %swap3A_79 = tpu.vector_load %arg10[%swap3A_78] {strides = array<i32>} : memref<512xf32, #tpu.memory_space<vmem>>, vector<16xf32>,
    tpu.vector_store %arg10[%swap3A_78], %broadcast_in_dim3A_40 {strides = array<i32>} : memref<512xf32, #tpu.memory_space<vmem>>, vector<16xf32>,
    %swap3A_80 = arith.constant 304 : index
    %swap3A_81 = tpu.vector_load %arg10[%swap3A_80] {strides = array<i32>} : memref<512xf32, #tpu.memory_space<vmem>>, vector<16xf32>,
    tpu.vector_store %arg10[%swap3A_80], %broadcast_in_dim3A_40 {strides = array<i32>} : memref<512xf32, #tpu.memory_space<vmem>>, vector<16xf32>,
    %swap3A_82 = arith.constant 320 : index
    %swap3A_83 = tpu.vector_load %arg10[%swap3A_82] {strides = array<i32>} : memref<512xf32, #tpu.memory_space<vmem>>, vector<16xf32>,
    tpu.vector_store %arg10[%swap3A_82], %broadcast_in_dim3A_40 {strides = array<i32>} : memref<512xf32, #tpu.memory_space<vmem>>, vector<16xf32>,
    %swap3A_84 = arith.constant 336 : index
    %swap3A_85 = tpu.vector_load %arg10[%swap3A_84] {strides = array<i32>} : memref<512xf32, #tpu.memory_space<vmem>>, vector<16xf32>,
    tpu.vector_store %arg10[%swap3A_84], %broadcast_in_dim3A_40 {strides = array<i32>} : memref<512xf32, #tpu.memory_space<vmem>>, vector<16xf32>,
    %swap3A_86 = arith.constant 352 : index
    %swap3A_87 = tpu.vector_load %arg10[%swap3A_86] {strides = array<i32>} : memref<512xf32, #tpu.memory_space<vmem>>, vector<16xf32>,
    tpu.vector_store %arg10[%swap3A_86], %broadcast_in_dim3A_40 {strides = array<i32>} : memref<512xf32, #tpu.memory_space<vmem>>, vector<16xf32>,
    %swap3A_88 = arith.constant 368 : index
    %swap3A_89 = tpu.vector_load %arg10[%swap3A_88] {strides = array<i32>} : memref<512xf32, #tpu.memory_space<vmem>>, vector<16xf32>,
    tpu.vector_store %arg10[%swap3A_88], %broadcast_in_dim3A_40 {strides = array<i32>} : memref<512xf32, #tpu.memory_space<vmem>>, vector<16xf32>,
    %swap3A_90 = arith.constant 384 : index
    %swap3A_91 = tpu.vector_load %arg10[%swap3A_90] {strides = array<i32>} : memref<512xf32, #tpu.memory_space<vmem>>, vector<16xf32>,
    tpu.vector_store %arg10[%swap3A_90], %broadcast_in_dim3A_40 {strides = array<i32>} : memref<512xf32, #tpu.memory_space<vmem>>, vector<16xf32>,
    %swap3A_92 = arith.constant 400 : index
    %swap3A_93 = tpu.vector_load %arg10[%swap3A_92] {strides = array<i32>} : memref<512xf32, #tpu.memory_space<vmem>>, vector<16xf32>,
    tpu.vector_store %arg10[%swap3A_92], %broadcast_in_dim3A_40 {strides = array<i32>} : memref<512xf32, #tpu.memory_space<vmem>>, vector<16xf32>,
    %swap3A_94 = arith.constant 416 : index
    %swap3A_95 = tpu.vector_load %arg10[%swap3A_94] {strides = array<i32>} : memref<512xf32, #tpu.memory_space<vmem>>, vector<16xf32>,
    tpu.vector_store %arg10[%swap3A_94], %broadcast_in_dim3A_40 {strides = array<i32>} : memref<512xf32, #tpu.memory_space<vmem>>, vector<16xf32>,
    %swap3A_96 = arith.constant 432 : index
    %swap3A_97 = tpu.vector_load %arg10[%swap3A_96] {strides = array<i32>} : memref<512xf32, #tpu.memory_space<vmem>>, vector<16xf32>,
    tpu.vector_store %arg10[%swap3A_96], %broadcast_in_dim3A_40 {strides = array<i32>} : memref<512xf32, #tpu.memory_space<vmem>>, vector<16xf32>,
    %swap3A_98 = arith.constant 448 : index
    %swap3A_99 = tpu.vector_load %arg10[%swap3A_98] {strides = array<i32>} : memref<512xf32, #tpu.memory_space<vmem>>, vector<16xf32>,
    tpu.vector_store %arg10[%swap3A_98], %broadcast_in_dim3A_40 {strides = array<i32>} : memref<512xf32, #tpu.memory_space<vmem>>, vector<16xf32>,
    %swap3A_100 = arith.constant 464 : index
    %swap3A_101 = tpu.vector_load %arg10[%swap3A_100] {strides = array<i32>} : memref<512xf32, #tpu.memory_space<vmem>>, vector<16xf32>,
    tpu.vector_store %arg10[%swap3A_100], %broadcast_in_dim3A_40 {strides = array<i32>} : memref<512xf32, #tpu.memory_space<vmem>>, vector<16xf32>,
    %swap3A_102 = arith.constant 480 : index
    %swap3A_103 = tpu.vector_load %arg10[%swap3A_102] {strides = array<i32>} : memref<512xf32, #tpu.memory_space<vmem>>, vector<16xf32>,
    tpu.vector_store %arg10[%swap3A_102], %broadcast_in_dim3A_40 {strides = array<i32>} : memref<512xf32, #tpu.memory_space<vmem>>, vector<16xf32>,
    %swap3A_104 = arith.constant 496 : index
    %swap3A_105 = tpu.vector_load %arg10[%swap3A_104] {strides = array<i32>} : memref<512xf32, #tpu.memory_space<vmem>>, vector<16xf32>,
    tpu.vector_store %arg10[%swap3A_104], %broadcast_in_dim3A_40 {strides = array<i32>} : memref<512xf32, #tpu.memory_space<vmem>>, vector<16xf32>,
    %get3A = arith.constant 0 : index
    %get3A_106 = tpu.vector_load %arg11[%get3A] {strides = array<i32>} : memref<512xi32, #tpu.memory_space<vmem>>, vector<16xi32>,
    %sub3A_107 = vector.broadcast %mul3A_32 : i32 to vector<16xi32>
    %sub3A_108 = arith.subi %get3A_106, %sub3A_107 : vector<16xi32>
    %ge3A = arith.constant 0 : i32
    %ge3A_109 = vector.broadcast %ge3A : i32 to vector<16xi32>
    %ge3A_110 = arith.cmpi sge, %sub3A_108, %ge3A_109 : vector<16xi32>
    %lt3A_111 = arith.constant 512 : i32
    %lt3A_112 = vector.broadcast %lt3A_111 : i32 to vector<16xi32>
    %lt3A_113 = arith.cmpi slt, %sub3A_108, %lt3A_112 : vector<16xi32>
    %and3A_114 = arith.andi %ge3A_110, %lt3A_113 : vector<16xi1>
    %jit3A_115 = arith.constant 0 : i32
    %jit3A_116 = arith.constant 511 : i32
    %max3A = vector.broadcast %jit3A_115 : i32 to vector<16xi32>
    %max3A_117 = arith.maxsi %max3A, %sub3A_108 : vector<16xi32>
    %min3A = vector.broadcast %jit3A_116 : i32 to vector<16xi32>
    %min3A_118 = arith.minsi %min3A, %max3A_117 : vector<16xi32>
    tpu.vector_store_idx %arg10[%min3A_118], %broadcast_in_dim3A_42 masked %and3A_114 : memref<512xf32, #tpu.memory_space<vmem>>[vector<16xi32>], vector<16xf32>, vector<16xi1>
    %get3A_119 = arith.constant 16 : index
    %get3A_120 = tpu.vector_load %arg11[%get3A_119] {strides = array<i32>} : memref<512xi32, #tpu.memory_space<vmem>>, vector<16xi32>,
    %sub3A_121 = vector.broadcast %mul3A_32 : i32 to vector<16xi32>
    %sub3A_122 = arith.subi %get3A_120, %sub3A_121 : vector<16xi32>
    %ge3A_123 = arith.constant 0 : i32
    %ge3A_124 = vector.broadcast %ge3A_123 : i32 to vector<16xi32>
    %ge3A_125 = arith.cmpi sge, %sub3A_122, %ge3A_124 : vector<16xi32>
    %lt3A_126 = arith.constant 512 : i32
    %lt3A_127 = vector.broadcast %lt3A_126 : i32 to vector<16xi32>
    %lt3A_128 = arith.cmpi slt, %sub3A_122, %lt3A_127 : vector<16xi32>
    %and3A_129 = arith.andi %ge3A_125, %lt3A_128 : vector<16xi1>
    %jit3A_130 = arith.constant 0 : i32
    %jit3A_131 = arith.constant 511 : i32
    %max3A_132 = vector.broadcast %jit3A_130 : i32 to vector<16xi32>
    %max3A_133 = arith.maxsi %max3A_132, %sub3A_122 : vector<16xi32>
    %min3A_134 = vector.broadcast %jit3A_131 : i32 to vector<16xi32>
    %min3A_135 = arith.minsi %min3A_134, %max3A_133 : vector<16xi32>
    tpu.vector_store_idx %arg10[%min3A_135], %broadcast_in_dim3A_42 masked %and3A_129 : memref<512xf32, #tpu.memory_space<vmem>>[vector<16xi32>], vector<16xf32>, vector<16xi1>
    %get3A_136 = arith.constant 32 : index
    %get3A_137 = tpu.vector_load %arg11[%get3A_136] {strides = array<i32>} : memref<512xi32, #tpu.memory_space<vmem>>, vector<16xi32>,
    %sub3A_138 = vector.broadcast %mul3A_32 : i32 to vector<16xi32>
    %sub3A_139 = arith.subi %get3A_137, %sub3A_138 : vector<16xi32>
    %ge3A_140 = arith.constant 0 : i32
    %ge3A_141 = vector.broadcast %ge3A_140 : i32 to vector<16xi32>
    %ge3A_142 = arith.cmpi sge, %sub3A_139, %ge3A_141 : vector<16xi32>
    %lt3A_143 = arith.constant 512 : i32
    %lt3A_144 = vector.broadcast %lt3A_143 : i32 to vector<16xi32>
    %lt3A_145 = arith.cmpi slt, %sub3A_139, %lt3A_144 : vector<16xi32>
    %and3A_146 = arith.andi %ge3A_142, %lt3A_145 : vector<16xi1>
    %jit3A_147 = arith.constant 0 : i32
    %jit3A_148 = arith.constant 511 : i32
    %max3A_149 = vector.broadcast %jit3A_147 : i32 to vector<16xi32>
    %max3A_150 = arith.maxsi %max3A_149, %sub3A_139 : vector<16xi32>
    %min3A_151 = vector.broadcast %jit3A_148 : i32 to vector<16xi32>
    %min3A_152 = arith.minsi %min3A_151, %max3A_150 : vector<16xi32>
    tpu.vector_store_idx %arg10[%min3A_152], %broadcast_in_dim3A_42 masked %and3A_146 : memref<512xf32, #tpu.memory_space<vmem>>[vector<16xi32>], vector<16xf32>, vector<16xi1>
    %get3A_153 = arith.constant 48 : index
    %get3A_154 = tpu.vector_load %arg11[%get3A_153] {strides = array<i32>} : memref<512xi32, #tpu.memory_space<vmem>>, vector<16xi32>,
    %sub3A_155 = vector.broadcast %mul3A_32 : i32 to vector<16xi32>
    %sub3A_156 = arith.subi %get3A_154, %sub3A_155 : vector<16xi32>
    %ge3A_157 = arith.constant 0 : i32
    %ge3A_158 = vector.broadcast %ge3A_157 : i32 to vector<16xi32>
    %ge3A_159 = arith.cmpi sge, %sub3A_156, %ge3A_158 : vector<16xi32>
    %lt3A_160 = arith.constant 512 : i32
    %lt3A_161 = vector.broadcast %lt3A_160 : i32 to vector<16xi32>
    %lt3A_162 = arith.cmpi slt, %sub3A_156, %lt3A_161 : vector<16xi32>
    %and3A_163 = arith.andi %ge3A_159, %lt3A_162 : vector<16xi1>
    %jit3A_164 = arith.constant 0 : i32
    %jit3A_165 = arith.constant 511 : i32
    %max3A_166 = vector.broadcast %jit3A_164 : i32 to vector<16xi32>
    %max3A_167 = arith.maxsi %max3A_166, %sub3A_156 : vector<16xi32>
    %min3A_168 = vector.broadcast %jit3A_165 : i32 to vector<16xi32>
    %min3A_169 = arith.minsi %min3A_168, %max3A_167 : vector<16xi32>
    tpu.vector_store_idx %arg10[%min3A_169], %broadcast_in_dim3A_42 masked %and3A_163 : memref<512xf32, #tpu.memory_space<vmem>>[vector<16xi32>], vector<16xf32>, vector<16xi1>
    %get3A_170 = arith.constant 64 : index
    %get3A_171 = tpu.vector_load %arg11[%get3A_170] {strides = array<i32>} : memref<512xi32, #tpu.memory_space<vmem>>, vector<16xi32>,
    %sub3A_172 = vector.broadcast %mul3A_32 : i32 to vector<16xi32>
    %sub3A_173 = arith.subi %get3A_171, %sub3A_172 : vector<16xi32>
    %ge3A_174 = arith.constant 0 : i32
    %ge3A_175 = vector.broadcast %ge3A_174 : i32 to vector<16xi32>
    %ge3A_176 = arith.cmpi sge, %sub3A_173, %ge3A_175 : vector<16xi32>
    %lt3A_177 = arith.constant 512 : i32
    %lt3A_178 = vector.broadcast %lt3A_177 : i32 to vector<16xi32>
    %lt3A_179 = arith.cmpi slt, %sub3A_173, %lt3A_178 : vector<16xi32>
    %and3A_180 = arith.andi %ge3A_176, %lt3A_179 : vector<16xi1>
    %jit3A_181 = arith.constant 0 : i32
    %jit3A_182 = arith.constant 511 : i32
    %max3A_183 = vector.broadcast %jit3A_181 : i32 to vector<16xi32>
    %max3A_184 = arith.maxsi %max3A_183, %sub3A_173 : vector<16xi32>
    %min3A_185 = vector.broadcast %jit3A_182 : i32 to vector<16xi32>
    %min3A_186 = arith.minsi %min3A_185, %max3A_184 : vector<16xi32>
    tpu.vector_store_idx %arg10[%min3A_186], %broadcast_in_dim3A_42 masked %and3A_180 : memref<512xf32, #tpu.memory_space<vmem>>[vector<16xi32>], vector<16xf32>, vector<16xi1>
    %get3A_187 = arith.constant 80 : index
    %get3A_188 = tpu.vector_load %arg11[%get3A_187] {strides = array<i32>} : memref<512xi32, #tpu.memory_space<vmem>>, vector<16xi32>,
    %sub3A_189 = vector.broadcast %mul3A_32 : i32 to vector<16xi32>
    %sub3A_190 = arith.subi %get3A_188, %sub3A_189 : vector<16xi32>
    %ge3A_191 = arith.constant 0 : i32
    %ge3A_192 = vector.broadcast %ge3A_191 : i32 to vector<16xi32>
    %ge3A_193 = arith.cmpi sge, %sub3A_190, %ge3A_192 : vector<16xi32>
    %lt3A_194 = arith.constant 512 : i32
    %lt3A_195 = vector.broadcast %lt3A_194 : i32 to vector<16xi32>
    %lt3A_196 = arith.cmpi slt, %sub3A_190, %lt3A_195 : vector<16xi32>
    %and3A_197 = arith.andi %ge3A_193, %lt3A_196 : vector<16xi1>
    %jit3A_198 = arith.constant 0 : i32
    %jit3A_199 = arith.constant 511 : i32
    %max3A_200 = vector.broadcast %jit3A_198 : i32 to vector<16xi32>
    %max3A_201 = arith.maxsi %max3A_200, %sub3A_190 : vector<16xi32>
    %min3A_202 = vector.broadcast %jit3A_199 : i32 to vector<16xi32>
    %min3A_203 = arith.minsi %min3A_202, %max3A_201 : vector<16xi32>
    tpu.vector_store_idx %arg10[%min3A_203], %broadcast_in_dim3A_42 masked %and3A_197 : memref<512xf32, #tpu.memory_space<vmem>>[vector<16xi32>], vector<16xf32>, vector<16xi1>
    %get3A_204 = arith.constant 96 : index
    %get3A_205 = tpu.vector_load %arg11[%get3A_204] {strides = array<i32>} : memref<512xi32, #tpu.memory_space<vmem>>, vector<16xi32>,
    %sub3A_206 = vector.broadcast %mul3A_32 : i32 to vector<16xi32>
    %sub3A_207 = arith.subi %get3A_205, %sub3A_206 : vector<16xi32>
    %ge3A_208 = arith.constant 0 : i32
    %ge3A_209 = vector.broadcast %ge3A_208 : i32 to vector<16xi32>
    %ge3A_210 = arith.cmpi sge, %sub3A_207, %ge3A_209 : vector<16xi32>
    %lt3A_211 = arith.constant 512 : i32
    %lt3A_212 = vector.broadcast %lt3A_211 : i32 to vector<16xi32>
    %lt3A_213 = arith.cmpi slt, %sub3A_207, %lt3A_212 : vector<16xi32>
    %and3A_214 = arith.andi %ge3A_210, %lt3A_213 : vector<16xi1>
    %jit3A_215 = arith.constant 0 : i32
    %jit3A_216 = arith.constant 511 : i32
    %max3A_217 = vector.broadcast %jit3A_215 : i32 to vector<16xi32>
    %max3A_218 = arith.maxsi %max3A_217, %sub3A_207 : vector<16xi32>
    %min3A_219 = vector.broadcast %jit3A_216 : i32 to vector<16xi32>
    %min3A_220 = arith.minsi %min3A_219, %max3A_218 : vector<16xi32>
    tpu.vector_store_idx %arg10[%min3A_220], %broadcast_in_dim3A_42 masked %and3A_214 : memref<512xf32, #tpu.memory_space<vmem>>[vector<16xi32>], vector<16xf32>, vector<16xi1>
    %get3A_221 = arith.constant 112 : index
    %get3A_222 = tpu.vector_load %arg11[%get3A_221] {strides = array<i32>} : memref<512xi32, #tpu.memory_space<vmem>>, vector<16xi32>,
    %sub3A_223 = vector.broadcast %mul3A_32 : i32 to vector<16xi32>
    %sub3A_224 = arith.subi %get3A_222, %sub3A_223 : vector<16xi32>
    %ge3A_225 = arith.constant 0 : i32
    %ge3A_226 = vector.broadcast %ge3A_225 : i32 to vector<16xi32>
    %ge3A_227 = arith.cmpi sge, %sub3A_224, %ge3A_226 : vector<16xi32>
    %lt3A_228 = arith.constant 512 : i32
    %lt3A_229 = vector.broadcast %lt3A_228 : i32 to vector<16xi32>
    %lt3A_230 = arith.cmpi slt, %sub3A_224, %lt3A_229 : vector<16xi32>
    %and3A_231 = arith.andi %ge3A_227, %lt3A_230 : vector<16xi1>
    %jit3A_232 = arith.constant 0 : i32
    %jit3A_233 = arith.constant 511 : i32
    %max3A_234 = vector.broadcast %jit3A_232 : i32 to vector<16xi32>
    %max3A_235 = arith.maxsi %max3A_234, %sub3A_224 : vector<16xi32>
    %min3A_236 = vector.broadcast %jit3A_233 : i32 to vector<16xi32>
    %min3A_237 = arith.minsi %min3A_236, %max3A_235 : vector<16xi32>
    tpu.vector_store_idx %arg10[%min3A_237], %broadcast_in_dim3A_42 masked %and3A_231 : memref<512xf32, #tpu.memory_space<vmem>>[vector<16xi32>], vector<16xf32>, vector<16xi1>
    %get3A_238 = arith.constant 128 : index
    %get3A_239 = tpu.vector_load %arg11[%get3A_238] {strides = array<i32>} : memref<512xi32, #tpu.memory_space<vmem>>, vector<16xi32>,
    %sub3A_240 = vector.broadcast %mul3A_32 : i32 to vector<16xi32>
    %sub3A_241 = arith.subi %get3A_239, %sub3A_240 : vector<16xi32>
    %ge3A_242 = arith.constant 0 : i32
    %ge3A_243 = vector.broadcast %ge3A_242 : i32 to vector<16xi32>
    %ge3A_244 = arith.cmpi sge, %sub3A_241, %ge3A_243 : vector<16xi32>
    %lt3A_245 = arith.constant 512 : i32
    %lt3A_246 = vector.broadcast %lt3A_245 : i32 to vector<16xi32>
    %lt3A_247 = arith.cmpi slt, %sub3A_241, %lt3A_246 : vector<16xi32>
    %and3A_248 = arith.andi %ge3A_244, %lt3A_247 : vector<16xi1>
    %jit3A_249 = arith.constant 0 : i32
    %jit3A_250 = arith.constant 511 : i32
    %max3A_251 = vector.broadcast %jit3A_249 : i32 to vector<16xi32>
    %max3A_252 = arith.maxsi %max3A_251, %sub3A_241 : vector<16xi32>
    %min3A_253 = vector.broadcast %jit3A_250 : i32 to vector<16xi32>
    %min3A_254 = arith.minsi %min3A_253, %max3A_252 : vector<16xi32>
    tpu.vector_store_idx %arg10[%min3A_254], %broadcast_in_dim3A_42 masked %and3A_248 : memref<512xf32, #tpu.memory_space<vmem>>[vector<16xi32>], vector<16xf32>, vector<16xi1>
    %get3A_255 = arith.constant 144 : index
    %get3A_256 = tpu.vector_load %arg11[%get3A_255] {strides = array<i32>} : memref<512xi32, #tpu.memory_space<vmem>>, vector<16xi32>,
    %sub3A_257 = vector.broadcast %mul3A_32 : i32 to vector<16xi32>
    %sub3A_258 = arith.subi %get3A_256, %sub3A_257 : vector<16xi32>
    %ge3A_259 = arith.constant 0 : i32
    %ge3A_260 = vector.broadcast %ge3A_259 : i32 to vector<16xi32>
    %ge3A_261 = arith.cmpi sge, %sub3A_258, %ge3A_260 : vector<16xi32>
    %lt3A_262 = arith.constant 512 : i32
    %lt3A_263 = vector.broadcast %lt3A_262 : i32 to vector<16xi32>
    %lt3A_264 = arith.cmpi slt, %sub3A_258, %lt3A_263 : vector<16xi32>
    %and3A_265 = arith.andi %ge3A_261, %lt3A_264 : vector<16xi1>
    %jit3A_266 = arith.constant 0 : i32
    %jit3A_267 = arith.constant 511 : i32
    %max3A_268 = vector.broadcast %jit3A_266 : i32 to vector<16xi32>
    %max3A_269 = arith.maxsi %max3A_268, %sub3A_258 : vector<16xi32>
    %min3A_270 = vector.broadcast %jit3A_267 : i32 to vector<16xi32>
    %min3A_271 = arith.minsi %min3A_270, %max3A_269 : vector<16xi32>
    tpu.vector_store_idx %arg10[%min3A_271], %broadcast_in_dim3A_42 masked %and3A_265 : memref<512xf32, #tpu.memory_space<vmem>>[vector<16xi32>], vector<16xf32>, vector<16xi1>
    %get3A_272 = arith.constant 160 : index
    %get3A_273 = tpu.vector_load %arg11[%get3A_272] {strides = array<i32>} : memref<512xi32, #tpu.memory_space<vmem>>, vector<16xi32>,
    %sub3A_274 = vector.broadcast %mul3A_32 : i32 to vector<16xi32>
    %sub3A_275 = arith.subi %get3A_273, %sub3A_274 : vector<16xi32>
    %ge3A_276 = arith.constant 0 : i32
    %ge3A_277 = vector.broadcast %ge3A_276 : i32 to vector<16xi32>
    %ge3A_278 = arith.cmpi sge, %sub3A_275, %ge3A_277 : vector<16xi32>
    %lt3A_279 = arith.constant 512 : i32
    %lt3A_280 = vector.broadcast %lt3A_279 : i32 to vector<16xi32>
    %lt3A_281 = arith.cmpi slt, %sub3A_275, %lt3A_280 : vector<16xi32>
    %and3A_282 = arith.andi %ge3A_278, %lt3A_281 : vector<16xi1>
    %jit3A_283 = arith.constant 0 : i32
    %jit3A_284 = arith.constant 511 : i32
    %max3A_285 = vector.broadcast %jit3A_283 : i32 to vector<16xi32>
    %max3A_286 = arith.maxsi %max3A_285, %sub3A_275 : vector<16xi32>
    %min3A_287 = vector.broadcast %jit3A_284 : i32 to vector<16xi32>
    %min3A_288 = arith.minsi %min3A_287, %max3A_286 : vector<16xi32>
    tpu.vector_store_idx %arg10[%min3A_288], %broadcast_in_dim3A_42 masked %and3A_282 : memref<512xf32, #tpu.memory_space<vmem>>[vector<16xi32>], vector<16xf32>, vector<16xi1>
    %get3A_289 = arith.constant 176 : index
    %get3A_290 = tpu.vector_load %arg11[%get3A_289] {strides = array<i32>} : memref<512xi32, #tpu.memory_space<vmem>>, vector<16xi32>,
    %sub3A_291 = vector.broadcast %mul3A_32 : i32 to vector<16xi32>
    %sub3A_292 = arith.subi %get3A_290, %sub3A_291 : vector<16xi32>
    %ge3A_293 = arith.constant 0 : i32
    %ge3A_294 = vector.broadcast %ge3A_293 : i32 to vector<16xi32>
    %ge3A_295 = arith.cmpi sge, %sub3A_292, %ge3A_294 : vector<16xi32>
    %lt3A_296 = arith.constant 512 : i32
    %lt3A_297 = vector.broadcast %lt3A_296 : i32 to vector<16xi32>
    %lt3A_298 = arith.cmpi slt, %sub3A_292, %lt3A_297 : vector<16xi32>
    %and3A_299 = arith.andi %ge3A_295, %lt3A_298 : vector<16xi1>
    %jit3A_300 = arith.constant 0 : i32
    %jit3A_301 = arith.constant 511 : i32
    %max3A_302 = vector.broadcast %jit3A_300 : i32 to vector<16xi32>
    %max3A_303 = arith.maxsi %max3A_302, %sub3A_292 : vector<16xi32>
    %min3A_304 = vector.broadcast %jit3A_301 : i32 to vector<16xi32>
    %min3A_305 = arith.minsi %min3A_304, %max3A_303 : vector<16xi32>
    tpu.vector_store_idx %arg10[%min3A_305], %broadcast_in_dim3A_42 masked %and3A_299 : memref<512xf32, #tpu.memory_space<vmem>>[vector<16xi32>], vector<16xf32>, vector<16xi1>
    %get3A_306 = arith.constant 192 : index
    %get3A_307 = tpu.vector_load %arg11[%get3A_306] {strides = array<i32>} : memref<512xi32, #tpu.memory_space<vmem>>, vector<16xi32>,
    %sub3A_308 = vector.broadcast %mul3A_32 : i32 to vector<16xi32>
    %sub3A_309 = arith.subi %get3A_307, %sub3A_308 : vector<16xi32>
    %ge3A_310 = arith.constant 0 : i32
    %ge3A_311 = vector.broadcast %ge3A_310 : i32 to vector<16xi32>
    %ge3A_312 = arith.cmpi sge, %sub3A_309, %ge3A_311 : vector<16xi32>
    %lt3A_313 = arith.constant 512 : i32
    %lt3A_314 = vector.broadcast %lt3A_313 : i32 to vector<16xi32>
    %lt3A_315 = arith.cmpi slt, %sub3A_309, %lt3A_314 : vector<16xi32>
    %and3A_316 = arith.andi %ge3A_312, %lt3A_315 : vector<16xi1>
    %jit3A_317 = arith.constant 0 : i32
    %jit3A_318 = arith.constant 511 : i32
    %max3A_319 = vector.broadcast %jit3A_317 : i32 to vector<16xi32>
    %max3A_320 = arith.maxsi %max3A_319, %sub3A_309 : vector<16xi32>
    %min3A_321 = vector.broadcast %jit3A_318 : i32 to vector<16xi32>
    %min3A_322 = arith.minsi %min3A_321, %max3A_320 : vector<16xi32>
    tpu.vector_store_idx %arg10[%min3A_322], %broadcast_in_dim3A_42 masked %and3A_316 : memref<512xf32, #tpu.memory_space<vmem>>[vector<16xi32>], vector<16xf32>, vector<16xi1>
    %get3A_323 = arith.constant 208 : index
    %get3A_324 = tpu.vector_load %arg11[%get3A_323] {strides = array<i32>} : memref<512xi32, #tpu.memory_space<vmem>>, vector<16xi32>,
    %sub3A_325 = vector.broadcast %mul3A_32 : i32 to vector<16xi32>
    %sub3A_326 = arith.subi %get3A_324, %sub3A_325 : vector<16xi32>
    %ge3A_327 = arith.constant 0 : i32
    %ge3A_328 = vector.broadcast %ge3A_327 : i32 to vector<16xi32>
    %ge3A_329 = arith.cmpi sge, %sub3A_326, %ge3A_328 : vector<16xi32>
    %lt3A_330 = arith.constant 512 : i32
    %lt3A_331 = vector.broadcast %lt3A_330 : i32 to vector<16xi32>
    %lt3A_332 = arith.cmpi slt, %sub3A_326, %lt3A_331 : vector<16xi32>
    %and3A_333 = arith.andi %ge3A_329, %lt3A_332 : vector<16xi1>
    %jit3A_334 = arith.constant 0 : i32
    %jit3A_335 = arith.constant 511 : i32
    %max3A_336 = vector.broadcast %jit3A_334 : i32 to vector<16xi32>
    %max3A_337 = arith.maxsi %max3A_336, %sub3A_326 : vector<16xi32>
    %min3A_338 = vector.broadcast %jit3A_335 : i32 to vector<16xi32>
    %min3A_339 = arith.minsi %min3A_338, %max3A_337 : vector<16xi32>
    tpu.vector_store_idx %arg10[%min3A_339], %broadcast_in_dim3A_42 masked %and3A_333 : memref<512xf32, #tpu.memory_space<vmem>>[vector<16xi32>], vector<16xf32>, vector<16xi1>
    %get3A_340 = arith.constant 224 : index
    %get3A_341 = tpu.vector_load %arg11[%get3A_340] {strides = array<i32>} : memref<512xi32, #tpu.memory_space<vmem>>, vector<16xi32>,
    %sub3A_342 = vector.broadcast %mul3A_32 : i32 to vector<16xi32>
    %sub3A_343 = arith.subi %get3A_341, %sub3A_342 : vector<16xi32>
    %ge3A_344 = arith.constant 0 : i32
    %ge3A_345 = vector.broadcast %ge3A_344 : i32 to vector<16xi32>
    %ge3A_346 = arith.cmpi sge, %sub3A_343, %ge3A_345 : vector<16xi32>
    %lt3A_347 = arith.constant 512 : i32
    %lt3A_348 = vector.broadcast %lt3A_347 : i32 to vector<16xi32>
    %lt3A_349 = arith.cmpi slt, %sub3A_343, %lt3A_348 : vector<16xi32>
    %and3A_350 = arith.andi %ge3A_346, %lt3A_349 : vector<16xi1>
    %jit3A_351 = arith.constant 0 : i32
    %jit3A_352 = arith.constant 511 : i32
    %max3A_353 = vector.broadcast %jit3A_351 : i32 to vector<16xi32>
    %max3A_354 = arith.maxsi %max3A_353, %sub3A_343 : vector<16xi32>
    %min3A_355 = vector.broadcast %jit3A_352 : i32 to vector<16xi32>
    %min3A_356 = arith.minsi %min3A_355, %max3A_354 : vector<16xi32>
    tpu.vector_store_idx %arg10[%min3A_356], %broadcast_in_dim3A_42 masked %and3A_350 : memref<512xf32, #tpu.memory_space<vmem>>[vector<16xi32>], vector<16xf32>, vector<16xi1>
    %get3A_357 = arith.constant 240 : index
    %get3A_358 = tpu.vector_load %arg11[%get3A_357] {strides = array<i32>} : memref<512xi32, #tpu.memory_space<vmem>>, vector<16xi32>,
    %sub3A_359 = vector.broadcast %mul3A_32 : i32 to vector<16xi32>
    %sub3A_360 = arith.subi %get3A_358, %sub3A_359 : vector<16xi32>
    %ge3A_361 = arith.constant 0 : i32
    %ge3A_362 = vector.broadcast %ge3A_361 : i32 to vector<16xi32>
    %ge3A_363 = arith.cmpi sge, %sub3A_360, %ge3A_362 : vector<16xi32>
    %lt3A_364 = arith.constant 512 : i32
    %lt3A_365 = vector.broadcast %lt3A_364 : i32 to vector<16xi32>
    %lt3A_366 = arith.cmpi slt, %sub3A_360, %lt3A_365 : vector<16xi32>
    %and3A_367 = arith.andi %ge3A_363, %lt3A_366 : vector<16xi1>
    %jit3A_368 = arith.constant 0 : i32
    %jit3A_369 = arith.constant 511 : i32
    %max3A_370 = vector.broadcast %jit3A_368 : i32 to vector<16xi32>
    %max3A_371 = arith.maxsi %max3A_370, %sub3A_360 : vector<16xi32>
    %min3A_372 = vector.broadcast %jit3A_369 : i32 to vector<16xi32>
    %min3A_373 = arith.minsi %min3A_372, %max3A_371 : vector<16xi32>
    tpu.vector_store_idx %arg10[%min3A_373], %broadcast_in_dim3A_42 masked %and3A_367 : memref<512xf32, #tpu.memory_space<vmem>>[vector<16xi32>], vector<16xf32>, vector<16xi1>
    %get3A_374 = arith.constant 256 : index
    %get3A_375 = tpu.vector_load %arg11[%get3A_374] {strides = array<i32>} : memref<512xi32, #tpu.memory_space<vmem>>, vector<16xi32>,
    %sub3A_376 = vector.broadcast %mul3A_32 : i32 to vector<16xi32>
    %sub3A_377 = arith.subi %get3A_375, %sub3A_376 : vector<16xi32>
    %ge3A_378 = arith.constant 0 : i32
    %ge3A_379 = vector.broadcast %ge3A_378 : i32 to vector<16xi32>
    %ge3A_380 = arith.cmpi sge, %sub3A_377, %ge3A_379 : vector<16xi32>
    %lt3A_381 = arith.constant 512 : i32
    %lt3A_382 = vector.broadcast %lt3A_381 : i32 to vector<16xi32>
    %lt3A_383 = arith.cmpi slt, %sub3A_377, %lt3A_382 : vector<16xi32>
    %and3A_384 = arith.andi %ge3A_380, %lt3A_383 : vector<16xi1>
    %jit3A_385 = arith.constant 0 : i32
    %jit3A_386 = arith.constant 511 : i32
    %max3A_387 = vector.broadcast %jit3A_385 : i32 to vector<16xi32>
    %max3A_388 = arith.maxsi %max3A_387, %sub3A_377 : vector<16xi32>
    %min3A_389 = vector.broadcast %jit3A_386 : i32 to vector<16xi32>
    %min3A_390 = arith.minsi %min3A_389, %max3A_388 : vector<16xi32>
    tpu.vector_store_idx %arg10[%min3A_390], %broadcast_in_dim3A_42 masked %and3A_384 : memref<512xf32, #tpu.memory_space<vmem>>[vector<16xi32>], vector<16xf32>, vector<16xi1>
    %get3A_391 = arith.constant 272 : index
    %get3A_392 = tpu.vector_load %arg11[%get3A_391] {strides = array<i32>} : memref<512xi32, #tpu.memory_space<vmem>>, vector<16xi32>,
    %sub3A_393 = vector.broadcast %mul3A_32 : i32 to vector<16xi32>
    %sub3A_394 = arith.subi %get3A_392, %sub3A_393 : vector<16xi32>
    %ge3A_395 = arith.constant 0 : i32
    %ge3A_396 = vector.broadcast %ge3A_395 : i32 to vector<16xi32>
    %ge3A_397 = arith.cmpi sge, %sub3A_394, %ge3A_396 : vector<16xi32>
    %lt3A_398 = arith.constant 512 : i32
    %lt3A_399 = vector.broadcast %lt3A_398 : i32 to vector<16xi32>
    %lt3A_400 = arith.cmpi slt, %sub3A_394, %lt3A_399 : vector<16xi32>
    %and3A_401 = arith.andi %ge3A_397, %lt3A_400 : vector<16xi1>
    %jit3A_402 = arith.constant 0 : i32
    %jit3A_403 = arith.constant 511 : i32
    %max3A_404 = vector.broadcast %jit3A_402 : i32 to vector<16xi32>
    %max3A_405 = arith.maxsi %max3A_404, %sub3A_394 : vector<16xi32>
    %min3A_406 = vector.broadcast %jit3A_403 : i32 to vector<16xi32>
    %min3A_407 = arith.minsi %min3A_406, %max3A_405 : vector<16xi32>
    tpu.vector_store_idx %arg10[%min3A_407], %broadcast_in_dim3A_42 masked %and3A_401 : memref<512xf32, #tpu.memory_space<vmem>>[vector<16xi32>], vector<16xf32>, vector<16xi1>
    %get3A_408 = arith.constant 288 : index
    %get3A_409 = tpu.vector_load %arg11[%get3A_408] {strides = array<i32>} : memref<512xi32, #tpu.memory_space<vmem>>, vector<16xi32>,
    %sub3A_410 = vector.broadcast %mul3A_32 : i32 to vector<16xi32>
    %sub3A_411 = arith.subi %get3A_409, %sub3A_410 : vector<16xi32>
    %ge3A_412 = arith.constant 0 : i32
    %ge3A_413 = vector.broadcast %ge3A_412 : i32 to vector<16xi32>
    %ge3A_414 = arith.cmpi sge, %sub3A_411, %ge3A_413 : vector<16xi32>
    %lt3A_415 = arith.constant 512 : i32
    %lt3A_416 = vector.broadcast %lt3A_415 : i32 to vector<16xi32>
    %lt3A_417 = arith.cmpi slt, %sub3A_411, %lt3A_416 : vector<16xi32>
    %and3A_418 = arith.andi %ge3A_414, %lt3A_417 : vector<16xi1>
    %jit3A_419 = arith.constant 0 : i32
    %jit3A_420 = arith.constant 511 : i32
    %max3A_421 = vector.broadcast %jit3A_419 : i32 to vector<16xi32>
    %max3A_422 = arith.maxsi %max3A_421, %sub3A_411 : vector<16xi32>
    %min3A_423 = vector.broadcast %jit3A_420 : i32 to vector<16xi32>
    %min3A_424 = arith.minsi %min3A_423, %max3A_422 : vector<16xi32>
    tpu.vector_store_idx %arg10[%min3A_424], %broadcast_in_dim3A_42 masked %and3A_418 : memref<512xf32, #tpu.memory_space<vmem>>[vector<16xi32>], vector<16xf32>, vector<16xi1>
    %get3A_425 = arith.constant 304 : index
    %get3A_426 = tpu.vector_load %arg11[%get3A_425] {strides = array<i32>} : memref<512xi32, #tpu.memory_space<vmem>>, vector<16xi32>,
    %sub3A_427 = vector.broadcast %mul3A_32 : i32 to vector<16xi32>
    %sub3A_428 = arith.subi %get3A_426, %sub3A_427 : vector<16xi32>
    %ge3A_429 = arith.constant 0 : i32
    %ge3A_430 = vector.broadcast %ge3A_429 : i32 to vector<16xi32>
    %ge3A_431 = arith.cmpi sge, %sub3A_428, %ge3A_430 : vector<16xi32>
    %lt3A_432 = arith.constant 512 : i32
    %lt3A_433 = vector.broadcast %lt3A_432 : i32 to vector<16xi32>
    %lt3A_434 = arith.cmpi slt, %sub3A_428, %lt3A_433 : vector<16xi32>
    %and3A_435 = arith.andi %ge3A_431, %lt3A_434 : vector<16xi1>
    %jit3A_436 = arith.constant 0 : i32
    %jit3A_437 = arith.constant 511 : i32
    %max3A_438 = vector.broadcast %jit3A_436 : i32 to vector<16xi32>
    %max3A_439 = arith.maxsi %max3A_438, %sub3A_428 : vector<16xi32>
    %min3A_440 = vector.broadcast %jit3A_437 : i32 to vector<16xi32>
    %min3A_441 = arith.minsi %min3A_440, %max3A_439 : vector<16xi32>
    tpu.vector_store_idx %arg10[%min3A_441], %broadcast_in_dim3A_42 masked %and3A_435 : memref<512xf32, #tpu.memory_space<vmem>>[vector<16xi32>], vector<16xf32>, vector<16xi1>
    %get3A_442 = arith.constant 320 : index
    %get3A_443 = tpu.vector_load %arg11[%get3A_442] {strides = array<i32>} : memref<512xi32, #tpu.memory_space<vmem>>, vector<16xi32>,
    %sub3A_444 = vector.broadcast %mul3A_32 : i32 to vector<16xi32>
    %sub3A_445 = arith.subi %get3A_443, %sub3A_444 : vector<16xi32>
    %ge3A_446 = arith.constant 0 : i32
    %ge3A_447 = vector.broadcast %ge3A_446 : i32 to vector<16xi32>
    %ge3A_448 = arith.cmpi sge, %sub3A_445, %ge3A_447 : vector<16xi32>
    %lt3A_449 = arith.constant 512 : i32
    %lt3A_450 = vector.broadcast %lt3A_449 : i32 to vector<16xi32>
    %lt3A_451 = arith.cmpi slt, %sub3A_445, %lt3A_450 : vector<16xi32>
    %and3A_452 = arith.andi %ge3A_448, %lt3A_451 : vector<16xi1>
    %jit3A_453 = arith.constant 0 : i32
    %jit3A_454 = arith.constant 511 : i32
    %max3A_455 = vector.broadcast %jit3A_453 : i32 to vector<16xi32>
    %max3A_456 = arith.maxsi %max3A_455, %sub3A_445 : vector<16xi32>
    %min3A_457 = vector.broadcast %jit3A_454 : i32 to vector<16xi32>
    %min3A_458 = arith.minsi %min3A_457, %max3A_456 : vector<16xi32>
    tpu.vector_store_idx %arg10[%min3A_458], %broadcast_in_dim3A_42 masked %and3A_452 : memref<512xf32, #tpu.memory_space<vmem>>[vector<16xi32>], vector<16xf32>, vector<16xi1>
    %get3A_459 = arith.constant 336 : index
    %get3A_460 = tpu.vector_load %arg11[%get3A_459] {strides = array<i32>} : memref<512xi32, #tpu.memory_space<vmem>>, vector<16xi32>,
    %sub3A_461 = vector.broadcast %mul3A_32 : i32 to vector<16xi32>
    %sub3A_462 = arith.subi %get3A_460, %sub3A_461 : vector<16xi32>
    %ge3A_463 = arith.constant 0 : i32
    %ge3A_464 = vector.broadcast %ge3A_463 : i32 to vector<16xi32>
    %ge3A_465 = arith.cmpi sge, %sub3A_462, %ge3A_464 : vector<16xi32>
    %lt3A_466 = arith.constant 512 : i32
    %lt3A_467 = vector.broadcast %lt3A_466 : i32 to vector<16xi32>
    %lt3A_468 = arith.cmpi slt, %sub3A_462, %lt3A_467 : vector<16xi32>
    %and3A_469 = arith.andi %ge3A_465, %lt3A_468 : vector<16xi1>
    %jit3A_470 = arith.constant 0 : i32
    %jit3A_471 = arith.constant 511 : i32
    %max3A_472 = vector.broadcast %jit3A_470 : i32 to vector<16xi32>
    %max3A_473 = arith.maxsi %max3A_472, %sub3A_462 : vector<16xi32>
    %min3A_474 = vector.broadcast %jit3A_471 : i32 to vector<16xi32>
    %min3A_475 = arith.minsi %min3A_474, %max3A_473 : vector<16xi32>
    tpu.vector_store_idx %arg10[%min3A_475], %broadcast_in_dim3A_42 masked %and3A_469 : memref<512xf32, #tpu.memory_space<vmem>>[vector<16xi32>], vector<16xf32>, vector<16xi1>
    %get3A_476 = arith.constant 352 : index
    %get3A_477 = tpu.vector_load %arg11[%get3A_476] {strides = array<i32>} : memref<512xi32, #tpu.memory_space<vmem>>, vector<16xi32>,
    %sub3A_478 = vector.broadcast %mul3A_32 : i32 to vector<16xi32>
    %sub3A_479 = arith.subi %get3A_477, %sub3A_478 : vector<16xi32>
    %ge3A_480 = arith.constant 0 : i32
    %ge3A_481 = vector.broadcast %ge3A_480 : i32 to vector<16xi32>
    %ge3A_482 = arith.cmpi sge, %sub3A_479, %ge3A_481 : vector<16xi32>
    %lt3A_483 = arith.constant 512 : i32
    %lt3A_484 = vector.broadcast %lt3A_483 : i32 to vector<16xi32>
    %lt3A_485 = arith.cmpi slt, %sub3A_479, %lt3A_484 : vector<16xi32>
    %and3A_486 = arith.andi %ge3A_482, %lt3A_485 : vector<16xi1>
    %jit3A_487 = arith.constant 0 : i32
    %jit3A_488 = arith.constant 511 : i32
    %max3A_489 = vector.broadcast %jit3A_487 : i32 to vector<16xi32>
    %max3A_490 = arith.maxsi %max3A_489, %sub3A_479 : vector<16xi32>
    %min3A_491 = vector.broadcast %jit3A_488 : i32 to vector<16xi32>
    %min3A_492 = arith.minsi %min3A_491, %max3A_490 : vector<16xi32>
    tpu.vector_store_idx %arg10[%min3A_492], %broadcast_in_dim3A_42 masked %and3A_486 : memref<512xf32, #tpu.memory_space<vmem>>[vector<16xi32>], vector<16xf32>, vector<16xi1>
    %get3A_493 = arith.constant 368 : index
    %get3A_494 = tpu.vector_load %arg11[%get3A_493] {strides = array<i32>} : memref<512xi32, #tpu.memory_space<vmem>>, vector<16xi32>,
    %sub3A_495 = vector.broadcast %mul3A_32 : i32 to vector<16xi32>
    %sub3A_496 = arith.subi %get3A_494, %sub3A_495 : vector<16xi32>
    %ge3A_497 = arith.constant 0 : i32
    %ge3A_498 = vector.broadcast %ge3A_497 : i32 to vector<16xi32>
    %ge3A_499 = arith.cmpi sge, %sub3A_496, %ge3A_498 : vector<16xi32>
    %lt3A_500 = arith.constant 512 : i32
    %lt3A_501 = vector.broadcast %lt3A_500 : i32 to vector<16xi32>
    %lt3A_502 = arith.cmpi slt, %sub3A_496, %lt3A_501 : vector<16xi32>
    %and3A_503 = arith.andi %ge3A_499, %lt3A_502 : vector<16xi1>
    %jit3A_504 = arith.constant 0 : i32
    %jit3A_505 = arith.constant 511 : i32
    %max3A_506 = vector.broadcast %jit3A_504 : i32 to vector<16xi32>
    %max3A_507 = arith.maxsi %max3A_506, %sub3A_496 : vector<16xi32>
    %min3A_508 = vector.broadcast %jit3A_505 : i32 to vector<16xi32>
    %min3A_509 = arith.minsi %min3A_508, %max3A_507 : vector<16xi32>
    tpu.vector_store_idx %arg10[%min3A_509], %broadcast_in_dim3A_42 masked %and3A_503 : memref<512xf32, #tpu.memory_space<vmem>>[vector<16xi32>], vector<16xf32>, vector<16xi1>
    %get3A_510 = arith.constant 384 : index
    %get3A_511 = tpu.vector_load %arg11[%get3A_510] {strides = array<i32>} : memref<512xi32, #tpu.memory_space<vmem>>, vector<16xi32>,
    %sub3A_512 = vector.broadcast %mul3A_32 : i32 to vector<16xi32>
    %sub3A_513 = arith.subi %get3A_511, %sub3A_512 : vector<16xi32>
    %ge3A_514 = arith.constant 0 : i32
    %ge3A_515 = vector.broadcast %ge3A_514 : i32 to vector<16xi32>
    %ge3A_516 = arith.cmpi sge, %sub3A_513, %ge3A_515 : vector<16xi32>
    %lt3A_517 = arith.constant 512 : i32
    %lt3A_518 = vector.broadcast %lt3A_517 : i32 to vector<16xi32>
    %lt3A_519 = arith.cmpi slt, %sub3A_513, %lt3A_518 : vector<16xi32>
    %and3A_520 = arith.andi %ge3A_516, %lt3A_519 : vector<16xi1>
    %jit3A_521 = arith.constant 0 : i32
    %jit3A_522 = arith.constant 511 : i32
    %max3A_523 = vector.broadcast %jit3A_521 : i32 to vector<16xi32>
    %max3A_524 = arith.maxsi %max3A_523, %sub3A_513 : vector<16xi32>
    %min3A_525 = vector.broadcast %jit3A_522 : i32 to vector<16xi32>
    %min3A_526 = arith.minsi %min3A_525, %max3A_524 : vector<16xi32>
    tpu.vector_store_idx %arg10[%min3A_526], %broadcast_in_dim3A_42 masked %and3A_520 : memref<512xf32, #tpu.memory_space<vmem>>[vector<16xi32>], vector<16xf32>, vector<16xi1>
    %get3A_527 = arith.constant 400 : index
    %get3A_528 = tpu.vector_load %arg11[%get3A_527] {strides = array<i32>} : memref<512xi32, #tpu.memory_space<vmem>>, vector<16xi32>,
    %sub3A_529 = vector.broadcast %mul3A_32 : i32 to vector<16xi32>
    %sub3A_530 = arith.subi %get3A_528, %sub3A_529 : vector<16xi32>
    %ge3A_531 = arith.constant 0 : i32
    %ge3A_532 = vector.broadcast %ge3A_531 : i32 to vector<16xi32>
    %ge3A_533 = arith.cmpi sge, %sub3A_530, %ge3A_532 : vector<16xi32>
    %lt3A_534 = arith.constant 512 : i32
    %lt3A_535 = vector.broadcast %lt3A_534 : i32 to vector<16xi32>
    %lt3A_536 = arith.cmpi slt, %sub3A_530, %lt3A_535 : vector<16xi32>
    %and3A_537 = arith.andi %ge3A_533, %lt3A_536 : vector<16xi1>
    %jit3A_538 = arith.constant 0 : i32
    %jit3A_539 = arith.constant 511 : i32
    %max3A_540 = vector.broadcast %jit3A_538 : i32 to vector<16xi32>
    %max3A_541 = arith.maxsi %max3A_540, %sub3A_530 : vector<16xi32>
    %min3A_542 = vector.broadcast %jit3A_539 : i32 to vector<16xi32>
    %min3A_543 = arith.minsi %min3A_542, %max3A_541 : vector<16xi32>
    tpu.vector_store_idx %arg10[%min3A_543], %broadcast_in_dim3A_42 masked %and3A_537 : memref<512xf32, #tpu.memory_space<vmem>>[vector<16xi32>], vector<16xf32>, vector<16xi1>
    %get3A_544 = arith.constant 416 : index
    %get3A_545 = tpu.vector_load %arg11[%get3A_544] {strides = array<i32>} : memref<512xi32, #tpu.memory_space<vmem>>, vector<16xi32>,
    %sub3A_546 = vector.broadcast %mul3A_32 : i32 to vector<16xi32>
    %sub3A_547 = arith.subi %get3A_545, %sub3A_546 : vector<16xi32>
    %ge3A_548 = arith.constant 0 : i32
    %ge3A_549 = vector.broadcast %ge3A_548 : i32 to vector<16xi32>
    %ge3A_550 = arith.cmpi sge, %sub3A_547, %ge3A_549 : vector<16xi32>
    %lt3A_551 = arith.constant 512 : i32
    %lt3A_552 = vector.broadcast %lt3A_551 : i32 to vector<16xi32>
    %lt3A_553 = arith.cmpi slt, %sub3A_547, %lt3A_552 : vector<16xi32>
    %and3A_554 = arith.andi %ge3A_550, %lt3A_553 : vector<16xi1>
    %jit3A_555 = arith.constant 0 : i32
    %jit3A_556 = arith.constant 511 : i32
    %max3A_557 = vector.broadcast %jit3A_555 : i32 to vector<16xi32>
    %max3A_558 = arith.maxsi %max3A_557, %sub3A_547 : vector<16xi32>
    %min3A_559 = vector.broadcast %jit3A_556 : i32 to vector<16xi32>
    %min3A_560 = arith.minsi %min3A_559, %max3A_558 : vector<16xi32>
    tpu.vector_store_idx %arg10[%min3A_560], %broadcast_in_dim3A_42 masked %and3A_554 : memref<512xf32, #tpu.memory_space<vmem>>[vector<16xi32>], vector<16xf32>, vector<16xi1>
    %get3A_561 = arith.constant 432 : index
    %get3A_562 = tpu.vector_load %arg11[%get3A_561] {strides = array<i32>} : memref<512xi32, #tpu.memory_space<vmem>>, vector<16xi32>,
    %sub3A_563 = vector.broadcast %mul3A_32 : i32 to vector<16xi32>
    %sub3A_564 = arith.subi %get3A_562, %sub3A_563 : vector<16xi32>
    %ge3A_565 = arith.constant 0 : i32
    %ge3A_566 = vector.broadcast %ge3A_565 : i32 to vector<16xi32>
    %ge3A_567 = arith.cmpi sge, %sub3A_564, %ge3A_566 : vector<16xi32>
    %lt3A_568 = arith.constant 512 : i32
    %lt3A_569 = vector.broadcast %lt3A_568 : i32 to vector<16xi32>
    %lt3A_570 = arith.cmpi slt, %sub3A_564, %lt3A_569 : vector<16xi32>
    %and3A_571 = arith.andi %ge3A_567, %lt3A_570 : vector<16xi1>
    %jit3A_572 = arith.constant 0 : i32
    %jit3A_573 = arith.constant 511 : i32
    %max3A_574 = vector.broadcast %jit3A_572 : i32 to vector<16xi32>
    %max3A_575 = arith.maxsi %max3A_574, %sub3A_564 : vector<16xi32>
    %min3A_576 = vector.broadcast %jit3A_573 : i32 to vector<16xi32>
    %min3A_577 = arith.minsi %min3A_576, %max3A_575 : vector<16xi32>
    tpu.vector_store_idx %arg10[%min3A_577], %broadcast_in_dim3A_42 masked %and3A_571 : memref<512xf32, #tpu.memory_space<vmem>>[vector<16xi32>], vector<16xf32>, vector<16xi1>
    %get3A_578 = arith.constant 448 : index
    %get3A_579 = tpu.vector_load %arg11[%get3A_578] {strides = array<i32>} : memref<512xi32, #tpu.memory_space<vmem>>, vector<16xi32>,
    %sub3A_580 = vector.broadcast %mul3A_32 : i32 to vector<16xi32>
    %sub3A_581 = arith.subi %get3A_579, %sub3A_580 : vector<16xi32>
    %ge3A_582 = arith.constant 0 : i32
    %ge3A_583 = vector.broadcast %ge3A_582 : i32 to vector<16xi32>
    %ge3A_584 = arith.cmpi sge, %sub3A_581, %ge3A_583 : vector<16xi32>
    %lt3A_585 = arith.constant 512 : i32
    %lt3A_586 = vector.broadcast %lt3A_585 : i32 to vector<16xi32>
    %lt3A_587 = arith.cmpi slt, %sub3A_581, %lt3A_586 : vector<16xi32>
    %and3A_588 = arith.andi %ge3A_584, %lt3A_587 : vector<16xi1>
    %jit3A_589 = arith.constant 0 : i32
    %jit3A_590 = arith.constant 511 : i32
    %max3A_591 = vector.broadcast %jit3A_589 : i32 to vector<16xi32>
    %max3A_592 = arith.maxsi %max3A_591, %sub3A_581 : vector<16xi32>
    %min3A_593 = vector.broadcast %jit3A_590 : i32 to vector<16xi32>
    %min3A_594 = arith.minsi %min3A_593, %max3A_592 : vector<16xi32>
    tpu.vector_store_idx %arg10[%min3A_594], %broadcast_in_dim3A_42 masked %and3A_588 : memref<512xf32, #tpu.memory_space<vmem>>[vector<16xi32>], vector<16xf32>, vector<16xi1>
    %get3A_595 = arith.constant 464 : index
    %get3A_596 = tpu.vector_load %arg11[%get3A_595] {strides = array<i32>} : memref<512xi32, #tpu.memory_space<vmem>>, vector<16xi32>,
    %sub3A_597 = vector.broadcast %mul3A_32 : i32 to vector<16xi32>
    %sub3A_598 = arith.subi %get3A_596, %sub3A_597 : vector<16xi32>
    %ge3A_599 = arith.constant 0 : i32
    %ge3A_600 = vector.broadcast %ge3A_599 : i32 to vector<16xi32>
    %ge3A_601 = arith.cmpi sge, %sub3A_598, %ge3A_600 : vector<16xi32>
    %lt3A_602 = arith.constant 512 : i32
    %lt3A_603 = vector.broadcast %lt3A_602 : i32 to vector<16xi32>
    %lt3A_604 = arith.cmpi slt, %sub3A_598, %lt3A_603 : vector<16xi32>
    %and3A_605 = arith.andi %ge3A_601, %lt3A_604 : vector<16xi1>
    %jit3A_606 = arith.constant 0 : i32
    %jit3A_607 = arith.constant 511 : i32
    %max3A_608 = vector.broadcast %jit3A_606 : i32 to vector<16xi32>
    %max3A_609 = arith.maxsi %max3A_608, %sub3A_598 : vector<16xi32>
    %min3A_610 = vector.broadcast %jit3A_607 : i32 to vector<16xi32>
    %min3A_611 = arith.minsi %min3A_610, %max3A_609 : vector<16xi32>
    tpu.vector_store_idx %arg10[%min3A_611], %broadcast_in_dim3A_42 masked %and3A_605 : memref<512xf32, #tpu.memory_space<vmem>>[vector<16xi32>], vector<16xf32>, vector<16xi1>
    %get3A_612 = arith.constant 480 : index
    %get3A_613 = tpu.vector_load %arg11[%get3A_612] {strides = array<i32>} : memref<512xi32, #tpu.memory_space<vmem>>, vector<16xi32>,
    %sub3A_614 = vector.broadcast %mul3A_32 : i32 to vector<16xi32>
    %sub3A_615 = arith.subi %get3A_613, %sub3A_614 : vector<16xi32>
    %ge3A_616 = arith.constant 0 : i32
    %ge3A_617 = vector.broadcast %ge3A_616 : i32 to vector<16xi32>
    %ge3A_618 = arith.cmpi sge, %sub3A_615, %ge3A_617 : vector<16xi32>
    %lt3A_619 = arith.constant 512 : i32
    %lt3A_620 = vector.broadcast %lt3A_619 : i32 to vector<16xi32>
    %lt3A_621 = arith.cmpi slt, %sub3A_615, %lt3A_620 : vector<16xi32>
    %and3A_622 = arith.andi %ge3A_618, %lt3A_621 : vector<16xi1>
    %jit3A_623 = arith.constant 0 : i32
    %jit3A_624 = arith.constant 511 : i32
    %max3A_625 = vector.broadcast %jit3A_623 : i32 to vector<16xi32>
    %max3A_626 = arith.maxsi %max3A_625, %sub3A_615 : vector<16xi32>
    %min3A_627 = vector.broadcast %jit3A_624 : i32 to vector<16xi32>
    %min3A_628 = arith.minsi %min3A_627, %max3A_626 : vector<16xi32>
    tpu.vector_store_idx %arg10[%min3A_628], %broadcast_in_dim3A_42 masked %and3A_622 : memref<512xf32, #tpu.memory_space<vmem>>[vector<16xi32>], vector<16xf32>, vector<16xi1>
    %get3A_629 = arith.constant 496 : index
    %get3A_630 = tpu.vector_load %arg11[%get3A_629] {strides = array<i32>} : memref<512xi32, #tpu.memory_space<vmem>>, vector<16xi32>,
    %sub3A_631 = vector.broadcast %mul3A_32 : i32 to vector<16xi32>
    %sub3A_632 = arith.subi %get3A_630, %sub3A_631 : vector<16xi32>
    %ge3A_633 = arith.constant 0 : i32
    %ge3A_634 = vector.broadcast %ge3A_633 : i32 to vector<16xi32>
    %ge3A_635 = arith.cmpi sge, %sub3A_632, %ge3A_634 : vector<16xi32>
    %lt3A_636 = arith.constant 512 : i32
    %lt3A_637 = vector.broadcast %lt3A_636 : i32 to vector<16xi32>
    %lt3A_638 = arith.cmpi slt, %sub3A_632, %lt3A_637 : vector<16xi32>
    %and3A_639 = arith.andi %ge3A_635, %lt3A_638 : vector<16xi1>
    %jit3A_640 = arith.constant 0 : i32
    %jit3A_641 = arith.constant 511 : i32
    %max3A_642 = vector.broadcast %jit3A_640 : i32 to vector<16xi32>
    %max3A_643 = arith.maxsi %max3A_642, %sub3A_632 : vector<16xi32>
    %min3A_644 = vector.broadcast %jit3A_641 : i32 to vector<16xi32>
    %min3A_645 = arith.minsi %min3A_644, %max3A_643 : vector<16xi32>
    tpu.vector_store_idx %arg10[%min3A_645], %broadcast_in_dim3A_42 masked %and3A_639 : memref<512xf32, #tpu.memory_space<vmem>>[vector<16xi32>], vector<16xf32>, vector<16xi1>
    %scan3A = arith.constant 0 : i32
    %scan3A_646 = arith.constant 0 : i32
    %scan3A_647 = arith.constant 3 : i32
    %scan3A_648 = arith.addi %scan3A_646, %scan3A_647 : i32
    %scan3A_649 = arith.constant 1 : i32
    %scan3A_650 = scf.for %scan3A_714 = %scan3A_646 to %scan3A_648 step %scan3A_649 iter_args(%scan3A_715 = %scan3A) -> (i32)  : i32 {
      %mul3A_716 = arith.constant 5 : i32
      %mul3A_717 = arith.muli %scan3A_714, %mul3A_716 : i32
      %add3A_718 = arith.constant 0 : i32
      %add3A_719 = arith.addi %mul3A_717, %add3A_718 : i32
      %ge3A_720 = arith.constant 4 : i32
      %ge3A_721 = arith.cmpi sge, %add3A_719, %ge3A_720 : i32
      %convert_element_type3A = arith.extui %ge3A_721 : i1 to i32
      %cond3A = arith.constant 0 : i32
      %cond3A_722 = arith.cmpi ne, %convert_element_type3A, %cond3A : i32
      scf.if %cond3A_722 {
        %sub3A_920 = arith.constant 4 : i32
        %sub3A_921 = arith.subi %add3A_719, %sub3A_920 : i32
        %mul3A_922 = arith.constant 32 : i32
        %mul3A_923 = arith.muli %sub3A_921, %mul3A_922 : i32
        %add3A_924 = arith.addi %mul3A_32, %mul3A_923 : i32
        %dma_wait3A_925 = arith.constant 0 : i32
        %dma_wait3A_926 = tpu.memref_slice %arg4[%select_n3A, %add3A_924, %dma_wait3A_925] : memref<16x1024x768xf32, #tpu.memory_space<hbm>> -> memref<1x32x768xf32, #tpu.memory_space<hbm>>
        %dma_wait3A_927 = tpu.memref_squeeze %dma_wait3A_926 : memref<1x32x768xf32, #tpu.memory_space<hbm>> -> memref<32x768xf32, #tpu.memory_space<hbm>>
        %dma_wait3A_928 = arith.constant 0 : i32
        %dma_wait3A_929 = tpu.memref_slice %arg4[%select_n3A, %add3A_924, %dma_wait3A_928] : memref<16x1024x768xf32, #tpu.memory_space<hbm>> -> memref<1x32x768xf32, #tpu.memory_space<hbm>>
        %dma_wait3A_930 = tpu.memref_squeeze %dma_wait3A_929 : memref<1x32x768xf32, #tpu.memory_space<hbm>> -> memref<32x768xf32, #tpu.memory_space<hbm>>
        tpu.wait_dma2 semaphore(%arg18 : memref<!tpu.dma_semaphore, #tpu.memory_space<semaphore_mem>>) src(%arg6 : memref<32x768xf32, #tpu.memory_space<vmem>>) dst(%dma_wait3A_930 : memref<32x768xf32, #tpu.memory_space<hbm>>)
      } else {
      }
      %add3A_723 = arith.constant 1 : i32
      %add3A_724 = arith.addi %add3A_719, %add3A_723 : i32
      %lt3A_725 = arith.constant 16 : i32
      %lt3A_726 = arith.cmpi slt, %add3A_724, %lt3A_725 : i32
      %convert_element_type3A_727 = arith.extui %lt3A_726 : i1 to i32
      %cond3A_728 = arith.constant 0 : i32
      %cond3A_729 = arith.cmpi ne, %convert_element_type3A_727, %cond3A_728 : i32
      scf.if %cond3A_729 {
        %add3A_920 = arith.constant 1 : i32
        %add3A_921 = arith.addi %add3A_719, %add3A_920 : i32
        %mul3A_922 = arith.constant 32 : i32
        %mul3A_923 = arith.muli %add3A_921, %mul3A_922 : i32
        %add3A_924 = arith.addi %mul3A_32, %mul3A_923 : i32
        %dma_start3A_925 = arith.constant 0 : i32
        %dma_start3A_926 = tpu.memref_slice %arg2[%select_n3A, %add3A_924, %dma_start3A_925] : memref<16x1024x768xf32, #tpu.memory_space<hbm>> -> memref<1x32x768xf32, #tpu.memory_space<hbm>>
        %dma_start3A_927 = tpu.memref_squeeze %dma_start3A_926 : memref<1x32x768xf32, #tpu.memory_space<hbm>> -> memref<32x768xf32, #tpu.memory_space<hbm>>
        %dma_start3A_928 = arith.constant 0 : i32
        %dma_start3A_929 = tpu.memref_slice %arg2[%select_n3A, %add3A_924, %dma_start3A_928] : memref<16x1024x768xf32, #tpu.memory_space<hbm>> -> memref<1x32x768xf32, #tpu.memory_space<hbm>>
        %dma_start3A_930 = tpu.memref_squeeze %dma_start3A_929 : memref<1x32x768xf32, #tpu.memory_space<hbm>> -> memref<32x768xf32, #tpu.memory_space<hbm>>
        tpu.enqueue_dma source(%dma_start3A_930 : memref<32x768xf32, #tpu.memory_space<hbm>>) target(%arg6 : memref<32x768xf32, #tpu.memory_space<vmem>>) target_semaphore(%arg13 : memref<!tpu.dma_semaphore, #tpu.memory_space<semaphore_mem>>)
      } else {
      }
      %mul3A_730 = arith.constant 32 : i32
      %mul3A_731 = arith.muli %add3A_719, %mul3A_730 : i32
      %add3A_732 = arith.addi %mul3A_32, %mul3A_731 : i32
      %dma_wait3A_733 = arith.constant 0 : i32
      %dma_wait3A_734 = tpu.memref_slice %arg2[%select_n3A, %add3A_732, %dma_wait3A_733] : memref<16x1024x768xf32, #tpu.memory_space<hbm>> -> memref<1x32x768xf32, #tpu.memory_space<hbm>>
      %dma_wait3A_735 = tpu.memref_squeeze %dma_wait3A_734 : memref<1x32x768xf32, #tpu.memory_space<hbm>> -> memref<32x768xf32, #tpu.memory_space<hbm>>
      %dma_wait3A_736 = arith.constant 0 : i32
      %dma_wait3A_737 = tpu.memref_slice %arg2[%select_n3A, %add3A_732, %dma_wait3A_736] : memref<16x1024x768xf32, #tpu.memory_space<hbm>> -> memref<1x32x768xf32, #tpu.memory_space<hbm>>
      %dma_wait3A_738 = tpu.memref_squeeze %dma_wait3A_737 : memref<1x32x768xf32, #tpu.memory_space<hbm>> -> memref<32x768xf32, #tpu.memory_space<hbm>>
      tpu.wait_dma2 semaphore(%arg12 : memref<!tpu.dma_semaphore, #tpu.memory_space<semaphore_mem>>) src(%dma_wait3A_738 : memref<32x768xf32, #tpu.memory_space<hbm>>) dst(%arg5 : memref<32x768xf32, #tpu.memory_space<vmem>>)
      %scan3A_739 = arith.constant 0 : i32
      %scan3A_740 = arith.constant 0 : i32
      %scan3A_741 = arith.constant 32 : i32
      %scan3A_742 = arith.addi %scan3A_740, %scan3A_741 : i32
      %scan3A_743 = arith.constant 1 : i32
      %scan3A_744 = scf.for %scan3A_920 = %scan3A_740 to %scan3A_742 step %scan3A_743 iter_args(%scan3A_921 = %scan3A_739) -> (i32)  : i32 {
        %mul3A_922 = arith.constant 32 : i32
        %mul3A_923 = arith.muli %add3A_719, %mul3A_922 : i32
        %add3A_924 = arith.addi %mul3A_923, %scan3A_920 : i32
        %broadcast_in_dim3A_925 = vector.broadcast %add3A_924 : i32 to vector<16xi32>
        %gather3A = tpu.vector_load_idx %arg10[%broadcast_in_dim3A_925] : memref<512xf32, #tpu.memory_space<vmem>>[vector<16xi32>], vector<16xf32>,
        %slice3A = vector.extract_strided_slice %gather3A {offsets = [0], sizes = [1], strides = [1]} : vector<16xf32> to vector<1xf32>
        %squeeze3A = vector.extract %slice3A[0] : f32 from vector<1xf32>
        %gt3A = arith.constant 5.000000e-01 : f32
        %gt3A_926 = arith.cmpf ogt, %squeeze3A, %gt3A : f32
        %convert_element_type3A_927 = arith.extui %gt3A_926 : i1 to i32
        %cond3A_928 = arith.constant 0 : i32
        %cond3A_929 = arith.cmpi ne, %convert_element_type3A_927, %cond3A_928 : i32
        scf.if %cond3A_929 {
          %parallel_loop3A = arith.constant 0 : i32
          %parallel_loop3A_931 = arith.constant 768 : i32
          %parallel_loop3A_932 = arith.constant 16 : i32
          scf.for %parallel_loop3A_933 = %parallel_loop3A to %parallel_loop3A_931 step %parallel_loop3A_932  : i32 {
            %parallel_loop3A_934 = arith.index_cast %scan3A_920 : i32 to index
            %parallel_loop3A_935 = arith.index_cast %parallel_loop3A_933 : i32 to index
            %parallel_loop3A_936 = tpu.vector_load %arg5[%parallel_loop3A_934, %parallel_loop3A_935] {strides = array<i32>} : memref<32x768xf32, #tpu.memory_space<vmem>>, vector<16xf32>,
            %parallel_loop3A_937 = arith.mulf %parallel_loop3A_936, %parallel_loop3A_936 : vector<16xf32>
            %parallel_loop3A_938 = arith.constant -1.59576917 : f32
            %parallel_loop3A_939 = vector.broadcast %parallel_loop3A_938 : f32 to vector<16xf32>
            %parallel_loop3A_940 = arith.mulf %parallel_loop3A_939, %parallel_loop3A_936 : vector<16xf32>
            %parallel_loop3A_941 = arith.constant 4.471500e-02 : f32
            %parallel_loop3A_942 = vector.broadcast %parallel_loop3A_941 : f32 to vector<16xf32>
            %parallel_loop3A_943 = arith.mulf %parallel_loop3A_942, %parallel_loop3A_937 : vector<16xf32>
            %parallel_loop3A_944 = arith.constant 1.000000e+00 : f32
            %parallel_loop3A_945 = vector.broadcast %parallel_loop3A_944 : f32 to vector<16xf32>
            %parallel_loop3A_946 = arith.addf %parallel_loop3A_945, %parallel_loop3A_943 : vector<16xf32>
            %parallel_loop3A_947 = arith.mulf %parallel_loop3A_940, %parallel_loop3A_946 : vector<16xf32>
            %parallel_loop3A_948 = math.exp %parallel_loop3A_947 : vector<16xf32>
            %parallel_loop3A_949 = arith.constant 1.000000e+00 : f32
            %parallel_loop3A_950 = vector.broadcast %parallel_loop3A_949 : f32 to vector<16xf32>
            %parallel_loop3A_951 = arith.addf %parallel_loop3A_950, %parallel_loop3A_948 : vector<16xf32>
            %parallel_loop3A_952 = arith.divf %parallel_loop3A_936, %parallel_loop3A_951 : vector<16xf32>
            %parallel_loop3A_953 = arith.index_cast %scan3A_920 : i32 to index
            %parallel_loop3A_954 = arith.index_cast %parallel_loop3A_933 : i32 to index
            %parallel_loop3A_955 = tpu.vector_load %arg5[%parallel_loop3A_953, %parallel_loop3A_954] {strides = array<i32>} : memref<32x768xf32, #tpu.memory_space<vmem>>, vector<16xf32>,
            tpu.vector_store %arg5[%parallel_loop3A_953, %parallel_loop3A_954], %parallel_loop3A_952 {strides = array<i32>} : memref<32x768xf32, #tpu.memory_space<vmem>>, vector<16xf32>,
          } {sc.loop_unroll_factor = 16 : i64, sc.parallel_access}
        } else {
        }
        %scan3A_930 = arith.constant 0 : i32
        scf.yield %scan3A_930 : i32
      }
      %scan3A_745 = arith.constant 32 : i32
      %mul3A_746 = arith.constant 32 : i32
      %mul3A_747 = arith.muli %add3A_719, %mul3A_746 : i32
      %add3A_748 = arith.addi %mul3A_32, %mul3A_747 : i32
      %dma_start3A_749 = arith.constant 0 : i32
      %dma_start3A_750 = tpu.memref_slice %arg4[%select_n3A, %add3A_748, %dma_start3A_749] : memref<16x1024x768xf32, #tpu.memory_space<hbm>> -> memref<1x32x768xf32, #tpu.memory_space<hbm>>
      %dma_start3A_751 = tpu.memref_squeeze %dma_start3A_750 : memref<1x32x768xf32, #tpu.memory_space<hbm>> -> memref<32x768xf32, #tpu.memory_space<hbm>>
      %dma_start3A_752 = arith.constant 0 : i32
      %dma_start3A_753 = tpu.memref_slice %arg4[%select_n3A, %add3A_748, %dma_start3A_752] : memref<16x1024x768xf32, #tpu.memory_space<hbm>> -> memref<1x32x768xf32, #tpu.memory_space<hbm>>
      %dma_start3A_754 = tpu.memref_squeeze %dma_start3A_753 : memref<1x32x768xf32, #tpu.memory_space<hbm>> -> memref<32x768xf32, #tpu.memory_space<hbm>>
      tpu.enqueue_dma source(%arg5 : memref<32x768xf32, #tpu.memory_space<vmem>>) target(%dma_start3A_754 : memref<32x768xf32, #tpu.memory_space<hbm>>) target_semaphore(%arg17 : memref<!tpu.dma_semaphore, #tpu.memory_space<semaphore_mem>>)
      %mul3A_755 = arith.constant 5 : i32
      %mul3A_756 = arith.muli %scan3A_714, %mul3A_755 : i32
      %add3A_757 = arith.constant 1 : i32
      %add3A_758 = arith.addi %mul3A_756, %add3A_757 : i32
      %ge3A_759 = arith.constant 4 : i32
      %ge3A_760 = arith.cmpi sge, %add3A_758, %ge3A_759 : i32
      %convert_element_type3A_761 = arith.extui %ge3A_760 : i1 to i32
      %cond3A_762 = arith.constant 0 : i32
      %cond3A_763 = arith.cmpi ne, %convert_element_type3A_761, %cond3A_762 : i32
      scf.if %cond3A_763 {
        %sub3A_920 = arith.constant 4 : i32
        %sub3A_921 = arith.subi %add3A_758, %sub3A_920 : i32
        %mul3A_922 = arith.constant 32 : i32
        %mul3A_923 = arith.muli %sub3A_921, %mul3A_922 : i32
        %add3A_924 = arith.addi %mul3A_32, %mul3A_923 : i32
        %dma_wait3A_925 = arith.constant 0 : i32
        %dma_wait3A_926 = tpu.memref_slice %arg4[%select_n3A, %add3A_924, %dma_wait3A_925] : memref<16x1024x768xf32, #tpu.memory_space<hbm>> -> memref<1x32x768xf32, #tpu.memory_space<hbm>>
        %dma_wait3A_927 = tpu.memref_squeeze %dma_wait3A_926 : memref<1x32x768xf32, #tpu.memory_space<hbm>> -> memref<32x768xf32, #tpu.memory_space<hbm>>
        %dma_wait3A_928 = arith.constant 0 : i32
        %dma_wait3A_929 = tpu.memref_slice %arg4[%select_n3A, %add3A_924, %dma_wait3A_928] : memref<16x1024x768xf32, #tpu.memory_space<hbm>> -> memref<1x32x768xf32, #tpu.memory_space<hbm>>
        %dma_wait3A_930 = tpu.memref_squeeze %dma_wait3A_929 : memref<1x32x768xf32, #tpu.memory_space<hbm>> -> memref<32x768xf32, #tpu.memory_space<hbm>>
        tpu.wait_dma2 semaphore(%arg19 : memref<!tpu.dma_semaphore, #tpu.memory_space<semaphore_mem>>) src(%arg7 : memref<32x768xf32, #tpu.memory_space<vmem>>) dst(%dma_wait3A_930 : memref<32x768xf32, #tpu.memory_space<hbm>>)
      } else {
      }
      %add3A_764 = arith.constant 1 : i32
      %add3A_765 = arith.addi %add3A_758, %add3A_764 : i32
      %lt3A_766 = arith.constant 16 : i32
      %lt3A_767 = arith.cmpi slt, %add3A_765, %lt3A_766 : i32
      %convert_element_type3A_768 = arith.extui %lt3A_767 : i1 to i32
      %cond3A_769 = arith.constant 0 : i32
      %cond3A_770 = arith.cmpi ne, %convert_element_type3A_768, %cond3A_769 : i32
      scf.if %cond3A_770 {
        %add3A_920 = arith.constant 1 : i32
        %add3A_921 = arith.addi %add3A_758, %add3A_920 : i32
        %mul3A_922 = arith.constant 32 : i32
        %mul3A_923 = arith.muli %add3A_921, %mul3A_922 : i32
        %add3A_924 = arith.addi %mul3A_32, %mul3A_923 : i32
        %dma_start3A_925 = arith.constant 0 : i32
        %dma_start3A_926 = tpu.memref_slice %arg2[%select_n3A, %add3A_924, %dma_start3A_925] : memref<16x1024x768xf32, #tpu.memory_space<hbm>> -> memref<1x32x768xf32, #tpu.memory_space<hbm>>
        %dma_start3A_927 = tpu.memref_squeeze %dma_start3A_926 : memref<1x32x768xf32, #tpu.memory_space<hbm>> -> memref<32x768xf32, #tpu.memory_space<hbm>>
        %dma_start3A_928 = arith.constant 0 : i32
        %dma_start3A_929 = tpu.memref_slice %arg2[%select_n3A, %add3A_924, %dma_start3A_928] : memref<16x1024x768xf32, #tpu.memory_space<hbm>> -> memref<1x32x768xf32, #tpu.memory_space<hbm>>
        %dma_start3A_930 = tpu.memref_squeeze %dma_start3A_929 : memref<1x32x768xf32, #tpu.memory_space<hbm>> -> memref<32x768xf32, #tpu.memory_space<hbm>>
        tpu.enqueue_dma source(%dma_start3A_930 : memref<32x768xf32, #tpu.memory_space<hbm>>) target(%arg7 : memref<32x768xf32, #tpu.memory_space<vmem>>) target_semaphore(%arg14 : memref<!tpu.dma_semaphore, #tpu.memory_space<semaphore_mem>>)
      } else {
      }
      %mul3A_771 = arith.constant 32 : i32
      %mul3A_772 = arith.muli %add3A_758, %mul3A_771 : i32
      %add3A_773 = arith.addi %mul3A_32, %mul3A_772 : i32
      %dma_wait3A_774 = arith.constant 0 : i32
      %dma_wait3A_775 = tpu.memref_slice %arg2[%select_n3A, %add3A_773, %dma_wait3A_774] : memref<16x1024x768xf32, #tpu.memory_space<hbm>> -> memref<1x32x768xf32, #tpu.memory_space<hbm>>
      %dma_wait3A_776 = tpu.memref_squeeze %dma_wait3A_775 : memref<1x32x768xf32, #tpu.memory_space<hbm>> -> memref<32x768xf32, #tpu.memory_space<hbm>>
      %dma_wait3A_777 = arith.constant 0 : i32
      %dma_wait3A_778 = tpu.memref_slice %arg2[%select_n3A, %add3A_773, %dma_wait3A_777] : memref<16x1024x768xf32, #tpu.memory_space<hbm>> -> memref<1x32x768xf32, #tpu.memory_space<hbm>>
      %dma_wait3A_779 = tpu.memref_squeeze %dma_wait3A_778 : memref<1x32x768xf32, #tpu.memory_space<hbm>> -> memref<32x768xf32, #tpu.memory_space<hbm>>
      tpu.wait_dma2 semaphore(%arg13 : memref<!tpu.dma_semaphore, #tpu.memory_space<semaphore_mem>>) src(%dma_wait3A_779 : memref<32x768xf32, #tpu.memory_space<hbm>>) dst(%arg6 : memref<32x768xf32, #tpu.memory_space<vmem>>)
      %scan3A_780 = arith.constant 0 : i32
      %scan3A_781 = arith.constant 0 : i32
      %scan3A_782 = arith.constant 32 : i32
      %scan3A_783 = arith.addi %scan3A_781, %scan3A_782 : i32
      %scan3A_784 = arith.constant 1 : i32
      %scan3A_785 = scf.for %scan3A_920 = %scan3A_781 to %scan3A_783 step %scan3A_784 iter_args(%scan3A_921 = %scan3A_780) -> (i32)  : i32 {
        %mul3A_922 = arith.constant 32 : i32
        %mul3A_923 = arith.muli %add3A_758, %mul3A_922 : i32
        %add3A_924 = arith.addi %mul3A_923, %scan3A_920 : i32
        %broadcast_in_dim3A_925 = vector.broadcast %add3A_924 : i32 to vector<16xi32>
        %gather3A = tpu.vector_load_idx %arg10[%broadcast_in_dim3A_925] : memref<512xf32, #tpu.memory_space<vmem>>[vector<16xi32>], vector<16xf32>,
        %slice3A = vector.extract_strided_slice %gather3A {offsets = [0], sizes = [1], strides = [1]} : vector<16xf32> to vector<1xf32>
        %squeeze3A = vector.extract %slice3A[0] : f32 from vector<1xf32>
        %gt3A = arith.constant 5.000000e-01 : f32
        %gt3A_926 = arith.cmpf ogt, %squeeze3A, %gt3A : f32
        %convert_element_type3A_927 = arith.extui %gt3A_926 : i1 to i32
        %cond3A_928 = arith.constant 0 : i32
        %cond3A_929 = arith.cmpi ne, %convert_element_type3A_927, %cond3A_928 : i32
        scf.if %cond3A_929 {
          %parallel_loop3A = arith.constant 0 : i32
          %parallel_loop3A_931 = arith.constant 768 : i32
          %parallel_loop3A_932 = arith.constant 16 : i32
          scf.for %parallel_loop3A_933 = %parallel_loop3A to %parallel_loop3A_931 step %parallel_loop3A_932  : i32 {
            %parallel_loop3A_934 = arith.index_cast %scan3A_920 : i32 to index
            %parallel_loop3A_935 = arith.index_cast %parallel_loop3A_933 : i32 to index
            %parallel_loop3A_936 = tpu.vector_load %arg6[%parallel_loop3A_934, %parallel_loop3A_935] {strides = array<i32>} : memref<32x768xf32, #tpu.memory_space<vmem>>, vector<16xf32>,
            %parallel_loop3A_937 = arith.mulf %parallel_loop3A_936, %parallel_loop3A_936 : vector<16xf32>
            %parallel_loop3A_938 = arith.constant -1.59576917 : f32
            %parallel_loop3A_939 = vector.broadcast %parallel_loop3A_938 : f32 to vector<16xf32>
            %parallel_loop3A_940 = arith.mulf %parallel_loop3A_939, %parallel_loop3A_936 : vector<16xf32>
            %parallel_loop3A_941 = arith.constant 4.471500e-02 : f32
            %parallel_loop3A_942 = vector.broadcast %parallel_loop3A_941 : f32 to vector<16xf32>
            %parallel_loop3A_943 = arith.mulf %parallel_loop3A_942, %parallel_loop3A_937 : vector<16xf32>
            %parallel_loop3A_944 = arith.constant 1.000000e+00 : f32
            %parallel_loop3A_945 = vector.broadcast %parallel_loop3A_944 : f32 to vector<16xf32>
            %parallel_loop3A_946 = arith.addf %parallel_loop3A_945, %parallel_loop3A_943 : vector<16xf32>
            %parallel_loop3A_947 = arith.mulf %parallel_loop3A_940, %parallel_loop3A_946 : vector<16xf32>
            %parallel_loop3A_948 = math.exp %parallel_loop3A_947 : vector<16xf32>
            %parallel_loop3A_949 = arith.constant 1.000000e+00 : f32
            %parallel_loop3A_950 = vector.broadcast %parallel_loop3A_949 : f32 to vector<16xf32>
            %parallel_loop3A_951 = arith.addf %parallel_loop3A_950, %parallel_loop3A_948 : vector<16xf32>
            %parallel_loop3A_952 = arith.divf %parallel_loop3A_936, %parallel_loop3A_951 : vector<16xf32>
            %parallel_loop3A_953 = arith.index_cast %scan3A_920 : i32 to index
            %parallel_loop3A_954 = arith.index_cast %parallel_loop3A_933 : i32 to index
            %parallel_loop3A_955 = tpu.vector_load %arg6[%parallel_loop3A_953, %parallel_loop3A_954] {strides = array<i32>} : memref<32x768xf32, #tpu.memory_space<vmem>>, vector<16xf32>,
            tpu.vector_store %arg6[%parallel_loop3A_953, %parallel_loop3A_954], %parallel_loop3A_952 {strides = array<i32>} : memref<32x768xf32, #tpu.memory_space<vmem>>, vector<16xf32>,
          } {sc.loop_unroll_factor = 16 : i64, sc.parallel_access}
        } else {
        }
        %scan3A_930 = arith.constant 0 : i32
        scf.yield %scan3A_930 : i32
      }
      %scan3A_786 = arith.constant 32 : i32
      %mul3A_787 = arith.constant 32 : i32
      %mul3A_788 = arith.muli %add3A_758, %mul3A_787 : i32
      %add3A_789 = arith.addi %mul3A_32, %mul3A_788 : i32
      %dma_start3A_790 = arith.constant 0 : i32
      %dma_start3A_791 = tpu.memref_slice %arg4[%select_n3A, %add3A_789, %dma_start3A_790] : memref<16x1024x768xf32, #tpu.memory_space<hbm>> -> memref<1x32x768xf32, #tpu.memory_space<hbm>>
      %dma_start3A_792 = tpu.memref_squeeze %dma_start3A_791 : memref<1x32x768xf32, #tpu.memory_space<hbm>> -> memref<32x768xf32, #tpu.memory_space<hbm>>
      %dma_start3A_793 = arith.constant 0 : i32
      %dma_start3A_794 = tpu.memref_slice %arg4[%select_n3A, %add3A_789, %dma_start3A_793] : memref<16x1024x768xf32, #tpu.memory_space<hbm>> -> memref<1x32x768xf32, #tpu.memory_space<hbm>>
      %dma_start3A_795 = tpu.memref_squeeze %dma_start3A_794 : memref<1x32x768xf32, #tpu.memory_space<hbm>> -> memref<32x768xf32, #tpu.memory_space<hbm>>
      tpu.enqueue_dma source(%arg6 : memref<32x768xf32, #tpu.memory_space<vmem>>) target(%dma_start3A_795 : memref<32x768xf32, #tpu.memory_space<hbm>>) target_semaphore(%arg18 : memref<!tpu.dma_semaphore, #tpu.memory_space<semaphore_mem>>)
      %mul3A_796 = arith.constant 5 : i32
      %mul3A_797 = arith.muli %scan3A_714, %mul3A_796 : i32
      %add3A_798 = arith.constant 2 : i32
      %add3A_799 = arith.addi %mul3A_797, %add3A_798 : i32
      %ge3A_800 = arith.constant 4 : i32
      %ge3A_801 = arith.cmpi sge, %add3A_799, %ge3A_800 : i32
      %convert_element_type3A_802 = arith.extui %ge3A_801 : i1 to i32
      %cond3A_803 = arith.constant 0 : i32
      %cond3A_804 = arith.cmpi ne, %convert_element_type3A_802, %cond3A_803 : i32
      scf.if %cond3A_804 {
        %sub3A_920 = arith.constant 4 : i32
        %sub3A_921 = arith.subi %add3A_799, %sub3A_920 : i32
        %mul3A_922 = arith.constant 32 : i32
        %mul3A_923 = arith.muli %sub3A_921, %mul3A_922 : i32
        %add3A_924 = arith.addi %mul3A_32, %mul3A_923 : i32
        %dma_wait3A_925 = arith.constant 0 : i32
        %dma_wait3A_926 = tpu.memref_slice %arg4[%select_n3A, %add3A_924, %dma_wait3A_925] : memref<16x1024x768xf32, #tpu.memory_space<hbm>> -> memref<1x32x768xf32, #tpu.memory_space<hbm>>
        %dma_wait3A_927 = tpu.memref_squeeze %dma_wait3A_926 : memref<1x32x768xf32, #tpu.memory_space<hbm>> -> memref<32x768xf32, #tpu.memory_space<hbm>>
        %dma_wait3A_928 = arith.constant 0 : i32
        %dma_wait3A_929 = tpu.memref_slice %arg4[%select_n3A, %add3A_924, %dma_wait3A_928] : memref<16x1024x768xf32, #tpu.memory_space<hbm>> -> memref<1x32x768xf32, #tpu.memory_space<hbm>>
        %dma_wait3A_930 = tpu.memref_squeeze %dma_wait3A_929 : memref<1x32x768xf32, #tpu.memory_space<hbm>> -> memref<32x768xf32, #tpu.memory_space<hbm>>
        tpu.wait_dma2 semaphore(%arg20 : memref<!tpu.dma_semaphore, #tpu.memory_space<semaphore_mem>>) src(%arg8 : memref<32x768xf32, #tpu.memory_space<vmem>>) dst(%dma_wait3A_930 : memref<32x768xf32, #tpu.memory_space<hbm>>)
      } else {
      }
      %add3A_805 = arith.constant 1 : i32
      %add3A_806 = arith.addi %add3A_799, %add3A_805 : i32
      %lt3A_807 = arith.constant 16 : i32
      %lt3A_808 = arith.cmpi slt, %add3A_806, %lt3A_807 : i32
      %convert_element_type3A_809 = arith.extui %lt3A_808 : i1 to i32
      %cond3A_810 = arith.constant 0 : i32
      %cond3A_811 = arith.cmpi ne, %convert_element_type3A_809, %cond3A_810 : i32
      scf.if %cond3A_811 {
        %add3A_920 = arith.constant 1 : i32
        %add3A_921 = arith.addi %add3A_799, %add3A_920 : i32
        %mul3A_922 = arith.constant 32 : i32
        %mul3A_923 = arith.muli %add3A_921, %mul3A_922 : i32
        %add3A_924 = arith.addi %mul3A_32, %mul3A_923 : i32
        %dma_start3A_925 = arith.constant 0 : i32
        %dma_start3A_926 = tpu.memref_slice %arg2[%select_n3A, %add3A_924, %dma_start3A_925] : memref<16x1024x768xf32, #tpu.memory_space<hbm>> -> memref<1x32x768xf32, #tpu.memory_space<hbm>>
        %dma_start3A_927 = tpu.memref_squeeze %dma_start3A_926 : memref<1x32x768xf32, #tpu.memory_space<hbm>> -> memref<32x768xf32, #tpu.memory_space<hbm>>
        %dma_start3A_928 = arith.constant 0 : i32
        %dma_start3A_929 = tpu.memref_slice %arg2[%select_n3A, %add3A_924, %dma_start3A_928] : memref<16x1024x768xf32, #tpu.memory_space<hbm>> -> memref<1x32x768xf32, #tpu.memory_space<hbm>>
        %dma_start3A_930 = tpu.memref_squeeze %dma_start3A_929 : memref<1x32x768xf32, #tpu.memory_space<hbm>> -> memref<32x768xf32, #tpu.memory_space<hbm>>
        tpu.enqueue_dma source(%dma_start3A_930 : memref<32x768xf32, #tpu.memory_space<hbm>>) target(%arg8 : memref<32x768xf32, #tpu.memory_space<vmem>>) target_semaphore(%arg15 : memref<!tpu.dma_semaphore, #tpu.memory_space<semaphore_mem>>)
      } else {
      }
      %mul3A_812 = arith.constant 32 : i32
      %mul3A_813 = arith.muli %add3A_799, %mul3A_812 : i32
      %add3A_814 = arith.addi %mul3A_32, %mul3A_813 : i32
      %dma_wait3A_815 = arith.constant 0 : i32
      %dma_wait3A_816 = tpu.memref_slice %arg2[%select_n3A, %add3A_814, %dma_wait3A_815] : memref<16x1024x768xf32, #tpu.memory_space<hbm>> -> memref<1x32x768xf32, #tpu.memory_space<hbm>>
      %dma_wait3A_817 = tpu.memref_squeeze %dma_wait3A_816 : memref<1x32x768xf32, #tpu.memory_space<hbm>> -> memref<32x768xf32, #tpu.memory_space<hbm>>
      %dma_wait3A_818 = arith.constant 0 : i32
      %dma_wait3A_819 = tpu.memref_slice %arg2[%select_n3A, %add3A_814, %dma_wait3A_818] : memref<16x1024x768xf32, #tpu.memory_space<hbm>> -> memref<1x32x768xf32, #tpu.memory_space<hbm>>
      %dma_wait3A_820 = tpu.memref_squeeze %dma_wait3A_819 : memref<1x32x768xf32, #tpu.memory_space<hbm>> -> memref<32x768xf32, #tpu.memory_space<hbm>>
      tpu.wait_dma2 semaphore(%arg14 : memref<!tpu.dma_semaphore, #tpu.memory_space<semaphore_mem>>) src(%dma_wait3A_820 : memref<32x768xf32, #tpu.memory_space<hbm>>) dst(%arg7 : memref<32x768xf32, #tpu.memory_space<vmem>>)
      %scan3A_821 = arith.constant 0 : i32
      %scan3A_822 = arith.constant 0 : i32
      %scan3A_823 = arith.constant 32 : i32
      %scan3A_824 = arith.addi %scan3A_822, %scan3A_823 : i32
      %scan3A_825 = arith.constant 1 : i32
      %scan3A_826 = scf.for %scan3A_920 = %scan3A_822 to %scan3A_824 step %scan3A_825 iter_args(%scan3A_921 = %scan3A_821) -> (i32)  : i32 {
        %mul3A_922 = arith.constant 32 : i32
        %mul3A_923 = arith.muli %add3A_799, %mul3A_922 : i32
        %add3A_924 = arith.addi %mul3A_923, %scan3A_920 : i32
        %broadcast_in_dim3A_925 = vector.broadcast %add3A_924 : i32 to vector<16xi32>
        %gather3A = tpu.vector_load_idx %arg10[%broadcast_in_dim3A_925] : memref<512xf32, #tpu.memory_space<vmem>>[vector<16xi32>], vector<16xf32>,
        %slice3A = vector.extract_strided_slice %gather3A {offsets = [0], sizes = [1], strides = [1]} : vector<16xf32> to vector<1xf32>
        %squeeze3A = vector.extract %slice3A[0] : f32 from vector<1xf32>
        %gt3A = arith.constant 5.000000e-01 : f32
        %gt3A_926 = arith.cmpf ogt, %squeeze3A, %gt3A : f32
        %convert_element_type3A_927 = arith.extui %gt3A_926 : i1 to i32
        %cond3A_928 = arith.constant 0 : i32
        %cond3A_929 = arith.cmpi ne, %convert_element_type3A_927, %cond3A_928 : i32
        scf.if %cond3A_929 {
          %parallel_loop3A = arith.constant 0 : i32
          %parallel_loop3A_931 = arith.constant 768 : i32
          %parallel_loop3A_932 = arith.constant 16 : i32
          scf.for %parallel_loop3A_933 = %parallel_loop3A to %parallel_loop3A_931 step %parallel_loop3A_932  : i32 {
            %parallel_loop3A_934 = arith.index_cast %scan3A_920 : i32 to index
            %parallel_loop3A_935 = arith.index_cast %parallel_loop3A_933 : i32 to index
            %parallel_loop3A_936 = tpu.vector_load %arg7[%parallel_loop3A_934, %parallel_loop3A_935] {strides = array<i32>} : memref<32x768xf32, #tpu.memory_space<vmem>>, vector<16xf32>,
            %parallel_loop3A_937 = arith.mulf %parallel_loop3A_936, %parallel_loop3A_936 : vector<16xf32>
            %parallel_loop3A_938 = arith.constant -1.59576917 : f32
            %parallel_loop3A_939 = vector.broadcast %parallel_loop3A_938 : f32 to vector<16xf32>
            %parallel_loop3A_940 = arith.mulf %parallel_loop3A_939, %parallel_loop3A_936 : vector<16xf32>
            %parallel_loop3A_941 = arith.constant 4.471500e-02 : f32
            %parallel_loop3A_942 = vector.broadcast %parallel_loop3A_941 : f32 to vector<16xf32>
            %parallel_loop3A_943 = arith.mulf %parallel_loop3A_942, %parallel_loop3A_937 : vector<16xf32>
            %parallel_loop3A_944 = arith.constant 1.000000e+00 : f32
            %parallel_loop3A_945 = vector.broadcast %parallel_loop3A_944 : f32 to vector<16xf32>
            %parallel_loop3A_946 = arith.addf %parallel_loop3A_945, %parallel_loop3A_943 : vector<16xf32>
            %parallel_loop3A_947 = arith.mulf %parallel_loop3A_940, %parallel_loop3A_946 : vector<16xf32>
            %parallel_loop3A_948 = math.exp %parallel_loop3A_947 : vector<16xf32>
            %parallel_loop3A_949 = arith.constant 1.000000e+00 : f32
            %parallel_loop3A_950 = vector.broadcast %parallel_loop3A_949 : f32 to vector<16xf32>
            %parallel_loop3A_951 = arith.addf %parallel_loop3A_950, %parallel_loop3A_948 : vector<16xf32>
            %parallel_loop3A_952 = arith.divf %parallel_loop3A_936, %parallel_loop3A_951 : vector<16xf32>
            %parallel_loop3A_953 = arith.index_cast %scan3A_920 : i32 to index
            %parallel_loop3A_954 = arith.index_cast %parallel_loop3A_933 : i32 to index
            %parallel_loop3A_955 = tpu.vector_load %arg7[%parallel_loop3A_953, %parallel_loop3A_954] {strides = array<i32>} : memref<32x768xf32, #tpu.memory_space<vmem>>, vector<16xf32>,
            tpu.vector_store %arg7[%parallel_loop3A_953, %parallel_loop3A_954], %parallel_loop3A_952 {strides = array<i32>} : memref<32x768xf32, #tpu.memory_space<vmem>>, vector<16xf32>,
          } {sc.loop_unroll_factor = 16 : i64, sc.parallel_access}
        } else {
        }
        %scan3A_930 = arith.constant 0 : i32
        scf.yield %scan3A_930 : i32
      }
      %scan3A_827 = arith.constant 32 : i32
      %mul3A_828 = arith.constant 32 : i32
      %mul3A_829 = arith.muli %add3A_799, %mul3A_828 : i32
      %add3A_830 = arith.addi %mul3A_32, %mul3A_829 : i32
      %dma_start3A_831 = arith.constant 0 : i32
      %dma_start3A_832 = tpu.memref_slice %arg4[%select_n3A, %add3A_830, %dma_start3A_831] : memref<16x1024x768xf32, #tpu.memory_space<hbm>> -> memref<1x32x768xf32, #tpu.memory_space<hbm>>
      %dma_start3A_833 = tpu.memref_squeeze %dma_start3A_832 : memref<1x32x768xf32, #tpu.memory_space<hbm>> -> memref<32x768xf32, #tpu.memory_space<hbm>>
      %dma_start3A_834 = arith.constant 0 : i32
      %dma_start3A_835 = tpu.memref_slice %arg4[%select_n3A, %add3A_830, %dma_start3A_834] : memref<16x1024x768xf32, #tpu.memory_space<hbm>> -> memref<1x32x768xf32, #tpu.memory_space<hbm>>
      %dma_start3A_836 = tpu.memref_squeeze %dma_start3A_835 : memref<1x32x768xf32, #tpu.memory_space<hbm>> -> memref<32x768xf32, #tpu.memory_space<hbm>>
      tpu.enqueue_dma source(%arg7 : memref<32x768xf32, #tpu.memory_space<vmem>>) target(%dma_start3A_836 : memref<32x768xf32, #tpu.memory_space<hbm>>) target_semaphore(%arg19 : memref<!tpu.dma_semaphore, #tpu.memory_space<semaphore_mem>>)
      %mul3A_837 = arith.constant 5 : i32
      %mul3A_838 = arith.muli %scan3A_714, %mul3A_837 : i32
      %add3A_839 = arith.constant 3 : i32
      %add3A_840 = arith.addi %mul3A_838, %add3A_839 : i32
      %ge3A_841 = arith.constant 4 : i32
      %ge3A_842 = arith.cmpi sge, %add3A_840, %ge3A_841 : i32
      %convert_element_type3A_843 = arith.extui %ge3A_842 : i1 to i32
      %cond3A_844 = arith.constant 0 : i32
      %cond3A_845 = arith.cmpi ne, %convert_element_type3A_843, %cond3A_844 : i32
      scf.if %cond3A_845 {
        %sub3A_920 = arith.constant 4 : i32
        %sub3A_921 = arith.subi %add3A_840, %sub3A_920 : i32
        %mul3A_922 = arith.constant 32 : i32
        %mul3A_923 = arith.muli %sub3A_921, %mul3A_922 : i32
        %add3A_924 = arith.addi %mul3A_32, %mul3A_923 : i32
        %dma_wait3A_925 = arith.constant 0 : i32
        %dma_wait3A_926 = tpu.memref_slice %arg4[%select_n3A, %add3A_924, %dma_wait3A_925] : memref<16x1024x768xf32, #tpu.memory_space<hbm>> -> memref<1x32x768xf32, #tpu.memory_space<hbm>>
        %dma_wait3A_927 = tpu.memref_squeeze %dma_wait3A_926 : memref<1x32x768xf32, #tpu.memory_space<hbm>> -> memref<32x768xf32, #tpu.memory_space<hbm>>
        %dma_wait3A_928 = arith.constant 0 : i32
        %dma_wait3A_929 = tpu.memref_slice %arg4[%select_n3A, %add3A_924, %dma_wait3A_928] : memref<16x1024x768xf32, #tpu.memory_space<hbm>> -> memref<1x32x768xf32, #tpu.memory_space<hbm>>
        %dma_wait3A_930 = tpu.memref_squeeze %dma_wait3A_929 : memref<1x32x768xf32, #tpu.memory_space<hbm>> -> memref<32x768xf32, #tpu.memory_space<hbm>>
        tpu.wait_dma2 semaphore(%arg21 : memref<!tpu.dma_semaphore, #tpu.memory_space<semaphore_mem>>) src(%arg9 : memref<32x768xf32, #tpu.memory_space<vmem>>) dst(%dma_wait3A_930 : memref<32x768xf32, #tpu.memory_space<hbm>>)
      } else {
      }
      %add3A_846 = arith.constant 1 : i32
      %add3A_847 = arith.addi %add3A_840, %add3A_846 : i32
      %lt3A_848 = arith.constant 16 : i32
      %lt3A_849 = arith.cmpi slt, %add3A_847, %lt3A_848 : i32
      %convert_element_type3A_850 = arith.extui %lt3A_849 : i1 to i32
      %cond3A_851 = arith.constant 0 : i32
      %cond3A_852 = arith.cmpi ne, %convert_element_type3A_850, %cond3A_851 : i32
      scf.if %cond3A_852 {
        %add3A_920 = arith.constant 1 : i32
        %add3A_921 = arith.addi %add3A_840, %add3A_920 : i32
        %mul3A_922 = arith.constant 32 : i32
        %mul3A_923 = arith.muli %add3A_921, %mul3A_922 : i32
        %add3A_924 = arith.addi %mul3A_32, %mul3A_923 : i32
        %dma_start3A_925 = arith.constant 0 : i32
        %dma_start3A_926 = tpu.memref_slice %arg2[%select_n3A, %add3A_924, %dma_start3A_925] : memref<16x1024x768xf32, #tpu.memory_space<hbm>> -> memref<1x32x768xf32, #tpu.memory_space<hbm>>
        %dma_start3A_927 = tpu.memref_squeeze %dma_start3A_926 : memref<1x32x768xf32, #tpu.memory_space<hbm>> -> memref<32x768xf32, #tpu.memory_space<hbm>>
        %dma_start3A_928 = arith.constant 0 : i32
        %dma_start3A_929 = tpu.memref_slice %arg2[%select_n3A, %add3A_924, %dma_start3A_928] : memref<16x1024x768xf32, #tpu.memory_space<hbm>> -> memref<1x32x768xf32, #tpu.memory_space<hbm>>
        %dma_start3A_930 = tpu.memref_squeeze %dma_start3A_929 : memref<1x32x768xf32, #tpu.memory_space<hbm>> -> memref<32x768xf32, #tpu.memory_space<hbm>>
        tpu.enqueue_dma source(%dma_start3A_930 : memref<32x768xf32, #tpu.memory_space<hbm>>) target(%arg9 : memref<32x768xf32, #tpu.memory_space<vmem>>) target_semaphore(%arg16 : memref<!tpu.dma_semaphore, #tpu.memory_space<semaphore_mem>>)
      } else {
      }
      %mul3A_853 = arith.constant 32 : i32
      %mul3A_854 = arith.muli %add3A_840, %mul3A_853 : i32
      %add3A_855 = arith.addi %mul3A_32, %mul3A_854 : i32
      %dma_wait3A_856 = arith.constant 0 : i32
      %dma_wait3A_857 = tpu.memref_slice %arg2[%select_n3A, %add3A_855, %dma_wait3A_856] : memref<16x1024x768xf32, #tpu.memory_space<hbm>> -> memref<1x32x768xf32, #tpu.memory_space<hbm>>
      %dma_wait3A_858 = tpu.memref_squeeze %dma_wait3A_857 : memref<1x32x768xf32, #tpu.memory_space<hbm>> -> memref<32x768xf32, #tpu.memory_space<hbm>>
      %dma_wait3A_859 = arith.constant 0 : i32
      %dma_wait3A_860 = tpu.memref_slice %arg2[%select_n3A, %add3A_855, %dma_wait3A_859] : memref<16x1024x768xf32, #tpu.memory_space<hbm>> -> memref<1x32x768xf32, #tpu.memory_space<hbm>>
      %dma_wait3A_861 = tpu.memref_squeeze %dma_wait3A_860 : memref<1x32x768xf32, #tpu.memory_space<hbm>> -> memref<32x768xf32, #tpu.memory_space<hbm>>
      tpu.wait_dma2 semaphore(%arg15 : memref<!tpu.dma_semaphore, #tpu.memory_space<semaphore_mem>>) src(%dma_wait3A_861 : memref<32x768xf32, #tpu.memory_space<hbm>>) dst(%arg8 : memref<32x768xf32, #tpu.memory_space<vmem>>)
      %scan3A_862 = arith.constant 0 : i32
      %scan3A_863 = arith.constant 0 : i32
      %scan3A_864 = arith.constant 32 : i32
      %scan3A_865 = arith.addi %scan3A_863, %scan3A_864 : i32
      %scan3A_866 = arith.constant 1 : i32
      %scan3A_867 = scf.for %scan3A_920 = %scan3A_863 to %scan3A_865 step %scan3A_866 iter_args(%scan3A_921 = %scan3A_862) -> (i32)  : i32 {
        %mul3A_922 = arith.constant 32 : i32
        %mul3A_923 = arith.muli %add3A_840, %mul3A_922 : i32
        %add3A_924 = arith.addi %mul3A_923, %scan3A_920 : i32
        %broadcast_in_dim3A_925 = vector.broadcast %add3A_924 : i32 to vector<16xi32>
        %gather3A = tpu.vector_load_idx %arg10[%broadcast_in_dim3A_925] : memref<512xf32, #tpu.memory_space<vmem>>[vector<16xi32>], vector<16xf32>,
        %slice3A = vector.extract_strided_slice %gather3A {offsets = [0], sizes = [1], strides = [1]} : vector<16xf32> to vector<1xf32>
        %squeeze3A = vector.extract %slice3A[0] : f32 from vector<1xf32>
        %gt3A = arith.constant 5.000000e-01 : f32
        %gt3A_926 = arith.cmpf ogt, %squeeze3A, %gt3A : f32
        %convert_element_type3A_927 = arith.extui %gt3A_926 : i1 to i32
        %cond3A_928 = arith.constant 0 : i32
        %cond3A_929 = arith.cmpi ne, %convert_element_type3A_927, %cond3A_928 : i32
        scf.if %cond3A_929 {
          %parallel_loop3A = arith.constant 0 : i32
          %parallel_loop3A_931 = arith.constant 768 : i32
          %parallel_loop3A_932 = arith.constant 16 : i32
          scf.for %parallel_loop3A_933 = %parallel_loop3A to %parallel_loop3A_931 step %parallel_loop3A_932  : i32 {
            %parallel_loop3A_934 = arith.index_cast %scan3A_920 : i32 to index
            %parallel_loop3A_935 = arith.index_cast %parallel_loop3A_933 : i32 to index
            %parallel_loop3A_936 = tpu.vector_load %arg8[%parallel_loop3A_934, %parallel_loop3A_935] {strides = array<i32>} : memref<32x768xf32, #tpu.memory_space<vmem>>, vector<16xf32>,
            %parallel_loop3A_937 = arith.mulf %parallel_loop3A_936, %parallel_loop3A_936 : vector<16xf32>
            %parallel_loop3A_938 = arith.constant -1.59576917 : f32
            %parallel_loop3A_939 = vector.broadcast %parallel_loop3A_938 : f32 to vector<16xf32>
            %parallel_loop3A_940 = arith.mulf %parallel_loop3A_939, %parallel_loop3A_936 : vector<16xf32>
            %parallel_loop3A_941 = arith.constant 4.471500e-02 : f32
            %parallel_loop3A_942 = vector.broadcast %parallel_loop3A_941 : f32 to vector<16xf32>
            %parallel_loop3A_943 = arith.mulf %parallel_loop3A_942, %parallel_loop3A_937 : vector<16xf32>
            %parallel_loop3A_944 = arith.constant 1.000000e+00 : f32
            %parallel_loop3A_945 = vector.broadcast %parallel_loop3A_944 : f32 to vector<16xf32>
            %parallel_loop3A_946 = arith.addf %parallel_loop3A_945, %parallel_loop3A_943 : vector<16xf32>
            %parallel_loop3A_947 = arith.mulf %parallel_loop3A_940, %parallel_loop3A_946 : vector<16xf32>
            %parallel_loop3A_948 = math.exp %parallel_loop3A_947 : vector<16xf32>
            %parallel_loop3A_949 = arith.constant 1.000000e+00 : f32
            %parallel_loop3A_950 = vector.broadcast %parallel_loop3A_949 : f32 to vector<16xf32>
            %parallel_loop3A_951 = arith.addf %parallel_loop3A_950, %parallel_loop3A_948 : vector<16xf32>
            %parallel_loop3A_952 = arith.divf %parallel_loop3A_936, %parallel_loop3A_951 : vector<16xf32>
            %parallel_loop3A_953 = arith.index_cast %scan3A_920 : i32 to index
            %parallel_loop3A_954 = arith.index_cast %parallel_loop3A_933 : i32 to index
            %parallel_loop3A_955 = tpu.vector_load %arg8[%parallel_loop3A_953, %parallel_loop3A_954] {strides = array<i32>} : memref<32x768xf32, #tpu.memory_space<vmem>>, vector<16xf32>,
            tpu.vector_store %arg8[%parallel_loop3A_953, %parallel_loop3A_954], %parallel_loop3A_952 {strides = array<i32>} : memref<32x768xf32, #tpu.memory_space<vmem>>, vector<16xf32>,
          } {sc.loop_unroll_factor = 16 : i64, sc.parallel_access}
        } else {
        }
        %scan3A_930 = arith.constant 0 : i32
        scf.yield %scan3A_930 : i32
      }
      %scan3A_868 = arith.constant 32 : i32
      %mul3A_869 = arith.constant 32 : i32
      %mul3A_870 = arith.muli %add3A_840, %mul3A_869 : i32
      %add3A_871 = arith.addi %mul3A_32, %mul3A_870 : i32
      %dma_start3A_872 = arith.constant 0 : i32
      %dma_start3A_873 = tpu.memref_slice %arg4[%select_n3A, %add3A_871, %dma_start3A_872] : memref<16x1024x768xf32, #tpu.memory_space<hbm>> -> memref<1x32x768xf32, #tpu.memory_space<hbm>>
      %dma_start3A_874 = tpu.memref_squeeze %dma_start3A_873 : memref<1x32x768xf32, #tpu.memory_space<hbm>> -> memref<32x768xf32, #tpu.memory_space<hbm>>
      %dma_start3A_875 = arith.constant 0 : i32
      %dma_start3A_876 = tpu.memref_slice %arg4[%select_n3A, %add3A_871, %dma_start3A_875] : memref<16x1024x768xf32, #tpu.memory_space<hbm>> -> memref<1x32x768xf32, #tpu.memory_space<hbm>>
      %dma_start3A_877 = tpu.memref_squeeze %dma_start3A_876 : memref<1x32x768xf32, #tpu.memory_space<hbm>> -> memref<32x768xf32, #tpu.memory_space<hbm>>
      tpu.enqueue_dma source(%arg8 : memref<32x768xf32, #tpu.memory_space<vmem>>) target(%dma_start3A_877 : memref<32x768xf32, #tpu.memory_space<hbm>>) target_semaphore(%arg20 : memref<!tpu.dma_semaphore, #tpu.memory_space<semaphore_mem>>)
      %mul3A_878 = arith.constant 5 : i32
      %mul3A_879 = arith.muli %scan3A_714, %mul3A_878 : i32
      %add3A_880 = arith.constant 4 : i32
      %add3A_881 = arith.addi %mul3A_879, %add3A_880 : i32
      %ge3A_882 = arith.constant 4 : i32
      %ge3A_883 = arith.cmpi sge, %add3A_881, %ge3A_882 : i32
      %convert_element_type3A_884 = arith.extui %ge3A_883 : i1 to i32
      %cond3A_885 = arith.constant 0 : i32
      %cond3A_886 = arith.cmpi ne, %convert_element_type3A_884, %cond3A_885 : i32
      scf.if %cond3A_886 {
        %sub3A_920 = arith.constant 4 : i32
        %sub3A_921 = arith.subi %add3A_881, %sub3A_920 : i32
        %mul3A_922 = arith.constant 32 : i32
        %mul3A_923 = arith.muli %sub3A_921, %mul3A_922 : i32
        %add3A_924 = arith.addi %mul3A_32, %mul3A_923 : i32
        %dma_wait3A_925 = arith.constant 0 : i32
        %dma_wait3A_926 = tpu.memref_slice %arg4[%select_n3A, %add3A_924, %dma_wait3A_925] : memref<16x1024x768xf32, #tpu.memory_space<hbm>> -> memref<1x32x768xf32, #tpu.memory_space<hbm>>
        %dma_wait3A_927 = tpu.memref_squeeze %dma_wait3A_926 : memref<1x32x768xf32, #tpu.memory_space<hbm>> -> memref<32x768xf32, #tpu.memory_space<hbm>>
        %dma_wait3A_928 = arith.constant 0 : i32
        %dma_wait3A_929 = tpu.memref_slice %arg4[%select_n3A, %add3A_924, %dma_wait3A_928] : memref<16x1024x768xf32, #tpu.memory_space<hbm>> -> memref<1x32x768xf32, #tpu.memory_space<hbm>>
        %dma_wait3A_930 = tpu.memref_squeeze %dma_wait3A_929 : memref<1x32x768xf32, #tpu.memory_space<hbm>> -> memref<32x768xf32, #tpu.memory_space<hbm>>
        tpu.wait_dma2 semaphore(%arg17 : memref<!tpu.dma_semaphore, #tpu.memory_space<semaphore_mem>>) src(%arg5 : memref<32x768xf32, #tpu.memory_space<vmem>>) dst(%dma_wait3A_930 : memref<32x768xf32, #tpu.memory_space<hbm>>)
      } else {
      }
      %add3A_887 = arith.constant 1 : i32
      %add3A_888 = arith.addi %add3A_881, %add3A_887 : i32
      %lt3A_889 = arith.constant 16 : i32
      %lt3A_890 = arith.cmpi slt, %add3A_888, %lt3A_889 : i32
      %convert_element_type3A_891 = arith.extui %lt3A_890 : i1 to i32
      %cond3A_892 = arith.constant 0 : i32
      %cond3A_893 = arith.cmpi ne, %convert_element_type3A_891, %cond3A_892 : i32
      scf.if %cond3A_893 {
        %add3A_920 = arith.constant 1 : i32
        %add3A_921 = arith.addi %add3A_881, %add3A_920 : i32
        %mul3A_922 = arith.constant 32 : i32
        %mul3A_923 = arith.muli %add3A_921, %mul3A_922 : i32
        %add3A_924 = arith.addi %mul3A_32, %mul3A_923 : i32
        %dma_start3A_925 = arith.constant 0 : i32
        %dma_start3A_926 = tpu.memref_slice %arg2[%select_n3A, %add3A_924, %dma_start3A_925] : memref<16x1024x768xf32, #tpu.memory_space<hbm>> -> memref<1x32x768xf32, #tpu.memory_space<hbm>>
        %dma_start3A_927 = tpu.memref_squeeze %dma_start3A_926 : memref<1x32x768xf32, #tpu.memory_space<hbm>> -> memref<32x768xf32, #tpu.memory_space<hbm>>
        %dma_start3A_928 = arith.constant 0 : i32
        %dma_start3A_929 = tpu.memref_slice %arg2[%select_n3A, %add3A_924, %dma_start3A_928] : memref<16x1024x768xf32, #tpu.memory_space<hbm>> -> memref<1x32x768xf32, #tpu.memory_space<hbm>>
        %dma_start3A_930 = tpu.memref_squeeze %dma_start3A_929 : memref<1x32x768xf32, #tpu.memory_space<hbm>> -> memref<32x768xf32, #tpu.memory_space<hbm>>
        tpu.enqueue_dma source(%dma_start3A_930 : memref<32x768xf32, #tpu.memory_space<hbm>>) target(%arg5 : memref<32x768xf32, #tpu.memory_space<vmem>>) target_semaphore(%arg12 : memref<!tpu.dma_semaphore, #tpu.memory_space<semaphore_mem>>)
      } else {
      }
      %mul3A_894 = arith.constant 32 : i32
      %mul3A_895 = arith.muli %add3A_881, %mul3A_894 : i32
      %add3A_896 = arith.addi %mul3A_32, %mul3A_895 : i32
      %dma_wait3A_897 = arith.constant 0 : i32
      %dma_wait3A_898 = tpu.memref_slice %arg2[%select_n3A, %add3A_896, %dma_wait3A_897] : memref<16x1024x768xf32, #tpu.memory_space<hbm>> -> memref<1x32x768xf32, #tpu.memory_space<hbm>>
      %dma_wait3A_899 = tpu.memref_squeeze %dma_wait3A_898 : memref<1x32x768xf32, #tpu.memory_space<hbm>> -> memref<32x768xf32, #tpu.memory_space<hbm>>
      %dma_wait3A_900 = arith.constant 0 : i32
      %dma_wait3A_901 = tpu.memref_slice %arg2[%select_n3A, %add3A_896, %dma_wait3A_900] : memref<16x1024x768xf32, #tpu.memory_space<hbm>> -> memref<1x32x768xf32, #tpu.memory_space<hbm>>
      %dma_wait3A_902 = tpu.memref_squeeze %dma_wait3A_901 : memref<1x32x768xf32, #tpu.memory_space<hbm>> -> memref<32x768xf32, #tpu.memory_space<hbm>>
      tpu.wait_dma2 semaphore(%arg16 : memref<!tpu.dma_semaphore, #tpu.memory_space<semaphore_mem>>) src(%dma_wait3A_902 : memref<32x768xf32, #tpu.memory_space<hbm>>) dst(%arg9 : memref<32x768xf32, #tpu.memory_space<vmem>>)
      %scan3A_903 = arith.constant 0 : i32
      %scan3A_904 = arith.constant 0 : i32
      %scan3A_905 = arith.constant 32 : i32
      %scan3A_906 = arith.addi %scan3A_904, %scan3A_905 : i32
      %scan3A_907 = arith.constant 1 : i32
      %scan3A_908 = scf.for %scan3A_920 = %scan3A_904 to %scan3A_906 step %scan3A_907 iter_args(%scan3A_921 = %scan3A_903) -> (i32)  : i32 {
        %mul3A_922 = arith.constant 32 : i32
        %mul3A_923 = arith.muli %add3A_881, %mul3A_922 : i32
        %add3A_924 = arith.addi %mul3A_923, %scan3A_920 : i32
        %broadcast_in_dim3A_925 = vector.broadcast %add3A_924 : i32 to vector<16xi32>
        %gather3A = tpu.vector_load_idx %arg10[%broadcast_in_dim3A_925] : memref<512xf32, #tpu.memory_space<vmem>>[vector<16xi32>], vector<16xf32>,
        %slice3A = vector.extract_strided_slice %gather3A {offsets = [0], sizes = [1], strides = [1]} : vector<16xf32> to vector<1xf32>
        %squeeze3A = vector.extract %slice3A[0] : f32 from vector<1xf32>
        %gt3A = arith.constant 5.000000e-01 : f32
        %gt3A_926 = arith.cmpf ogt, %squeeze3A, %gt3A : f32
        %convert_element_type3A_927 = arith.extui %gt3A_926 : i1 to i32
        %cond3A_928 = arith.constant 0 : i32
        %cond3A_929 = arith.cmpi ne, %convert_element_type3A_927, %cond3A_928 : i32
        scf.if %cond3A_929 {
          %parallel_loop3A = arith.constant 0 : i32
          %parallel_loop3A_931 = arith.constant 768 : i32
          %parallel_loop3A_932 = arith.constant 16 : i32
          scf.for %parallel_loop3A_933 = %parallel_loop3A to %parallel_loop3A_931 step %parallel_loop3A_932  : i32 {
            %parallel_loop3A_934 = arith.index_cast %scan3A_920 : i32 to index
            %parallel_loop3A_935 = arith.index_cast %parallel_loop3A_933 : i32 to index
            %parallel_loop3A_936 = tpu.vector_load %arg9[%parallel_loop3A_934, %parallel_loop3A_935] {strides = array<i32>} : memref<32x768xf32, #tpu.memory_space<vmem>>, vector<16xf32>,
            %parallel_loop3A_937 = arith.mulf %parallel_loop3A_936, %parallel_loop3A_936 : vector<16xf32>
            %parallel_loop3A_938 = arith.constant -1.59576917 : f32
            %parallel_loop3A_939 = vector.broadcast %parallel_loop3A_938 : f32 to vector<16xf32>
            %parallel_loop3A_940 = arith.mulf %parallel_loop3A_939, %parallel_loop3A_936 : vector<16xf32>
            %parallel_loop3A_941 = arith.constant 4.471500e-02 : f32
            %parallel_loop3A_942 = vector.broadcast %parallel_loop3A_941 : f32 to vector<16xf32>
            %parallel_loop3A_943 = arith.mulf %parallel_loop3A_942, %parallel_loop3A_937 : vector<16xf32>
            %parallel_loop3A_944 = arith.constant 1.000000e+00 : f32
            %parallel_loop3A_945 = vector.broadcast %parallel_loop3A_944 : f32 to vector<16xf32>
            %parallel_loop3A_946 = arith.addf %parallel_loop3A_945, %parallel_loop3A_943 : vector<16xf32>
            %parallel_loop3A_947 = arith.mulf %parallel_loop3A_940, %parallel_loop3A_946 : vector<16xf32>
            %parallel_loop3A_948 = math.exp %parallel_loop3A_947 : vector<16xf32>
            %parallel_loop3A_949 = arith.constant 1.000000e+00 : f32
            %parallel_loop3A_950 = vector.broadcast %parallel_loop3A_949 : f32 to vector<16xf32>
            %parallel_loop3A_951 = arith.addf %parallel_loop3A_950, %parallel_loop3A_948 : vector<16xf32>
            %parallel_loop3A_952 = arith.divf %parallel_loop3A_936, %parallel_loop3A_951 : vector<16xf32>
            %parallel_loop3A_953 = arith.index_cast %scan3A_920 : i32 to index
            %parallel_loop3A_954 = arith.index_cast %parallel_loop3A_933 : i32 to index
            %parallel_loop3A_955 = tpu.vector_load %arg9[%parallel_loop3A_953, %parallel_loop3A_954] {strides = array<i32>} : memref<32x768xf32, #tpu.memory_space<vmem>>, vector<16xf32>,
            tpu.vector_store %arg9[%parallel_loop3A_953, %parallel_loop3A_954], %parallel_loop3A_952 {strides = array<i32>} : memref<32x768xf32, #tpu.memory_space<vmem>>, vector<16xf32>,
          } {sc.loop_unroll_factor = 16 : i64, sc.parallel_access}
        } else {
        }
        %scan3A_930 = arith.constant 0 : i32
        scf.yield %scan3A_930 : i32
      }
      %scan3A_909 = arith.constant 32 : i32
      %mul3A_910 = arith.constant 32 : i32
      %mul3A_911 = arith.muli %add3A_881, %mul3A_910 : i32
      %add3A_912 = arith.addi %mul3A_32, %mul3A_911 : i32
      %dma_start3A_913 = arith.constant 0 : i32
      %dma_start3A_914 = tpu.memref_slice %arg4[%select_n3A, %add3A_912, %dma_start3A_913] : memref<16x1024x768xf32, #tpu.memory_space<hbm>> -> memref<1x32x768xf32, #tpu.memory_space<hbm>>
      %dma_start3A_915 = tpu.memref_squeeze %dma_start3A_914 : memref<1x32x768xf32, #tpu.memory_space<hbm>> -> memref<32x768xf32, #tpu.memory_space<hbm>>
      %dma_start3A_916 = arith.constant 0 : i32
      %dma_start3A_917 = tpu.memref_slice %arg4[%select_n3A, %add3A_912, %dma_start3A_916] : memref<16x1024x768xf32, #tpu.memory_space<hbm>> -> memref<1x32x768xf32, #tpu.memory_space<hbm>>
      %dma_start3A_918 = tpu.memref_squeeze %dma_start3A_917 : memref<1x32x768xf32, #tpu.memory_space<hbm>> -> memref<32x768xf32, #tpu.memory_space<hbm>>
      tpu.enqueue_dma source(%arg9 : memref<32x768xf32, #tpu.memory_space<vmem>>) target(%dma_start3A_918 : memref<32x768xf32, #tpu.memory_space<hbm>>) target_semaphore(%arg21 : memref<!tpu.dma_semaphore, #tpu.memory_space<semaphore_mem>>)
      %scan3A_919 = arith.constant 0 : i32
      scf.yield %scan3A_919 : i32
    }
    %scan3A_651 = arith.constant 3 : i32
    %add3A_652 = arith.constant 352 : i32
    %add3A_653 = arith.addi %mul3A_32, %add3A_652 : i32
    %dma_wait3A = arith.constant 0 : i32
    %dma_wait3A_654 = tpu.memref_slice %arg4[%select_n3A, %add3A_653, %dma_wait3A] : memref<16x1024x768xf32, #tpu.memory_space<hbm>> -> memref<1x32x768xf32, #tpu.memory_space<hbm>>
    %dma_wait3A_655 = tpu.memref_squeeze %dma_wait3A_654 : memref<1x32x768xf32, #tpu.memory_space<hbm>> -> memref<32x768xf32, #tpu.memory_space<hbm>>
    %dma_wait3A_656 = arith.constant 0 : i32
    %dma_wait3A_657 = tpu.memref_slice %arg4[%select_n3A, %add3A_653, %dma_wait3A_656] : memref<16x1024x768xf32, #tpu.memory_space<hbm>> -> memref<1x32x768xf32, #tpu.memory_space<hbm>>
    %dma_wait3A_658 = tpu.memref_squeeze %dma_wait3A_657 : memref<1x32x768xf32, #tpu.memory_space<hbm>> -> memref<32x768xf32, #tpu.memory_space<hbm>>
    tpu.wait_dma2 semaphore(%arg18 : memref<!tpu.dma_semaphore, #tpu.memory_space<semaphore_mem>>) src(%arg6 : memref<32x768xf32, #tpu.memory_space<vmem>>) dst(%dma_wait3A_658 : memref<32x768xf32, #tpu.memory_space<hbm>>)
    %add3A_659 = arith.constant 480 : i32
    %add3A_660 = arith.addi %mul3A_32, %add3A_659 : i32
    %dma_wait3A_661 = arith.constant 0 : i32
    %dma_wait3A_662 = tpu.memref_slice %arg2[%select_n3A, %add3A_660, %dma_wait3A_661] : memref<16x1024x768xf32, #tpu.memory_space<hbm>> -> memref<1x32x768xf32, #tpu.memory_space<hbm>>
    %dma_wait3A_663 = tpu.memref_squeeze %dma_wait3A_662 : memref<1x32x768xf32, #tpu.memory_space<hbm>> -> memref<32x768xf32, #tpu.memory_space<hbm>>
    %dma_wait3A_664 = arith.constant 0 : i32
    %dma_wait3A_665 = tpu.memref_slice %arg2[%select_n3A, %add3A_660, %dma_wait3A_664] : memref<16x1024x768xf32, #tpu.memory_space<hbm>> -> memref<1x32x768xf32, #tpu.memory_space<hbm>>
    %dma_wait3A_666 = tpu.memref_squeeze %dma_wait3A_665 : memref<1x32x768xf32, #tpu.memory_space<hbm>> -> memref<32x768xf32, #tpu.memory_space<hbm>>
    tpu.wait_dma2 semaphore(%arg12 : memref<!tpu.dma_semaphore, #tpu.memory_space<semaphore_mem>>) src(%dma_wait3A_666 : memref<32x768xf32, #tpu.memory_space<hbm>>) dst(%arg5 : memref<32x768xf32, #tpu.memory_space<vmem>>)
    %scan3A_667 = arith.constant 0 : i32
    %scan3A_668 = arith.constant 0 : i32
    %scan3A_669 = arith.constant 32 : i32
    %scan3A_670 = arith.addi %scan3A_668, %scan3A_669 : i32
    %scan3A_671 = arith.constant 1 : i32
    %scan3A_672 = scf.for %scan3A_714 = %scan3A_668 to %scan3A_670 step %scan3A_671 iter_args(%scan3A_715 = %scan3A_667) -> (i32)  : i32 {
      %add3A_716 = arith.constant 480 : i32
      %add3A_717 = arith.addi %add3A_716, %scan3A_714 : i32
      %broadcast_in_dim3A_718 = vector.broadcast %add3A_717 : i32 to vector<16xi32>
      %gather3A = tpu.vector_load_idx %arg10[%broadcast_in_dim3A_718] : memref<512xf32, #tpu.memory_space<vmem>>[vector<16xi32>], vector<16xf32>,
      %slice3A = vector.extract_strided_slice %gather3A {offsets = [0], sizes = [1], strides = [1]} : vector<16xf32> to vector<1xf32>
      %squeeze3A = vector.extract %slice3A[0] : f32 from vector<1xf32>
      %gt3A = arith.constant 5.000000e-01 : f32
      %gt3A_719 = arith.cmpf ogt, %squeeze3A, %gt3A : f32
      %convert_element_type3A = arith.extui %gt3A_719 : i1 to i32
      %cond3A = arith.constant 0 : i32
      %cond3A_720 = arith.cmpi ne, %convert_element_type3A, %cond3A : i32
      scf.if %cond3A_720 {
        %parallel_loop3A = arith.constant 0 : i32
        %parallel_loop3A_722 = arith.constant 768 : i32
        %parallel_loop3A_723 = arith.constant 16 : i32
        scf.for %parallel_loop3A_724 = %parallel_loop3A to %parallel_loop3A_722 step %parallel_loop3A_723  : i32 {
          %parallel_loop3A_725 = arith.index_cast %scan3A_714 : i32 to index
          %parallel_loop3A_726 = arith.index_cast %parallel_loop3A_724 : i32 to index
          %parallel_loop3A_727 = tpu.vector_load %arg5[%parallel_loop3A_725, %parallel_loop3A_726] {strides = array<i32>} : memref<32x768xf32, #tpu.memory_space<vmem>>, vector<16xf32>,
          %parallel_loop3A_728 = arith.mulf %parallel_loop3A_727, %parallel_loop3A_727 : vector<16xf32>
          %parallel_loop3A_729 = arith.constant -1.59576917 : f32
          %parallel_loop3A_730 = vector.broadcast %parallel_loop3A_729 : f32 to vector<16xf32>
          %parallel_loop3A_731 = arith.mulf %parallel_loop3A_730, %parallel_loop3A_727 : vector<16xf32>
          %parallel_loop3A_732 = arith.constant 4.471500e-02 : f32
          %parallel_loop3A_733 = vector.broadcast %parallel_loop3A_732 : f32 to vector<16xf32>
          %parallel_loop3A_734 = arith.mulf %parallel_loop3A_733, %parallel_loop3A_728 : vector<16xf32>
          %parallel_loop3A_735 = arith.constant 1.000000e+00 : f32
          %parallel_loop3A_736 = vector.broadcast %parallel_loop3A_735 : f32 to vector<16xf32>
          %parallel_loop3A_737 = arith.addf %parallel_loop3A_736, %parallel_loop3A_734 : vector<16xf32>
          %parallel_loop3A_738 = arith.mulf %parallel_loop3A_731, %parallel_loop3A_737 : vector<16xf32>
          %parallel_loop3A_739 = math.exp %parallel_loop3A_738 : vector<16xf32>
          %parallel_loop3A_740 = arith.constant 1.000000e+00 : f32
          %parallel_loop3A_741 = vector.broadcast %parallel_loop3A_740 : f32 to vector<16xf32>
          %parallel_loop3A_742 = arith.addf %parallel_loop3A_741, %parallel_loop3A_739 : vector<16xf32>
          %parallel_loop3A_743 = arith.divf %parallel_loop3A_727, %parallel_loop3A_742 : vector<16xf32>
          %parallel_loop3A_744 = arith.index_cast %scan3A_714 : i32 to index
          %parallel_loop3A_745 = arith.index_cast %parallel_loop3A_724 : i32 to index
          %parallel_loop3A_746 = tpu.vector_load %arg5[%parallel_loop3A_744, %parallel_loop3A_745] {strides = array<i32>} : memref<32x768xf32, #tpu.memory_space<vmem>>, vector<16xf32>,
          tpu.vector_store %arg5[%parallel_loop3A_744, %parallel_loop3A_745], %parallel_loop3A_743 {strides = array<i32>} : memref<32x768xf32, #tpu.memory_space<vmem>>, vector<16xf32>,
        } {sc.loop_unroll_factor = 16 : i64, sc.parallel_access}
      } else {
      }
      %scan3A_721 = arith.constant 0 : i32
      scf.yield %scan3A_721 : i32
    }
    %scan3A_673 = arith.constant 32 : i32
    %add3A_674 = arith.constant 480 : i32
    %add3A_675 = arith.addi %mul3A_32, %add3A_674 : i32
    %dma_start3A_676 = arith.constant 0 : i32
    %dma_start3A_677 = tpu.memref_slice %arg4[%select_n3A, %add3A_675, %dma_start3A_676] : memref<16x1024x768xf32, #tpu.memory_space<hbm>> -> memref<1x32x768xf32, #tpu.memory_space<hbm>>
    %dma_start3A_678 = tpu.memref_squeeze %dma_start3A_677 : memref<1x32x768xf32, #tpu.memory_space<hbm>> -> memref<32x768xf32, #tpu.memory_space<hbm>>
    %dma_start3A_679 = arith.constant 0 : i32
    %dma_start3A_680 = tpu.memref_slice %arg4[%select_n3A, %add3A_675, %dma_start3A_679] : memref<16x1024x768xf32, #tpu.memory_space<hbm>> -> memref<1x32x768xf32, #tpu.memory_space<hbm>>
    %dma_start3A_681 = tpu.memref_squeeze %dma_start3A_680 : memref<1x32x768xf32, #tpu.memory_space<hbm>> -> memref<32x768xf32, #tpu.memory_space<hbm>>
    tpu.enqueue_dma source(%arg5 : memref<32x768xf32, #tpu.memory_space<vmem>>) target(%dma_start3A_681 : memref<32x768xf32, #tpu.memory_space<hbm>>) target_semaphore(%arg17 : memref<!tpu.dma_semaphore, #tpu.memory_space<semaphore_mem>>)
    %add3A_682 = arith.constant 384 : i32
    %add3A_683 = arith.addi %mul3A_32, %add3A_682 : i32
    %dma_wait3A_684 = arith.constant 0 : i32
    %dma_wait3A_685 = tpu.memref_slice %arg4[%select_n3A, %add3A_683, %dma_wait3A_684] : memref<16x1024x768xf32, #tpu.memory_space<hbm>> -> memref<1x32x768xf32, #tpu.memory_space<hbm>>
    %dma_wait3A_686 = tpu.memref_squeeze %dma_wait3A_685 : memref<1x32x768xf32, #tpu.memory_space<hbm>> -> memref<32x768xf32, #tpu.memory_space<hbm>>
    %dma_wait3A_687 = arith.constant 0 : i32
    %dma_wait3A_688 = tpu.memref_slice %arg4[%select_n3A, %add3A_683, %dma_wait3A_687] : memref<16x1024x768xf32, #tpu.memory_space<hbm>> -> memref<1x32x768xf32, #tpu.memory_space<hbm>>
    %dma_wait3A_689 = tpu.memref_squeeze %dma_wait3A_688 : memref<1x32x768xf32, #tpu.memory_space<hbm>> -> memref<32x768xf32, #tpu.memory_space<hbm>>
    tpu.wait_dma2 semaphore(%arg19 : memref<!tpu.dma_semaphore, #tpu.memory_space<semaphore_mem>>) src(%arg7 : memref<32x768xf32, #tpu.memory_space<vmem>>) dst(%dma_wait3A_689 : memref<32x768xf32, #tpu.memory_space<hbm>>)
    %add3A_690 = arith.constant 416 : i32
    %add3A_691 = arith.addi %mul3A_32, %add3A_690 : i32
    %dma_wait3A_692 = arith.constant 0 : i32
    %dma_wait3A_693 = tpu.memref_slice %arg4[%select_n3A, %add3A_691, %dma_wait3A_692] : memref<16x1024x768xf32, #tpu.memory_space<hbm>> -> memref<1x32x768xf32, #tpu.memory_space<hbm>>
    %dma_wait3A_694 = tpu.memref_squeeze %dma_wait3A_693 : memref<1x32x768xf32, #tpu.memory_space<hbm>> -> memref<32x768xf32, #tpu.memory_space<hbm>>
    %dma_wait3A_695 = arith.constant 0 : i32
    %dma_wait3A_696 = tpu.memref_slice %arg4[%select_n3A, %add3A_691, %dma_wait3A_695] : memref<16x1024x768xf32, #tpu.memory_space<hbm>> -> memref<1x32x768xf32, #tpu.memory_space<hbm>>
    %dma_wait3A_697 = tpu.memref_squeeze %dma_wait3A_696 : memref<1x32x768xf32, #tpu.memory_space<hbm>> -> memref<32x768xf32, #tpu.memory_space<hbm>>
    tpu.wait_dma2 semaphore(%arg20 : memref<!tpu.dma_semaphore, #tpu.memory_space<semaphore_mem>>) src(%arg8 : memref<32x768xf32, #tpu.memory_space<vmem>>) dst(%dma_wait3A_697 : memref<32x768xf32, #tpu.memory_space<hbm>>)
    %add3A_698 = arith.constant 448 : i32
    %add3A_699 = arith.addi %mul3A_32, %add3A_698 : i32
    %dma_wait3A_700 = arith.constant 0 : i32
    %dma_wait3A_701 = tpu.memref_slice %arg4[%select_n3A, %add3A_699, %dma_wait3A_700] : memref<16x1024x768xf32, #tpu.memory_space<hbm>> -> memref<1x32x768xf32, #tpu.memory_space<hbm>>
    %dma_wait3A_702 = tpu.memref_squeeze %dma_wait3A_701 : memref<1x32x768xf32, #tpu.memory_space<hbm>> -> memref<32x768xf32, #tpu.memory_space<hbm>>
    %dma_wait3A_703 = arith.constant 0 : i32
    %dma_wait3A_704 = tpu.memref_slice %arg4[%select_n3A, %add3A_699, %dma_wait3A_703] : memref<16x1024x768xf32, #tpu.memory_space<hbm>> -> memref<1x32x768xf32, #tpu.memory_space<hbm>>
    %dma_wait3A_705 = tpu.memref_squeeze %dma_wait3A_704 : memref<1x32x768xf32, #tpu.memory_space<hbm>> -> memref<32x768xf32, #tpu.memory_space<hbm>>
    tpu.wait_dma2 semaphore(%arg21 : memref<!tpu.dma_semaphore, #tpu.memory_space<semaphore_mem>>) src(%arg9 : memref<32x768xf32, #tpu.memory_space<vmem>>) dst(%dma_wait3A_705 : memref<32x768xf32, #tpu.memory_space<hbm>>)
    %add3A_706 = arith.constant 480 : i32
    %add3A_707 = arith.addi %mul3A_32, %add3A_706 : i32
    %dma_wait3A_708 = arith.constant 0 : i32
    %dma_wait3A_709 = tpu.memref_slice %arg4[%select_n3A, %add3A_707, %dma_wait3A_708] : memref<16x1024x768xf32, #tpu.memory_space<hbm>> -> memref<1x32x768xf32, #tpu.memory_space<hbm>>
    %dma_wait3A_710 = tpu.memref_squeeze %dma_wait3A_709 : memref<1x32x768xf32, #tpu.memory_space<hbm>> -> memref<32x768xf32, #tpu.memory_space<hbm>>
    %dma_wait3A_711 = arith.constant 0 : i32
    %dma_wait3A_712 = tpu.memref_slice %arg4[%select_n3A, %add3A_707, %dma_wait3A_711] : memref<16x1024x768xf32, #tpu.memory_space<hbm>> -> memref<1x32x768xf32, #tpu.memory_space<hbm>>
    %dma_wait3A_713 = tpu.memref_squeeze %dma_wait3A_712 : memref<1x32x768xf32, #tpu.memory_space<hbm>> -> memref<32x768xf32, #tpu.memory_space<hbm>>
    tpu.wait_dma2 semaphore(%arg17 : memref<!tpu.dma_semaphore, #tpu.memory_space<semaphore_mem>>) src(%arg5 : memref<32x768xf32, #tpu.memory_space<vmem>>) dst(%dma_wait3A_713 : memref<32x768xf32, #tpu.memory_space<hbm>>)
    return
  }
}

</mosaic_0001>

<sc_bundles>
// kernel: kernel.3.cloned.1.call-start
scs
__scs_entry_jumppad:
0x0: {  	(pc) =	sbr.rel $0x88, $3  }
0x1: {  	(tag) =	ssettag $0x0;
	lr =	simm.s32 $0x1  }
0x2: {  	[smem:$0x3F9F] =	sst lr;
	_ =	strace $0xD0000000  }
0x3: {  	_ = 	snop  }
0x4: {  	_ = 	snop  }
0x5: {  	_ = 	snop  }
0x6: {  	_ = 	snop  }
0x7: {  	_ = 	snop  }
__scs_overlays_trampoline_lowered:
0x8: {  	[smem:$0x3FAE] =	sst s0  }
0x9: {  	[smem:$0x3FAF] =	sst s1  }
0xa: {  	[smem:$0x3FB0] =	sst s2  }
0xb: {  	[smem:$0x3FB1] =	sst s3  }
0xc: {  	[smem:$0x3FB2] =	sst s4  }
0xd: {  	[smem:$0x3FB3] =	sst s5  }
0xe: {  	[smem:$0x3FB4] =	sst s6  }
0xf: {  	[smem:$0x3FB5] =	sst s7  }
0x10: {  	[smem:$0x3FB6] =	sst s8  }
0x11: {  	[smem:$0x3FB7] =	sst s9;
	s0 =	simm.s32 @!p0 $0x0  }
0x12: {  	s1 =	sld [smem:$0x3F9D];
	s0 =	simm.s32 @p0 $0x1  }
0x13: {  	[smem:$0x3FB8] =	sst s0;
	s0 =	simm.s32 @!p1 $0x0  }
0x14: {  	s2 =	sld [smem:$0x3F9C];
	s0 =	simm.s32 @p1 $0x1  }
0x15: {  	[smem:$0x3FB9] =	sst s0;
	s0 =	simm.s32 @!p2 $0x0  }
0x16: {  	s3 =	sld [smem:$0x3FDB];
	s0 =	simm.s32 @p2 $0x1  }
0x17: {  	s4 =	simm.s32 $0x1BF5;
	[smem:$0x3FBB] =	sst s0  }
0x18: {  	s0 =	sld [smem:$0x3F9E];
	_ =	swait.ge [sflag:s4], $0x0  }
0x19: {  	s7 =	sld [smem:$0x3F9F]  }
0x1a: {  	s8 =	sadd.s32 $0xFFFFE003, lr  }
0x1b: {  	s9 =	sadd.s32 $0xFFFFFEF7, lr;
	s5 =	simm.s32 $0xFFFFFFFF;
	p2 =	slt.u32 s8, $0xFFFFF086  }
0x1c: {  	p1 =	slt.u32 s9, $0xF7A;
	s5 =	simm.s32 @!p2 $0x0  }
0x1d: {  	s5 =	simm.s32 @p1 $0x1;
	p0 =	seq.s32 s7, s2  }
0x1e: {  	s7 =	smul.u32 @!p0 $0xF7A, s2;
	p2 =	seq.s32 @!p0 s5, $0x0  }
0x1f: {  	s9 =	smul.u32 $0xF7A, s1;
	s8 =	simm.s32 @!p0 $0x1BF5;
	p2 =	por !p2, p0  }
0x20: {  	[sflag:s8] =	ssyncset.s32 @!p0 $0xFFFFF086;
	s6 =	sadd.s32 @!p0 s3, s7;
	s7 =	simm.s32 @!p0 $0x108  }
0x21: {  	s3 =	sadd.s32 s3, s9;
	s6 =	sadd.s32 @!p0 $0x88, s6;
	s7 =	simm.s32 @p2 $0x1082  }
0x22: {  	[simem:s7], [sflag:s8] =	dma.local @!p0 [hbm:s6], $0xF7A  }
0x23: {  	s9 =	sor.u32 $0xD0000000, s2;
	s6 =	simm.s32 $0x108;
	_ =	swait.ge @!p0 [sflag:s8], $0x0  }
0x24: {  	s3 =	sadd.s32 $0x88, s3;
	s6 =	simm.s32 @!p1 $0x1082;
	[sflag:s4] =	ssyncset.s32 $0xFFFFF086  }
0x25: {  	[simem:s6], [sflag:s4] =	dma.local [hbm:s3], $0xF7A  }
0x26: {  	[smem:$0x3F9F] =	sst s1;
	(tag) =	ssettag s2;
	_ =	strace s9  }
0x27: {  	s1 =	sld [smem:$0x3FAF]  }
0x28: {  	s2 =	sld [smem:$0x3FB0]  }
0x29: {  	s4 =	sld [smem:$0x3FB2]  }
0x2a: {  	p0 =	seq.s32 s5, $0x0;
	s5 =	sld [smem:$0x3FB3]  }
0x2b: {  	s6 =	sld [smem:$0x3FB4]  }
0x2c: {  	s7 =	sld [smem:$0x3FB5]  }
0x2d: {  	s3 =	simm.s32 $0x108;
	s8 =	sld [smem:$0x3FB6]  }
0x2e: {  	s3 =	simm.s32 @!p0 $0x1082;
	s9 =	sld [smem:$0x3FB7]  }
0x2f: {  	lr =	sadd.s32 s0, s3;
	s0 =	sld [smem:$0x3FAE]  }
0x30: {  	s3 =	sld [smem:$0x3FB1]  }
0x31: {  	[smem:$0x3FBA] =	sst s10  }
0x32: {  	s10 =	sld [smem:$0x3FB8];
	_ =	sdelay $0x3  }
0x33: {  	p0 =	seq.s32 s10, $0x1;
	s10 =	sld [smem:$0x3FBA];
	_ =	sdelay $0x3  }
0x34: {  	[smem:$0x3FBA] =	sst s10  }
0x35: {  	s10 =	sld [smem:$0x3FB9];
	_ =	sdelay $0x3  }
0x36: {  	p1 =	seq.s32 s10, $0x1;
	s10 =	sld [smem:$0x3FBA];
	_ =	sdelay $0x3  }
0x37: {  	[smem:$0x3FBA] =	sst s10  }
0x38: {  	s10 =	sld [smem:$0x3FBB]  }
0x39: {  	_ = 	snop;
	(pc) =	sbr.ind lr, $3  }
0x3a: {  	_ = 	snop  }
0x3b: {  	_ = 	snop  }
0x3c: {  	p2 =	seq.s32 s10, $0x1;
	s10 =	sld [smem:$0x3FBA]  }
0x3d: {  	_ =	shalt  }
0x3e: {  	_ =	shalt  }
0x3f: {  	_ =	shalt  }
0x40: {  	_ =	shalt  }
0x41: {  	_ =	shalt  }
0x42: {  	_ =	shalt  }
0x43: {  	_ =	shalt  }
0x44: {  	_ =	shalt  }
0x45: {  	_ =	shalt  }
0x46: {  	_ =	shalt  }
0x47: {  	_ =	shalt  }
0x48: {  	_ =	shalt  }
0x49: {  	_ =	shalt  }
0x4a: {  	_ =	shalt  }
0x4b: {  	_ =	shalt  }
0x4c: {  	_ =	shalt  }
0x4d: {  	_ =	shalt  }
0x4e: {  	_ =	shalt  }
0x4f: {  	_ =	shalt  }
0x50: {  	_ =	shalt  }
0x51: {  	_ =	shalt  }
0x52: {  	_ =	shalt  }
0x53: {  	_ =	shalt  }
0x54: {  	_ =	shalt  }
0x55: {  	_ =	shalt  }
0x56: {  	_ =	shalt  }
0x57: {  	_ =	shalt  }
0x58: {  	_ =	shalt  }
0x59: {  	_ =	shalt  }
0x5a: {  	_ =	shalt  }
0x5b: {  	_ =	shalt  }
0x5c: {  	_ =	shalt  }
0x5d: {  	_ =	shalt  }
0x5e: {  	_ =	shalt  }
0x5f: {  	_ =	shalt  }
0x60: {  	_ =	shalt  }
0x61: {  	_ =	shalt  }
0x62: {  	_ =	shalt  }
0x63: {  	_ =	shalt  }
0x64: {  	_ =	shalt  }
0x65: {  	_ =	shalt  }
0x66: {  	_ =	shalt  }
0x67: {  	_ =	shalt  }
0x68: {  	_ =	shalt  }
0x69: {  	_ =	shalt  }
0x6a: {  	_ =	shalt  }
0x6b: {  	_ =	shalt  }
0x6c: {  	_ =	shalt  }
0x6d: {  	_ =	shalt  }
0x6e: {  	_ =	shalt  }
0x6f: {  	_ =	shalt  }
0x70: {  	_ =	shalt  }
0x71: {  	_ =	shalt  }
0x72: {  	_ =	shalt  }
0x73: {  	_ =	shalt  }
0x74: {  	_ =	shalt  }
0x75: {  	_ =	shalt  }
0x76: {  	_ =	shalt  }
0x77: {  	_ =	shalt  }
0x78: {  	_ =	shalt  }
0x79: {  	_ =	shalt  }
0x7a: {  	_ =	shalt  }
0x7b: {  	_ =	shalt  }
0x7c: {  	_ =	shalt  }
0x7d: {  	_ =	shalt  }
0x7e: {  	_ =	shalt  }
0x7f: {  	_ =	shalt  }
0x80: {  	_ =	shalt  }
0x81: {  	_ =	shalt  }
0x82: {  	_ =	shalt  }
0x83: {  	_ =	shalt  }
0x84: {  	_ =	shalt  }
0x85: {  	_ =	shalt  }
0x86: {  	_ =	shalt  }
0x87: {  	_ =	shalt  }
.Lfunc_end0:
.L_simem_size_0:
called_computation_lowered:
.L_overlay_start_0:
0x88: {  	s2 =	sld [smem:$0x3FD9]  }
0x89: {  	s3 =	sld [smem:$0x3FFE];
	_ =	sdelay $0x1  }
0x8a: {  	s1 =	srdreg.scid  }
0x8b: {  	s0 =	sand.u32 $0x1, s1  }
0x8c: {  	s18 =	sshll.u32 s0, $0xA;
	s2 =	sadd.s32 s3, s2  }
0x8d: {  	s2 =	sadd.s32 s2, s18  }
0x8e: {  	[smem:$0x3FC6] =	sst s2  }
0x8f: {  	_ = 	snop  }
0x90: {  	s2 =	sld [smem:$0x3FC9]  }
0x91: {  	s19 =	sld [smem:$0x3FC8]  }
0x92: {  	s4 =	sld [smem:$0x3FD0];
	(tm) =	ssettm $0x1  }
0x93: {  	s5 =	sld [smem:$0x3FFB];
	_ =	sdelay $0x3  }
0x94: {  	_ =	strace s5  }
0x95: {  	s5 =	sld [smem:$0x3FFC];
	_ =	sdelay $0x3  }
0x96: {  	_ =	strace s5  }
0x97: {  	s5 =	sld [smem:$0x3FFD];
	_ =	sdelay $0x3  }
0x98: {  	_ =	strace s5  }
0x99: {  	_ =	strace $0x8FFFFFFF  }
0x9a: {  	s20 =	sld [smem:$0x3FDB];
	_ =	sdelay $0x1  }
0x9b: {  	s6 =	simm.s32 $_scs_section_size  }
0x9c: {  	s7 =	simm.s32 $_size__tile_overlayer_lowered;
	s8 =	simm.s32 $_tile_overlayer_lowered  }
0x9d: {  	s23 =	simm.s32 $0x1BFF;
	s22 =	sshll.u32 s8, $0x1;
	s5 =	sadd.s32 s6, s20  }
0x9e: {  	s9 =	simm.s32 $0x0;
	s21 =	sshll.u32 s7, $0x1;
	s7 =	sadd.s32 s22, s5  }
0x9f: {  	[timem:s9], [sflag:s23] =	dma.local [hbm:s7], s21  }
0xa0: {  	_ =	swait.ge [sflag:s23], s21  }
0xa1: {  	s6 =	ssub.s32 $0x0, s21;
	[sflag:s23] =	ssyncset.done $0x0  }
0xa2: {  	[sflag:s23] =	ssyncadd.s32 s6;
	_ =	sdelay $0x1  }
0xa3: {  	s24 =	simm.s32 $0x1B8B  }
0xa4: {  	_ =	swait.ge [sflag:s24], $0x1  }
0xa5: {  	[sflag:s24] =	ssyncset.done $0x0  }
0xa6: {  	s25 =	simm.s32 $0x1B8E;
	[sflag:s24] =	ssyncadd.s32 $0xFFFFFFFF  }
0xa7: {  	s26 =	simm.s32 $execute0_lowered;
	[smem:$0x3FD2] =	sst s25  }
0xa8: {  	s6 =	sshll.u32 s26, $0x1;
	_ =	strace $0x80000046;
	[dreg:$0x1] =	wrdreg $0xFFFFFFFF  }
0xa9: {  	s28 =	simm.s32 $_size_execute0_lowered;
	s5 =	sadd.s32 s5, s6;
	[dreg:$0x0] =	wrdreg $0x0  }
0xaa: {  	s6 =	sshll.u32 s28, $0x1;
	[dreg:$0x2] =	wrdreg s5  }
0xab: {  	[dreg:$0x3] =	wrdreg s6  }
0xac: {  	[dreg:$0x4] =	wrdreg $0xC0  }
0xad: {  	_ =	task [dreg:s9], $0x5FFFF  }
0xae: {  	[dreg:$0x1] =	wrdreg $0xFFFFFFFF  }
0xaf: {  	[dreg:$0x0] =	wrdreg $0x60  }
0xb0: {  	[dreg:$0x2] =	wrdreg s2  }
0xb1: {  	[dreg:$0x3] =	wrdreg s19  }
0xb2: {  	[dreg:$0x4] =	wrdreg s4  }
0xb3: {  	[dreg:$0x5] =	wrdreg $0x9  }
0xb4: {  	_ =	task.clear_ibuf [dreg:s9], $0x6FFFF;
	_ =	strace $0x90000046  }
0xb5: {  	s29 =	simm.s32 $0x9;
	_ =	strace $0x80000048  }
0xb6: {  	_ =	swait.ge [sflag:s29], $0x1  }
0xb7: {  	[sflag:s29] =	ssyncadd.s32 $0xFFFFFFFF  }
0xb8: {  	_ =	strace $0x90000048  }
0xb9: {  	_ =	sfence  }
0xba: {  	s30 =	sld [smem:$0x0];
	_ =	sdelay $0x2  }
0xbb: {  	s31 =	sshll.u32 s1, $0xD;
	s1 =	sshrl.u32 s1, $0x2  }
0xbc: {  	s3 =	sand.u32 $0x4000, s31;
	s1 =	sadd.s32 s1, s30  }
0xbd: {  	s0 =	sor.u32 s3, s0;
	s1 =	sshll.u32 s1, $0x11  }
0xbe: {  	s0 =	sor.u32 s1, s0  }
0xbf: {  	s0 =	sadd.s32 $0x8F2B, s0  }
0xc0: {  	[sflag:s0] =	ssyncadd.remote.s32 $0x1  }
0xc1: {  	_ =	sfence.sel $0xFFFF  }
0xc2: {  	[dreg:$0x0] =	wrdreg $0xFFFFFFFF;
	(pc) =	sbr.abs _section_cstart, $3  }
0xc3: {  	[dreg:$0x1] =	wrdreg $0xFFFFFFFF  }
0xc4: {  	_ =	task.clear_ibuf [dreg:s9], $0x2FFFF;
	_ =	strace $0x9FFFFFFF  }
0xc5: {  	(tm) =	ssettm $0x7FFFFFFF  }
tec
execute0_lowered:
.L_overlay_start_1:
0x0: {  	(tag) =	ssettag $0x1  }
0x1: {  	s0 =	srdreg.scid  }
0x2: {  	s3 =	stileid.u32;
	s2 =	rddreg [dreg:$0x0]  }
0x3: {  	s4 =	rddreg [dreg:$0x2];
	s6 =	simm.s32 $0x0;
	s15 =	simm.s32 $0x1E000  }
0x4: {  	s16 =	simm.s32 $0x6000;
	s17 =	simm.s32 $0xC000;
	s0 =	sand.u32 $0x1, s0  }
0x5: {  	s18 =	simm.s32 $0x2;
	s19 =	simm.s32 $0x12000;
	s1 =	sor.u32 s0, s3  }
0x6: {  	s20 =	simm.s32 $0x3;
	p1 =	seq.s32 s0, $0x1;
	p0 =	seq.s32 s1, $0x0  }
0x7: {  	s21 =	simm.s32 $0x18000;
	s28 =	simm.s32 $0x9;
	p0 =	por !p0, !p1  }
0x8: {  	s29 =	simm.s32 $0xA;
	s1 =	simm.s32 $0x1;
	p0 =	por !p0, !p0  }
0x9: {  	s30 =	simm.s32 $0x0;
	[smem:$0x7FF] =	sst s6;
	s1 =	simm.s32 @!p0 $0x0  }
0xa: {  	s22 =	smul.u32 $0x60000, s0;
	s23 =	ssub.s32 $0x2, s0;
	s1 =	ssub.s32 s3, s1  }
0xb: {  	s8 =	sshll.u32 s0, $0x9;
	s7 =	sshrl.u32 s23, $0x1;
	s5 =	smul.u32 $0xC0000, s1  }
0xc: {  	_ =	strace $0x80000047;
	s10 =	sor.u32 $0xA0, s8;
	s3 =	ssub.s32 s23, s7  }
.Ltmp0:
0xd: {  	s7 =	simm.s32 $0x1;
	s1 =	sadd.s32 s22, s5;
	(pc) =	sbr.rel .LBB2_1-.Ltmp0, $4  }
0xe: {  	s31 =	smax.u32 s3, $0x1;
	s9 =	sadd.s32 $0x5A000, s1;
	s24 =	sshrl.u32 s1, $0x3  }
0xf: {  	[dreg:$0x6] =	wrdreg s31;
	s25 =	sshrl.u32 s9, $0x3;
	s0 =	sadd.s32 s2, s24  }
0x10: {  	s23 =	simm.s32 $0x6;
	[dreg:$0x4] =	wrdreg s0;
	s26 =	sadd.s32 s4, s25  }
0x11: {  	v1 =	vimm.f32 $0.0e+00;
	v2 =	vimm.f32 $1.000000000e+00;
	v0 =	vmov s8;
	s22 =	simm.s32 $0x4;
	s24 =	simm.s32 $0x5;
	[dreg:$0x5] =	wrdreg s26  }
.LBB2_39:
0x12: {  	s0 =	rddreg [dreg:$0x5];
	s26 =	simm.s32 $0x8  }
0x13: {  	[hbm4b:s0+s6] =	stream.linear.scatter [tilespmem:s6], [sflag:$0x6], $0x6000, $0x38;
	[tilespmem:$0x1E400] =	vst v63  }
0x14: {  	_ =	swait.ge [sflag:s26], $0x6000  }
0x15: {  	[sflag:s26] =	ssyncset.done $0x0  }
0x16: {  	[sflag:s26] =	ssyncadd.s32 $0xFFFFA000  }
0x17: {  	_ =	swait.ge [sflag:s28], $0x6000  }
0x18: {  	[sflag:s28] =	ssyncset.done $0x0  }
0x19: {  	[sflag:s28] =	ssyncadd.s32 $0xFFFFA000  }
0x1a: {  	_ =	swait.ge [sflag:s29], $0x6000  }
0x1b: {  	[sflag:s29] =	ssyncset.done $0x0  }
0x1c: {  	[sflag:s29] =	ssyncadd.s32 $0xFFFFA000  }
0x1d: {  	_ =	swait.ge [sflag:s23], $0x6000  }
0x1e: {  	s30 =	sadd.s32 $0x1, s30;
	s31 =	rddreg [dreg:$0x6]  }
0x1f: {  	p0 =	sne.s32 s30, s31  }
.Ltmp1:
0x20: {  	_ = 	snop;
	(pc) =	sbr.rel @!p0 .LBB2_40-.Ltmp1, $3  }
0x21: {  	_ =	sdelay $0x1  }
0x22: {  	[sflag:s23] =	ssyncset.done $0x0  }
0x23: {  	[sflag:s23] =	ssyncadd.s32 $0xFFFFA000  }
.LBB2_1:
0x24: {  	s0 =	rddreg [dreg:$0x4]  }
0x25: {  	[tilespmem:s6], [sflag:$0x1] =	stream.linear.gather [hbm4b:s0+s6], $0x6000, $0x38;
	[tilespmem:$0x1E400] =	vst v63  }
0x26: {  	s25 =	rddreg [dreg:$0x1];
	s1 =	simm.s32 $0x1E200;
	s26 =	simm.s32 $0xB  }
0x27: {  	[tilespmem:s1], [sflag:$0xB] =	stream.linear.gather [hbm4b:s25+s6], $0x200, $0x38;
	[tilespmem:$0x1E400] =	vst v63  }
0x28: {  	_ =	swait.ge [sflag:s26], $0x200  }
0x29: {  	[sflag:s26] =	ssyncset.done $0x0  }
0x2a: {  	[sflag:s26] =	ssyncadd.s32 $0xFFFFFE00  }
0x2b: {  	[tilespmem:$0x1E000] =	vst v1  }
0x2c: {  	[tilespmem:$0x1E010] =	vst v1  }
0x2d: {  	[tilespmem:$0x1E020] =	vst v1  }
0x2e: {  	[tilespmem:$0x1E030] =	vst v1  }
0x2f: {  	[tilespmem:$0x1E040] =	vst v1  }
0x30: {  	[tilespmem:$0x1E050] =	vst v1  }
0x31: {  	[tilespmem:$0x1E060] =	vst v1  }
0x32: {  	[tilespmem:$0x1E070] =	vst v1  }
0x33: {  	[tilespmem:$0x1E080] =	vst v1  }
0x34: {  	[tilespmem:$0x1E090] =	vst v1  }
0x35: {  	[tilespmem:$0x1E0A0] =	vst v1  }
0x36: {  	[tilespmem:$0x1E0B0] =	vst v1  }
0x37: {  	[tilespmem:$0x1E0C0] =	vst v1  }
0x38: {  	[tilespmem:$0x1E0D0] =	vst v1  }
0x39: {  	[tilespmem:$0x1E0E0] =	vst v1  }
0x3a: {  	[tilespmem:$0x1E0F0] =	vst v1  }
0x3b: {  	[tilespmem:$0x1E100] =	vst v1  }
0x3c: {  	[tilespmem:$0x1E110] =	vst v1  }
0x3d: {  	[tilespmem:$0x1E120] =	vst v1  }
0x3e: {  	[tilespmem:$0x1E130] =	vst v1;
	v3 =	vld [tilespmem:$0x1E200]  }
0x3f: {  	[tilespmem:$0x1E140] =	vst v1  }
0x40: {  	[tilespmem:$0x1E150] =	vst v1  }
0x41: {  	[tilespmem:$0x1E160] =	vst v1  }
0x42: {  	[tilespmem:$0x1E170] =	vst v1  }
0x43: {  	[tilespmem:$0x1E180] =	vst v1;
	v3 =	vsub.s32 v3, v0  }
0x44: {  	[tilespmem:$0x1E190] =	vst v1;
	vm0 =	vgt.s32 v3, $0x0  }
0x45: {  	[tilespmem:$0x1E1A0] =	vst v1;
	vm1 =	vlt.u32 v3, $0x200;
	v3 =	vnsel vm0, $0x0, v3  }
0x46: {  	[tilespmem:$0x1E1B0] =	vst v1;
	v3 =	vmin.u32 v3, $0x1FF  }
0x47: {  	[tilespmem:$0x1E1C0] =	vst v1  }
0x48: {  	[tilespmem:$0x1E1D0] =	vst v1  }
0x49: {  	[tilespmem:$0x1E1E0] =	vst v1  }
0x4a: {  	[tilespmem:$0x1E1F0] =	vst v1  }
0x4b: {  	[tilespmem:v3+s15+$0x0] =	vst.idx.msk vm1, v2  }
0x4c: {  	v3 =	vld [tilespmem:$0x1E210];
	_ =	sdelay $0x4  }
0x4d: {  	v3 =	vsub.s32 v3, v0  }
0x4e: {  	vm14 =	vgt.s32 v3, $0x0  }
0x4f: {  	vm15 =	vlt.u32 v3, $0x200;
	v3 =	vnsel vm14, $0x0, v3  }
0x50: {  	v3 =	vmin.u32 v3, $0x1FF;
	_ =	sdelay $0x4  }
0x51: {  	[tilespmem:v3+s15+$0x0] =	vst.idx.msk vm15, v2  }
0x52: {  	v3 =	vld [tilespmem:$0x1E220];
	_ =	sdelay $0x4  }
0x53: {  	v3 =	vsub.s32 v3, v0  }
0x54: {  	vm4 =	vgt.s32 v3, $0x0  }
0x55: {  	vm5 =	vlt.u32 v3, $0x200;
	v3 =	vnsel vm4, $0x0, v3  }
0x56: {  	v3 =	vmin.u32 v3, $0x1FF;
	_ =	sdelay $0x4  }
0x57: {  	[tilespmem:v3+s15+$0x0] =	vst.idx.msk vm5, v2  }
0x58: {  	v3 =	vld [tilespmem:$0x1E230];
	_ =	sdelay $0x4  }
0x59: {  	v3 =	vsub.s32 v3, v0  }
0x5a: {  	vm6 =	vgt.s32 v3, $0x0  }
0x5b: {  	vm7 =	vlt.u32 v3, $0x200;
	v3 =	vnsel vm6, $0x0, v3  }
0x5c: {  	v3 =	vmin.u32 v3, $0x1FF;
	_ =	sdelay $0x4  }
0x5d: {  	[tilespmem:v3+s15+$0x0] =	vst.idx.msk vm7, v2  }
0x5e: {  	v3 =	vld [tilespmem:$0x1E240];
	_ =	sdelay $0x4  }
0x5f: {  	v3 =	vsub.s32 v3, v0  }
0x60: {  	vm8 =	vgt.s32 v3, $0x0  }
0x61: {  	vm9 =	vlt.u32 v3, $0x200;
	v3 =	vnsel vm8, $0x0, v3  }
0x62: {  	v3 =	vmin.u32 v3, $0x1FF;
	_ =	sdelay $0x4  }
0x63: {  	[tilespmem:v3+s15+$0x0] =	vst.idx.msk vm9, v2  }
0x64: {  	v3 =	vld [tilespmem:$0x1E250];
	_ =	sdelay $0x4  }
0x65: {  	v3 =	vsub.s32 v3, v0  }
0x66: {  	vm10 =	vgt.s32 v3, $0x0  }
0x67: {  	vm11 =	vlt.u32 v3, $0x200;
	v3 =	vnsel vm10, $0x0, v3  }
0x68: {  	v3 =	vmin.u32 v3, $0x1FF;
	_ =	sdelay $0x4  }
0x69: {  	[tilespmem:v3+s15+$0x0] =	vst.idx.msk vm11, v2  }
0x6a: {  	v3 =	vld [tilespmem:$0x1E260];
	_ =	sdelay $0x4  }
0x6b: {  	v3 =	vsub.s32 v3, v0  }
0x6c: {  	vm12 =	vgt.s32 v3, $0x0  }
0x6d: {  	vm13 =	vlt.u32 v3, $0x200;
	v3 =	vnsel vm12, $0x0, v3  }
0x6e: {  	v3 =	vmin.u32 v3, $0x1FF;
	_ =	sdelay $0x4  }
0x6f: {  	[tilespmem:v3+s15+$0x0] =	vst.idx.msk vm13, v2  }
0x70: {  	v3 =	vld [tilespmem:$0x1E270];
	_ =	sdelay $0x4  }
0x71: {  	v3 =	vsub.s32 v3, v0  }
0x72: {  	vm14 =	vgt.s32 v3, $0x0  }
0x73: {  	vm15 =	vlt.u32 v3, $0x200;
	v3 =	vnsel vm14, $0x0, v3  }
0x74: {  	v3 =	vmin.u32 v3, $0x1FF;
	_ =	sdelay $0x4  }
0x75: {  	[tilespmem:v3+s15+$0x0] =	vst.idx.msk vm15, v2  }
0x76: {  	v3 =	vld [tilespmem:$0x1E280];
	_ =	sdelay $0x4  }
0x77: {  	v3 =	vsub.s32 v3, v0  }
0x78: {  	vm4 =	vgt.s32 v3, $0x0  }
0x79: {  	vm5 =	vlt.u32 v3, $0x200;
	v3 =	vnsel vm4, $0x0, v3  }
0x7a: {  	v3 =	vmin.u32 v3, $0x1FF;
	_ =	sdelay $0x4  }
0x7b: {  	[tilespmem:v3+s15+$0x0] =	vst.idx.msk vm5, v2  }
0x7c: {  	v3 =	vld [tilespmem:$0x1E290];
	_ =	sdelay $0x4  }
0x7d: {  	v3 =	vsub.s32 v3, v0  }
0x7e: {  	vm6 =	vgt.s32 v3, $0x0  }
0x7f: {  	vm7 =	vlt.u32 v3, $0x200;
	v3 =	vnsel vm6, $0x0, v3  }
0x80: {  	v3 =	vmin.u32 v3, $0x1FF;
	_ =	sdelay $0x4  }
0x81: {  	[tilespmem:v3+s15+$0x0] =	vst.idx.msk vm7, v2  }
0x82: {  	v3 =	vld [tilespmem:$0x1E2A0];
	_ =	sdelay $0x4  }
0x83: {  	v3 =	vsub.s32 v3, v0  }
0x84: {  	vm8 =	vgt.s32 v3, $0x0  }
0x85: {  	vm9 =	vlt.u32 v3, $0x200;
	v3 =	vnsel vm8, $0x0, v3  }
0x86: {  	v3 =	vmin.u32 v3, $0x1FF;
	_ =	sdelay $0x4  }
0x87: {  	[tilespmem:v3+s15+$0x0] =	vst.idx.msk vm9, v2  }
0x88: {  	v3 =	vld [tilespmem:$0x1E2B0];
	_ =	sdelay $0x4  }
0x89: {  	v3 =	vsub.s32 v3, v0  }
0x8a: {  	vm10 =	vgt.s32 v3, $0x0  }
0x8b: {  	vm11 =	vlt.u32 v3, $0x200;
	v3 =	vnsel vm10, $0x0, v3  }
0x8c: {  	v3 =	vmin.u32 v3, $0x1FF;
	_ =	sdelay $0x4  }
0x8d: {  	[tilespmem:v3+s15+$0x0] =	vst.idx.msk vm11, v2  }
0x8e: {  	v3 =	vld [tilespmem:$0x1E2C0];
	_ =	sdelay $0x4  }
0x8f: {  	v3 =	vsub.s32 v3, v0  }
0x90: {  	vm12 =	vgt.s32 v3, $0x0  }
0x91: {  	vm13 =	vlt.u32 v3, $0x200;
	v3 =	vnsel vm12, $0x0, v3  }
0x92: {  	v3 =	vmin.u32 v3, $0x1FF;
	_ =	sdelay $0x4  }
0x93: {  	[tilespmem:v3+s15+$0x0] =	vst.idx.msk vm13, v2  }
0x94: {  	v3 =	vld [tilespmem:$0x1E2D0];
	_ =	sdelay $0x4  }
0x95: {  	v3 =	vsub.s32 v3, v0  }
0x96: {  	vm14 =	vgt.s32 v3, $0x0  }
0x97: {  	vm15 =	vlt.u32 v3, $0x200;
	v3 =	vnsel vm14, $0x0, v3  }
0x98: {  	v3 =	vmin.u32 v3, $0x1FF;
	_ =	sdelay $0x4  }
0x99: {  	[tilespmem:v3+s15+$0x0] =	vst.idx.msk vm15, v2  }
0x9a: {  	v3 =	vld [tilespmem:$0x1E2E0];
	_ =	sdelay $0x4  }
0x9b: {  	v3 =	vsub.s32 v3, v0  }
0x9c: {  	vm4 =	vgt.s32 v3, $0x0  }
0x9d: {  	vm5 =	vlt.u32 v3, $0x200;
	v3 =	vnsel vm4, $0x0, v3  }
0x9e: {  	v3 =	vmin.u32 v3, $0x1FF;
	_ =	sdelay $0x4  }
0x9f: {  	[tilespmem:v3+s15+$0x0] =	vst.idx.msk vm5, v2  }
0xa0: {  	v3 =	vld [tilespmem:$0x1E2F0];
	_ =	sdelay $0x4  }
0xa1: {  	v3 =	vsub.s32 v3, v0  }
0xa2: {  	vm6 =	vgt.s32 v3, $0x0  }
0xa3: {  	vm7 =	vlt.u32 v3, $0x200;
	v3 =	vnsel vm6, $0x0, v3  }
0xa4: {  	v3 =	vmin.u32 v3, $0x1FF;
	_ =	sdelay $0x4  }
0xa5: {  	[tilespmem:v3+s15+$0x0] =	vst.idx.msk vm7, v2  }
0xa6: {  	v3 =	vld [tilespmem:$0x1E300];
	_ =	sdelay $0x4  }
0xa7: {  	v3 =	vsub.s32 v3, v0  }
0xa8: {  	vm8 =	vgt.s32 v3, $0x0  }
0xa9: {  	vm9 =	vlt.u32 v3, $0x200;
	v3 =	vnsel vm8, $0x0, v3  }
0xaa: {  	v3 =	vmin.u32 v3, $0x1FF;
	_ =	sdelay $0x4  }
0xab: {  	[tilespmem:v3+s15+$0x0] =	vst.idx.msk vm9, v2  }
0xac: {  	v3 =	vld [tilespmem:$0x1E310];
	_ =	sdelay $0x4  }
0xad: {  	v3 =	vsub.s32 v3, v0  }
0xae: {  	vm10 =	vgt.s32 v3, $0x0  }
0xaf: {  	vm11 =	vlt.u32 v3, $0x200;
	v3 =	vnsel vm10, $0x0, v3  }
0xb0: {  	v3 =	vmin.u32 v3, $0x1FF;
	_ =	sdelay $0x4  }
0xb1: {  	[tilespmem:v3+s15+$0x0] =	vst.idx.msk vm11, v2  }
0xb2: {  	v3 =	vld [tilespmem:$0x1E320];
	_ =	sdelay $0x4  }
0xb3: {  	v3 =	vsub.s32 v3, v0  }
0xb4: {  	vm12 =	vgt.s32 v3, $0x0  }
0xb5: {  	vm13 =	vlt.u32 v3, $0x200;
	v3 =	vnsel vm12, $0x0, v3  }
0xb6: {  	v3 =	vmin.u32 v3, $0x1FF;
	_ =	sdelay $0x4  }
0xb7: {  	[tilespmem:v3+s15+$0x0] =	vst.idx.msk vm13, v2  }
0xb8: {  	v3 =	vld [tilespmem:$0x1E330];
	_ =	sdelay $0x4  }
0xb9: {  	v3 =	vsub.s32 v3, v0  }
0xba: {  	vm14 =	vgt.s32 v3, $0x0  }
0xbb: {  	vm15 =	vlt.u32 v3, $0x200;
	v3 =	vnsel vm14, $0x0, v3  }
0xbc: {  	v3 =	vmin.u32 v3, $0x1FF;
	_ =	sdelay $0x4  }
0xbd: {  	[tilespmem:v3+s15+$0x0] =	vst.idx.msk vm15, v2  }
0xbe: {  	v3 =	vld [tilespmem:$0x1E340];
	_ =	sdelay $0x4  }
0xbf: {  	v3 =	vsub.s32 v3, v0  }
0xc0: {  	vm4 =	vgt.s32 v3, $0x0  }
0xc1: {  	vm5 =	vlt.u32 v3, $0x200;
	v3 =	vnsel vm4, $0x0, v3  }
0xc2: {  	v3 =	vmin.u32 v3, $0x1FF;
	_ =	sdelay $0x4  }
0xc3: {  	[tilespmem:v3+s15+$0x0] =	vst.idx.msk vm5, v2  }
0xc4: {  	v3 =	vld [tilespmem:$0x1E350];
	_ =	sdelay $0x4  }
0xc5: {  	v3 =	vsub.s32 v3, v0  }
0xc6: {  	vm6 =	vgt.s32 v3, $0x0  }
0xc7: {  	vm7 =	vlt.u32 v3, $0x200;
	v3 =	vnsel vm6, $0x0, v3  }
0xc8: {  	v3 =	vmin.u32 v3, $0x1FF;
	_ =	sdelay $0x4  }
0xc9: {  	[tilespmem:v3+s15+$0x0] =	vst.idx.msk vm7, v2  }
0xca: {  	v3 =	vld [tilespmem:$0x1E360];
	_ =	sdelay $0x4  }
0xcb: {  	v3 =	vsub.s32 v3, v0  }
0xcc: {  	vm8 =	vgt.s32 v3, $0x0  }
0xcd: {  	vm9 =	vlt.u32 v3, $0x200;
	v3 =	vnsel vm8, $0x0, v3  }
0xce: {  	v3 =	vmin.u32 v3, $0x1FF;
	_ =	sdelay $0x4  }
0xcf: {  	[tilespmem:v3+s15+$0x0] =	vst.idx.msk vm9, v2  }
0xd0: {  	v3 =	vld [tilespmem:$0x1E370];
	_ =	sdelay $0x4  }
0xd1: {  	v3 =	vsub.s32 v3, v0  }
0xd2: {  	vm10 =	vgt.s32 v3, $0x0  }
0xd3: {  	vm11 =	vlt.u32 v3, $0x200;
	v3 =	vnsel vm10, $0x0, v3  }
0xd4: {  	v3 =	vmin.u32 v3, $0x1FF;
	_ =	sdelay $0x4  }
0xd5: {  	[tilespmem:v3+s15+$0x0] =	vst.idx.msk vm11, v2  }
0xd6: {  	v3 =	vld [tilespmem:$0x1E380];
	_ =	sdelay $0x4  }
0xd7: {  	v3 =	vsub.s32 v3, v0  }
0xd8: {  	vm12 =	vgt.s32 v3, $0x0  }
0xd9: {  	vm13 =	vlt.u32 v3, $0x200;
	v3 =	vnsel vm12, $0x0, v3  }
0xda: {  	v3 =	vmin.u32 v3, $0x1FF;
	_ =	sdelay $0x4  }
0xdb: {  	[tilespmem:v3+s15+$0x0] =	vst.idx.msk vm13, v2  }
0xdc: {  	v3 =	vld [tilespmem:$0x1E390];
	_ =	sdelay $0x4  }
0xdd: {  	v3 =	vsub.s32 v3, v0  }
0xde: {  	vm14 =	vgt.s32 v3, $0x0  }
0xdf: {  	vm15 =	vlt.u32 v3, $0x200;
	v3 =	vnsel vm14, $0x0, v3  }
0xe0: {  	v3 =	vmin.u32 v3, $0x1FF;
	_ =	sdelay $0x4  }
0xe1: {  	[tilespmem:v3+s15+$0x0] =	vst.idx.msk vm15, v2  }
0xe2: {  	v3 =	vld [tilespmem:$0x1E3A0];
	_ =	sdelay $0x4  }
0xe3: {  	v3 =	vsub.s32 v3, v0  }
0xe4: {  	vm4 =	vgt.s32 v3, $0x0  }
0xe5: {  	vm5 =	vlt.u32 v3, $0x200;
	v3 =	vnsel vm4, $0x0, v3  }
0xe6: {  	v3 =	vmin.u32 v3, $0x1FF;
	_ =	sdelay $0x4  }
0xe7: {  	[tilespmem:v3+s15+$0x0] =	vst.idx.msk vm5, v2  }
0xe8: {  	v3 =	vld [tilespmem:$0x1E3B0];
	_ =	sdelay $0x4  }
0xe9: {  	v3 =	vsub.s32 v3, v0  }
0xea: {  	vm6 =	vgt.s32 v3, $0x0  }
0xeb: {  	vm7 =	vlt.u32 v3, $0x200;
	v3 =	vnsel vm6, $0x0, v3  }
0xec: {  	v3 =	vmin.u32 v3, $0x1FF;
	_ =	sdelay $0x4  }
0xed: {  	[tilespmem:v3+s15+$0x0] =	vst.idx.msk vm7, v2  }
0xee: {  	v3 =	vld [tilespmem:$0x1E3C0];
	_ =	sdelay $0x4  }
0xef: {  	v3 =	vsub.s32 v3, v0  }
0xf0: {  	vm8 =	vgt.s32 v3, $0x0  }
0xf1: {  	vm9 =	vlt.u32 v3, $0x200;
	v3 =	vnsel vm8, $0x0, v3  }
0xf2: {  	v3 =	vmin.u32 v3, $0x1FF;
	_ =	sdelay $0x4  }
0xf3: {  	[tilespmem:v3+s15+$0x0] =	vst.idx.msk vm9, v2  }
0xf4: {  	v3 =	vld [tilespmem:$0x1E3D0];
	_ =	sdelay $0x4  }
0xf5: {  	v3 =	vsub.s32 v3, v0  }
0xf6: {  	vm10 =	vgt.s32 v3, $0x0  }
0xf7: {  	vm11 =	vlt.u32 v3, $0x200;
	v3 =	vnsel vm10, $0x0, v3  }
0xf8: {  	v3 =	vmin.u32 v3, $0x1FF;
	_ =	sdelay $0x4  }
0xf9: {  	[tilespmem:v3+s15+$0x0] =	vst.idx.msk vm11, v2  }
0xfa: {  	v3 =	vld [tilespmem:$0x1E3E0];
	_ =	sdelay $0x4  }
0xfb: {  	v3 =	vsub.s32 v3, v0  }
0xfc: {  	vm12 =	vgt.s32 v3, $0x0  }
0xfd: {  	vm13 =	vlt.u32 v3, $0x200;
	v3 =	vnsel vm12, $0x0, v3  }
0xfe: {  	v3 =	vmin.u32 v3, $0x1FF;
	_ =	sdelay $0x4  }
0xff: {  	[tilespmem:v3+s15+$0x0] =	vst.idx.msk vm13, v2  }
0x100: {  	v3 =	vld [tilespmem:$0x1E3F0];
	_ =	sdelay $0x4  }
0x101: {  	v3 =	vsub.s32 v3, v0  }
0x102: {  	vm14 =	vgt.s32 v3, $0x0  }
0x103: {  	vm15 =	vlt.u32 v3, $0x200;
	v3 =	vnsel vm14, $0x0, v3  }
0x104: {  	v3 =	vmin.u32 v3, $0x1FF  }
.Ltmp2:
0x105: {  	_ = 	snop;
	(pc) =	sbr.rel .LBB2_2-.Ltmp2, $2  }
0x106: {  	_ =	sdelay $0x2  }
0x107: {  	s31 =	simm.s32 $0x0;
	[tilespmem:v3+s15+$0x0] =	vst.idx.msk vm15, v2  }
.LBB2_32:
0x108: {  	s31 =	sadd.s32 $0x1, s31  }
0x109: {  	p0 =	sne.s32 s31, $0x3  }
.Ltmp3:
0x10a: {  	_ = 	snop;
	(pc) =	sbr.rel @!p0 .LBB2_33-.Ltmp3, $3  }
0x10b: {  	_ =	sdelay $0x1  }
0x10c: {  	s0 =	sadd.s32 s4, s9  }
0x10d: {  	[hbm4b:s0+s6] =	stream.linear.scatter [tilespmem:s21], [sflag:$0xA], $0x6000, $0x38;
	[tilespmem:$0x1E400] =	vst v63  }
.LBB2_2:
0x10e: {  	s1 =	smul.u32 $0xA0, s31;
	_ =	sdelay $0x1  }
0x10f: {  	s0 =	sadd.s32 $0x20, s1  }
0x110: {  	s3 =	sadd.s32 s8, s0  }
0x111: {  	p0 =	seq.s32 s31, $0x0;
	s3 =	sshrl.u32 s3, $0x3  }
0x112: {  	s9 =	simm.s32 @!p0 $0x7;
	s3 =	smul.u32 $0x1800, s3  }
0x113: {  	_ =	swait.ge @!p0 [sflag:s9], $0x6000  }
0x114: {  	[sflag:s9] =	ssyncset.done @!p0 $0x0;
	s3 =	sadd.s32 s5, s3  }
0x115: {  	[sflag:s9] =	ssyncadd.s32 @!p0 $0xFFFFA000;
	s13 =	sshrl.u32 s3, $0x3  }
.Ltmp4:
0x116: {  	s3 =	simm.s32 $0x0;
	s26 =	sadd.s32 s2, s13;
	(pc) =	sbr.rel .LBB2_3-.Ltmp4, $4  }
0x117: {  	[tilespmem:s16], [sflag:$0x2] =	stream.linear.gather [hbm4b:s26+s3], $0x6000, $0x38;
	[tilespmem:$0x1E400] =	vst v63  }
0x118: {  	_ =	swait.ge [sflag:s7], $0x6000  }
0x119: {  	[sflag:s7] =	ssyncset.done $0x0  }
0x11a: {  	s9 =	simm.s32 $0x0;
	[sflag:s7] =	ssyncadd.s32 $0xFFFFA000  }
.LBB2_6:
0x11b: {  	(erf) = vrcp.f32 v29  }
0x11c: {  	v19 =	vmul.f32 v32, v19;
	(erf) = vpow2.f32 v27  }
0x11d: {  	v26 =	vmul.f32 $1.442695020e+00, v28;
	(erf) = vpow2.f32 v20  }
0x11e: {  	v58 =	vpop (erf);
	v19 =	vmul.f32 $1.442695020e+00, v19;
	(erf) = vrcp.f32 v21  }
0x11f: {  	v59 =	vpop (erf);
	(erf) = vpow2.f32 v26  }
0x120: {  	v60 =	vpop (erf);
	(erf) = vpow2.f32 v19  }
0x121: {  	v61 =	vpop (erf)  }
0x122: {  	v62 =	vpop (erf)  }
0x123: {  	v63 =	vpop (erf)  }
0x124: {  	v29 =	vpop (erf)  }
0x125: {  	v23 =	vmul.f32 $1.442695020e+00, v23;
	v30 =	vpop (erf)  }
0x126: {  	v31 =	vpop (erf)  }
0x127: {  	v20 =	vadd.f32 $1.000000000e+00, v58;
	v36 =	vpop (erf);
	(erf) = vpow2.f32 v23  }
0x128: {  	v37 =	vpop (erf)  }
0x129: {  	v38 =	vadd.f32 $1.000000000e+00, v63;
	(erf) = vrcp.f32 v20;
	v39 =	vpop (erf)  }
0x12a: {  	(erf) = vrcp.f32 v24;
	v40 =	vadd.f32 $1.000000000e+00, v39  }
0x12b: {  	v41 =	vadd.f32 $1.000000000e+00, v37;
	(erf) = vrcp.f32 v38  }
0x12c: {  	v42 =	vadd.f32 $1.000000000e+00, v30;
	(erf) = vrcp.f32 v40  }
0x12d: {  	v43 =	vadd.f32 $1.000000000e+00, v31;
	(erf) = vrcp.f32 v41  }
0x12e: {  	v16 =	vmul.f32 v25, v16;
	v44 =	vadd.f32 $1.000000000e+00, v60;
	(erf) = vrcp.f32 v42  }
0x12f: {  	v22 =	vadd.f32 $1.000000000e+00, v22;
	v15 =	vmul.f32 v59, v15;
	(erf) = vrcp.f32 v43  }
0x130: {  	[tilespmem:s11+$0x30] =	vst v16;
	v17 =	vmul.f32 v61, v17;
	v45 =	vadd.f32 $1.000000000e+00, v62;
	(erf) = vrcp.f32 v44;
	v46 =	vpop (erf)  }
0x131: {  	[tilespmem:s11+$0x70] =	vst v15;
	v9 =	vmul.f32 v29, v9;
	(erf) = vrcp.f32 v22;
	v19 =	vadd.f32 $1.000000000e+00, v46  }
0x132: {  	[tilespmem:s11+$0xFFFFFC40] =	vst v17;
	v48 =	vmul.f32 v36, v18;
	v47 =	vpop (erf);
	(erf) = vrcp.f32 v45  }
0x133: {  	[tilespmem:s11+$0x50] =	vst v9;
	v49 =	vpop (erf);
	v52 =	vmul.f32 v47, v10;
	(erf) = vrcp.f32 v19  }
0x134: {  	[tilespmem:s11+$0x60] =	vst v48;
	v50 =	vpop (erf);
	v11 =	vmul.f32 v49, v11  }
0x135: {  	[tilespmem:s11+$0x0] =	vst v52;
	v6 =	vmul.f32 v50, v6;
	v51 =	vpop (erf)  }
0x136: {  	[tilespmem:s11+$0xFFFFFC30] =	vst v11;
	v53 =	vpop (erf);
	v56 =	vmul.f32 v51, v14  }
0x137: {  	[tilespmem:s11+$0xFFFFFC10] =	vst v6;
	v5 =	vmul.f32 v53, v5;
	v54 =	vpop (erf)  }
0x138: {  	v55 =	vpop (erf);
	[tilespmem:s11+$0xFFFFFC00] =	vst v56;
	v60 =	vmul.f32 v54, v13  }
0x139: {  	[tilespmem:s11+$0xFFFFFC20] =	vst v5;
	v57 =	vpop (erf);
	v4 =	vmul.f32 v55, v4  }
0x13a: {  	v58 =	vpop (erf);
	[tilespmem:s11+$0xFFFFFC60] =	vst v60;
	v3 =	vmul.f32 v57, v3  }
0x13b: {  	v59 =	vpop (erf);
	[tilespmem:s11+$0x10] =	vst v4;
	v62 =	vmul.f32 v58, v12  }
0x13c: {  	v61 =	vmul.f32 v59, v7;
	v63 =	vpop (erf);
	[tilespmem:s11+$0x40] =	vst v3  }
0x13d: {  	v3 =	vmul.f32 v63, v8;
	[tilespmem:s11+$0x20] =	vst v62  }
0x13e: {  	[tilespmem:s11+$0xFFFFFC50] =	vst v61  }
0x13f: {  	[tilespmem:s11+$0xFFFFFC70] =	vst v3  }
.LBB2_7:
0x140: {  	s9 =	sadd.s32 $0x1, s9  }
0x141: {  	p1 =	sne.s32 s9, $0x20  }
.Ltmp5:
0x142: {  	_ = 	snop;
	(pc) =	sbr.rel @!p1 .LBB2_8-.Ltmp5, $2  }
0x143: {  	_ =	sdelay $0x2  }
0x144: {  	s3 =	sadd.s32 $0x1, s3  }
.LBB2_3:
0x145: {  	s11 =	sor.u32 s1, s9  }
0x146: {  	v3 =	vmov s11;
	_ =	sdelay $0x4  }
0x147: {  	v3 =	vld.idx.msk [tilespmem:v3+s15+$0x0], $0xffff;
	_ =	sdelay $0x4  }
0x148: {  	(v2sf) =	vpush v3, $0x0;
	_ =	sdelay $0xe  }
0x149: {  	s26 =	spop (v2sf)  }
0x14a: {  	p1 =	sgt.f32 s26, $5.000000000e-01  }
.Ltmp6:
0x14b: {  	_ = 	snop;
	(pc) =	sbr.rel @!p1 .LBB2_7-.Ltmp6, $1  }
0x14c: {  	_ =	sdelay $0x3  }
0x14d: {  	s11 =	sshrl.u32 s9, $0x3  }
0x14e: {  	s12 =	sand.u32 $0x7, s3;
	s11 =	smul.u32 $0x6000, s11  }
0x14f: {  	s12 =	sshll.u32 s12, $0x9  }
0x150: {  	s11 =	sor.u32 s12, s11  }
0x151: {  	s11 =	sshra.s32 s11, $0x2  }
0x152: {  	s11 =	sor.u32 $0x400, s11  }
0x153: {  	v6 =	vld [tilespmem:s11+$0xFFFFFC10]  }
0x154: {  	v15 =	vld [tilespmem:s11+$0x70]  }
0x155: {  	v16 =	vld [tilespmem:s11+$0x30]  }
0x156: {  	v9 =	vld [tilespmem:s11+$0x50];
	_ =	sdelay $0x1  }
0x157: {  	v4 =	vld [tilespmem:s11+$0x10]  }
0x158: {  	v17 =	vld [tilespmem:s11+$0xFFFFFC40];
	v3 =	vmul.f32 v6, v6  }
0x159: {  	v5 =	vld [tilespmem:s11+$0xFFFFFC20];
	v7 =	vmul.f32 v15, v15;
	v20 =	vmul.f32 $-1.595769170e+00, v6  }
0x15a: {  	v8 =	vmul.f32 v16, v16;
	v12 =	vmul.f32 v9, v9  }
0x15b: {  	v10 =	vld [tilespmem:s11+$0x0];
	v13 =	vmul.f32 $-1.595769170e+00, v15;
	v7 =	vmul.f32 $4.471499850e-02, v7  }
0x15c: {  	v11 =	vld [tilespmem:s11+$0xFFFFFC30];
	v22 =	vmul.f32 $-1.595769170e+00, v9;
	v24 =	vmul.f32 $-1.595769170e+00, v4  }
0x15d: {  	v18 =	vmul.f32 v17, v17;
	v8 =	vmul.f32 $4.471499850e-02, v8;
	v14 =	vadd.f32 $1.000000000e+00, v7  }
0x15e: {  	v26 =	vmul.f32 $-1.595769170e+00, v5;
	v23 =	vmul.f32 $4.471499850e-02, v12  }
0x15f: {  	v12 =	vmul.f32 $-1.595769170e+00, v16;
	v25 =	vmul.f32 v14, v13;
	v13 =	vadd.f32 $1.000000000e+00, v8  }
0x160: {  	v29 =	vmul.f32 v10, v10;
	v30 =	vmul.f32 $-1.595769170e+00, v17  }
0x161: {  	v32 =	vmul.f32 v11, v11;
	v12 =	vmul.f32 v13, v12  }
0x162: {  	v21 =	vmul.f32 $4.471499850e-02, v3;
	v3 =	vld [tilespmem:s11+$0x40];
	v28 =	vmul.f32 $4.471499850e-02, v18  }
0x163: {  	v18 =	vld [tilespmem:s11+$0x60];
	v32 =	vmul.f32 $4.471499850e-02, v32;
	v12 =	vmul.f32 $1.442695020e+00, v12  }
0x164: {  	v33 =	vmul.f32 $-1.595769170e+00, v10;
	v34 =	vmul.f32 $-1.595769170e+00, v11;
	v23 =	vadd.f32 $1.000000000e+00, v23  }
0x165: {  	v7 =	vld [tilespmem:s11+$0xFFFFFC50];
	v28 =	vadd.f32 $1.000000000e+00, v28;
	v32 =	vadd.f32 $1.000000000e+00, v32;
	(erf) = vpow2.f32 v12  }
0x166: {  	v29 =	vmul.f32 $4.471499850e-02, v29;
	v14 =	vld [tilespmem:s11+$0xFFFFFC00];
	v22 =	vmul.f32 v23, v22  }
0x167: {  	v8 =	vld [tilespmem:s11+$0xFFFFFC70];
	v28 =	vmul.f32 v28, v30;
	v32 =	vmul.f32 v32, v34  }
0x168: {  	v27 =	vmul.f32 $-1.595769170e+00, v3;
	v36 =	vmul.f32 v18, v18  }
0x169: {  	v39 =	vmul.f32 $-1.595769170e+00, v18;
	v25 =	vmul.f32 $1.442695020e+00, v25  }
0x16a: {  	v13 =	vld [tilespmem:s11+$0xFFFFFC60];
	v22 =	vmul.f32 $1.442695020e+00, v22;
	v36 =	vmul.f32 $4.471499850e-02, v36  }
0x16b: {  	v31 =	vmul.f32 $-1.595769170e+00, v7;
	v37 =	vmul.f32 v7, v7  }
0x16c: {  	v19 =	vmul.f32 $-1.595769170e+00, v14;
	v35 =	vmul.f32 $-1.595769170e+00, v8;
	v36 =	vadd.f32 $1.000000000e+00, v36;
	v12 =	vld [tilespmem:s11+$0x20]  }
0x16d: {  	v38 =	vmul.f32 v14, v14;
	v37 =	vmul.f32 $4.471499850e-02, v37  }
0x16e: {  	v41 =	vmul.f32 v8, v8;
	v36 =	vmul.f32 v36, v39;
	v57 =	vpop (erf)  }
0x16f: {  	v23 =	vmul.f32 $4.471499850e-02, v38;
	v56 =	vmul.f32 v13, v13;
	v39 =	vadd.f32 $1.000000000e+00, v57  }
0x170: {  	v40 =	vmul.f32 $-1.595769170e+00, v13;
	v36 =	vmul.f32 $1.442695020e+00, v36  }
0x171: {  	v42 =	vmul.f32 v12, v12;
	(erf) = vrcp.f32 v39  }
0x172: {  	v21 =	vadd.f32 $1.000000000e+00, v21;
	v58 =	vmul.f32 $-1.595769170e+00, v12;
	(erf) = vpow2.f32 v22  }
0x173: {  	v42 =	vmul.f32 $4.471499850e-02, v42;
	(erf) = vpow2.f32 v25  }
0x174: {  	v25 =	vmul.f32 $1.442695020e+00, v28;
	v28 =	vmul.f32 v21, v20  }
0x175: {  	v59 =	vadd.f32 $1.000000000e+00, v42;
	v21 =	vmul.f32 v3, v3;
	(erf) = vpow2.f32 v36  }
0x176: {  	(erf) = vpow2.f32 v25;
	v25 =	vadd.f32 $1.000000000e+00, v29;
	v29 =	vmul.f32 v4, v4  }
0x177: {  	v22 =	vmul.f32 v59, v58;
	v20 =	vmul.f32 $1.442695020e+00, v32  }
0x178: {  	v21 =	vmul.f32 $4.471499850e-02, v21;
	v29 =	vmul.f32 $4.471499850e-02, v29  }
0x179: {  	v22 =	vmul.f32 $1.442695020e+00, v22;
	(erf) = vpow2.f32 v20;
	v20 =	vadd.f32 $1.000000000e+00, v37  }
0x17a: {  	v30 =	vmul.f32 $4.471499850e-02, v56;
	v21 =	vadd.f32 $1.000000000e+00, v21;
	v29 =	vadd.f32 $1.000000000e+00, v29  }
0x17b: {  	v61 =	vmul.f32 $4.471499850e-02, v41;
	v60 =	vmul.f32 v25, v33  }
0x17c: {  	v30 =	vadd.f32 $1.000000000e+00, v30;
	v31 =	vmul.f32 v20, v31;
	v25 =	vpop (erf);
	v24 =	vmul.f32 v29, v24  }
0x17d: {  	v20 =	vmul.f32 v21, v27;
	(erf) = vpow2.f32 v22;
	v22 =	vpop (erf)  }
0x17e: {  	v30 =	vmul.f32 v30, v40;
	v32 =	vadd.f32 $1.000000000e+00, v23;
	v62 =	vmul.f32 $1.442695020e+00, v60;
	v21 =	vpop (erf)  }
0x17f: {  	v27 =	vmul.f32 v5, v5;
	v29 =	vmul.f32 $1.442695020e+00, v20;
	v21 =	vadd.f32 $1.000000000e+00, v21;
	v23 =	vpop (erf)  }
0x180: {  	(erf) = vpow2.f32 v62;
	v20 =	vmul.f32 $1.442695020e+00, v24;
	v24 =	vpop (erf)  }
0x181: {  	v31 =	vmul.f32 $1.442695020e+00, v31;
	(erf) = vrcp.f32 v21;
	v24 =	vadd.f32 $1.000000000e+00, v24  }
0x182: {  	v63 =	vmul.f32 $4.471499850e-02, v27;
	(erf) = vpow2.f32 v29  }
0x183: {  	v33 =	vadd.f32 $1.000000000e+00, v61;
	v27 =	vmul.f32 $1.442695020e+00, v30;
	v30 =	vmul.f32 $1.442695020e+00, v28  }
0x184: {  	v28 =	vadd.f32 $1.000000000e+00, v63;
	v21 =	vadd.f32 $1.000000000e+00, v23;
	(erf) = vrcp.f32 v24  }
0x185: {  	v23 =	vmul.f32 v33, v35;
	v29 =	vadd.f32 $1.000000000e+00, v22;
	(erf) = vpow2.f32 v31;
	v24 =	vpop (erf)  }
0x186: {  	s12 =	simm.s32 $0x0;
	s14 =	sadd.s32 $0x800, s11;
	v28 =	vmul.f32 v28, v26;
	(erf) = vpow2.f32 v30;
	v24 =	vadd.f32 $1.000000000e+00, v24;
	v22 =	vpop (erf)  }
.LBB2_5:
0x187: {  	v26 =	vld [tilespmem:s14+$0xFFFFFC10];
	s12 =	sadd.s32 $0x100, s12;
	v19 =	vmul.f32 v32, v19;
	(erf) = vrcp.f32 v29  }
0x188: {  	v34 =	vmul.f32 $1.442695020e+00, v28;
	v30 =	vld [tilespmem:s14+$0x30];
	p1 =	slt.u32 s12, $0x200;
	(erf) = vpow2.f32 v27  }
0x189: {  	v31 =	vld [tilespmem:s14+$0x70];
	v19 =	vmul.f32 $1.442695020e+00, v19;
	v27 =	vpop (erf);
	(erf) = vpow2.f32 v20  }
0x18a: {  	v35 =	vmul.f32 v25, v16;
	v32 =	vld [tilespmem:s14+$0x50];
	(erf) = vrcp.f32 v21;
	v33 =	vpop (erf)  }
0x18b: {  	v29 =	vmul.f32 $1.442695020e+00, v23;
	v27 =	vadd.f32 $1.000000000e+00, v27;
	v21 =	vld [tilespmem:s14+$0x10];
	(erf) = vpow2.f32 v34;
	v28 =	vpop (erf)  }
0x18c: {  	v34 =	vmul.f32 v26, v26;
	v23 =	vld [tilespmem:s14+$0x20];
	[tilespmem:s11+$0x30] =	vst v35;
	(erf) = vpow2.f32 v19  }
0x18d: {  	v25 =	vmul.f32 $-1.595769170e+00, v26;
	v20 =	vld [tilespmem:s14+$0xFFFFFC20];
	v19 =	vpop (erf);
	(erf) = vpow2.f32 v29;
	v16 =	vmov v30  }
0x18e: {  	v35 =	vld [tilespmem:s14+$0xFFFFFC30];
	v36 =	vmul.f32 v31, v31;
	v37 =	vpop (erf);
	(erf) = vrcp.f32 v27  }
0x18f: {  	v38 =	vmul.f32 $4.471499850e-02, v34;
	v29 =	vld [tilespmem:s14+$0xFFFFFC50];
	v27 =	vmul.f32 v32, v32;
	v37 =	vadd.f32 $1.000000000e+00, v37;
	v39 =	vpop (erf)  }
0x190: {  	v41 =	vmul.f32 $-1.595769170e+00, v31;
	v40 =	vld [tilespmem:s14+$0x0];
	v34 =	vmul.f32 $4.471499850e-02, v36;
	v36 =	vadd.f32 $1.000000000e+00, v22;
	v42 =	vpop (erf)  }
0x191: {  	v46 =	vadd.f32 $1.000000000e+00, v28;
	v44 =	vmul.f32 $-1.595769170e+00, v32;
	v43 =	vld [tilespmem:s14+$0xFFFFFC40];
	v45 =	vmul.f32 $4.471499850e-02, v27;
	v47 =	vpop (erf)  }
0x192: {  	v17 =	vmul.f32 v19, v17;
	v22 =	vmul.f32 $-1.595769170e+00, v21;
	v28 =	vld [tilespmem:s14+$0x40];
	v48 =	vadd.f32 $1.000000000e+00, v34;
	v49 =	vpop (erf)  }
0x193: {  	v51 =	vmul.f32 v30, v16;
	v27 =	vld [tilespmem:s14+$0xFFFFFC70];
	v45 =	vadd.f32 $1.000000000e+00, v45;
	(erf) = vrcp.f32 v24;
	v24 =	vpop (erf)  }
0x194: {  	v15 =	vmul.f32 v33, v15;
	v30 =	vadd.f32 $1.000000000e+00, v39;
	v34 =	vld [tilespmem:s14+$0xFFFFFC60];
	v41 =	vmul.f32 v48, v41;
	[tilespmem:s11+$0xFFFFFC40] =	vst v17;
	v33 =	vpop (erf)  }
0x195: {  	v54 =	vmul.f32 $4.471499850e-02, v51;
	v47 =	vadd.f32 $1.000000000e+00, v47;
	v18 =	vmul.f32 v24, v18;
	v39 =	vld [tilespmem:s14+$0xFFFFFC00];
	v19 =	vpop (erf)  }
0x196: {  	v48 =	vmul.f32 v43, v43;
	v19 =	vadd.f32 $1.000000000e+00, v19;
	[tilespmem:s11+$0x70] =	vst v15;
	(erf) = vrcp.f32 v30;
	v50 =	vpop (erf)  }
0x197: {  	v51 =	vmul.f32 $-1.595769170e+00, v16;
	v42 =	vmul.f32 v42, v9;
	v52 =	vadd.f32 $1.000000000e+00, v54;
	[tilespmem:s11+$0x60] =	vst v18;
	v53 =	vpop (erf)  }
0x198: {  	v9 =	vmovc v32;
	v24 =	vmul.f32 $-1.595769170e+00, v20;
	v15 =	vmovc v31;
	v17 =	vmov v43;
	v30 =	vmul.f32 $-1.595769170e+00, v28  }
0x199: {  	v51 =	vmul.f32 v52, v51;
	v31 =	vadd.f32 $1.000000000e+00, v33;
	[tilespmem:s11+$0x50] =	vst v42;
	(erf) = vrcp.f32 v19  }
0x19a: {  	v32 =	vmul.f32 $4.471499850e-02, v48;
	v42 =	vmul.f32 v40, v40  }
0x19b: {  	v43 =	vmul.f32 $1.442695020e+00, v51;
	(erf) = vrcp.f32 v31  }
0x19c: {  	v33 =	vmul.f32 $-1.595769170e+00, v29;
	v48 =	vmul.f32 $-1.595769170e+00, v17;
	v18 =	vpop (erf)  }
0x19d: {  	v51 =	vmul.f32 v35, v35;
	v55 =	vmul.f32 v18, v11;
	v11 =	vmov v35  }
0x19e: {  	v19 =	vmul.f32 $-1.595769170e+00, v39;
	v35 =	vmul.f32 $-1.595769170e+00, v40;
	v18 =	vld [tilespmem:s14+$0x60]  }
0x19f: {  	v38 =	vadd.f32 $1.000000000e+00, v38;
	v31 =	vmul.f32 $-1.595769170e+00, v27;
	v54 =	vmul.f32 $-1.595769170e+00, v11;
	[tilespmem:s11+$0xFFFFFC30] =	vst v55;
	v52 =	vpop (erf)  }
0x1a0: {  	v55 =	vmul.f32 v29, v29;
	(erf) = vpow2.f32 v43  }
0x1a1: {  	v49 =	vadd.f32 $1.000000000e+00, v49;
	v56 =	vmul.f32 v53, v10;
	v10 =	vmovc v40;
	v43 =	vmul.f32 $4.471499850e-02, v51  }
0x1a2: {  	v40 =	vadd.f32 $1.000000000e+00, v32;
	v32 =	vmul.f32 $4.471499850e-02, v55;
	v53 =	vpop (erf);
	(erf) = vrcp.f32 v47  }
0x1a3: {  	v43 =	vadd.f32 $1.000000000e+00, v43;
	v47 =	vmul.f32 $-1.595769170e+00, v18;
	[tilespmem:s11+$0x0] =	vst v56;
	(erf) = vrcp.f32 v49  }
0x1a4: {  	v49 =	vmul.f32 v18, v18;
	v51 =	vpop (erf);
	(erf) = vrcp.f32 v46  }
0x1a5: {  	v46 =	vadd.f32 $1.000000000e+00, v32;
	v32 =	vmul.f32 v45, v44;
	(erf) = vrcp.f32 v36  }
0x1a6: {  	v36 =	vmul.f32 v39, v39;
	(erf) = vrcp.f32 v37  }
0x1a7: {  	v44 =	vmul.f32 v51, v5;
	v5 =	vmov v20;
	v37 =	vmul.f32 $4.471499850e-02, v49  }
0x1a8: {  	v41 =	vmul.f32 $1.442695020e+00, v41;
	v36 =	vmul.f32 $4.471499850e-02, v36  }
0x1a9: {  	v45 =	vmul.f32 v34, v34;
	v49 =	vmul.f32 $-1.595769170e+00, v34;
	v37 =	vadd.f32 $1.000000000e+00, v37;
	v51 =	vpop (erf);
	[tilespmem:s11+$0xFFFFFC20] =	vst v44  }
0x1aa: {  	v50 =	vadd.f32 $1.000000000e+00, v50;
	v55 =	vmul.f32 $1.442695020e+00, v32;
	v44 =	vmul.f32 v27, v27  }
0x1ab: {  	v56 =	vmul.f32 v52, v6;
	v51 =	vadd.f32 $1.000000000e+00, v51;
	v37 =	vmul.f32 v37, v47;
	v47 =	vpop (erf)  }
0x1ac: {  	v57 =	vmul.f32 v53, v14;
	v32 =	vadd.f32 $1.000000000e+00, v36;
	v36 =	vmul.f32 v23, v23;
	v52 =	vpop (erf)  }
0x1ad: {  	v6 =	vmov v26;
	v37 =	vmul.f32 $1.442695020e+00, v37;
	[tilespmem:s11+$0xFFFFFC10] =	vst v56;
	v52 =	vmul.f32 v52, v4;
	v53 =	vpop (erf)  }
0x1ae: {  	v26 =	vmul.f32 $4.471499850e-02, v42;
	v4 =	vmov v21;
	(erf) = vrcp.f32 v51;
	[tilespmem:s11+$0xFFFFFC00] =	vst v57;
	v42 =	vpop (erf)  }
0x1af: {  	v14 =	vmov v39;
	v36 =	vmul.f32 $4.471499850e-02, v36;
	[tilespmem:s11+$0x10] =	vst v52;
	v51 =	vpop (erf);
	(erf) = vrcp.f32 v50  }
0x1b0: {  	v26 =	vadd.f32 $1.000000000e+00, v26;
	v39 =	vmul.f32 $-1.595769170e+00, v23;
	v47 =	vmul.f32 v47, v13;
	v13 =	vmovc v34  }
0x1b1: {  	v34 =	vmul.f32 v40, v48;
	v40 =	vmul.f32 $4.471499850e-02, v45;
	v36 =	vadd.f32 $1.000000000e+00, v36  }
0x1b2: {  	v43 =	vmul.f32 v43, v54;
	v45 =	vmul.f32 v51, v7;
	v7 =	vmov v29;
	[tilespmem:s11+$0xFFFFFC60] =	vst v47  }
0x1b3: {  	v36 =	vmul.f32 v36, v39;
	v39 =	vmul.f32 v53, v3;
	v3 =	vmovc v28;
	v29 =	vadd.f32 $1.000000000e+00, v40  }
0x1b4: {  	v34 =	vmul.f32 $1.442695020e+00, v34;
	(erf) = vpow2.f32 v55;
	[tilespmem:s11+$0xFFFFFC50] =	vst v45  }
0x1b5: {  	v38 =	vmul.f32 v38, v25;
	(erf) = vpow2.f32 v41;
	[tilespmem:s11+$0x40] =	vst v39  }
0x1b6: {  	v36 =	vmul.f32 $1.442695020e+00, v36;
	(erf) = vpow2.f32 v37  }
0x1b7: {  	v39 =	vmul.f32 v42, v12;
	v12 =	vmov v23;
	v37 =	vmul.f32 $1.442695020e+00, v43;
	v25 =	vpop (erf)  }
0x1b8: {  	v23 =	vmul.f32 v28, v3;
	(erf) = vpow2.f32 v34;
	v28 =	vpop (erf)  }
0x1b9: {  	v21 =	vmul.f32 v21, v4;
	v28 =	vmul.f32 v28, v8;
	[tilespmem:s11+$0x20] =	vst v39;
	v8 =	vmov v27  }
0x1ba: {  	v23 =	vmul.f32 $4.471499850e-02, v23;
	(erf) = vpow2.f32 v37  }
0x1bb: {  	v26 =	vmul.f32 v26, v35;
	v21 =	vmul.f32 $4.471499850e-02, v21;
	[tilespmem:s11+$0xFFFFFC70] =	vst v28;
	s11 =	smov.u32 s14  }
0x1bc: {  	v27 =	vmul.f32 v29, v49;
	v23 =	vadd.f32 $1.000000000e+00, v23;
	v28 =	vmul.f32 $4.471499850e-02, v44  }
0x1bd: {  	v26 =	vmul.f32 $1.442695020e+00, v26;
	v21 =	vadd.f32 $1.000000000e+00, v21;
	(erf) = vpow2.f32 v36;
	v29 =	vpop (erf)  }
0x1be: {  	v33 =	vmul.f32 v46, v33;
	v23 =	vmul.f32 v23, v30;
	v28 =	vadd.f32 $1.000000000e+00, v28;
	v30 =	vpop (erf)  }
0x1bf: {  	v34 =	vmul.f32 v20, v5;
	v20 =	vmul.f32 v21, v22;
	v21 =	vadd.f32 $1.000000000e+00, v30;
	v22 =	vpop (erf)  }
0x1c0: {  	v23 =	vmul.f32 $1.442695020e+00, v23;
	(erf) = vpow2.f32 v26  }
0x1c1: {  	v20 =	vmul.f32 $1.442695020e+00, v20;
	v26 =	vpop (erf);
	(erf) = vrcp.f32 v21  }
.Ltmp7:
0x1c2: {  	v30 =	vmul.f32 $4.471499850e-02, v34;
	v26 =	vadd.f32 $1.000000000e+00, v26;
	(erf) = vpow2.f32 v23;
	(pc) =	sbr.rel @p1 .LBB2_5-.Ltmp7, $4  }
0x1c3: {  	v33 =	vmul.f32 $1.442695020e+00, v33;
	v27 =	vmul.f32 $1.442695020e+00, v27;
	v21 =	vadd.f32 $1.000000000e+00, v22;
	v22 =	vpop (erf)  }
0x1c4: {  	v34 =	vmul.f32 $1.442695020e+00, v38;
	v30 =	vadd.f32 $1.000000000e+00, v30;
	(erf) = vrcp.f32 v26  }
0x1c5: {  	v29 =	vadd.f32 $1.000000000e+00, v29;
	v23 =	vmul.f32 v28, v31;
	(erf) = vpow2.f32 v33  }
0x1c6: {  	s14 =	sadd.s32 $0x800, s14;
	v28 =	vmul.f32 v30, v24;
	v24 =	vadd.f32 $1.000000000e+00, v22;
	(erf) = vpow2.f32 v34;
	v22 =	vpop (erf)  }
.Ltmp8:
0x1c7: {  	_ = 	snop;
	(pc) =	sbr.rel .LBB2_6-.Ltmp8, $1  }
0x1c8: {  	_ =	sdelay $0x3  }
.LBB2_8:
0x1c9: {  	s3 =	sor.u32 s8, s1  }
0x1ca: {  	s3 =	sshrl.u32 s3, $0x3  }
0x1cb: {  	s3 =	smul.u32 $0x1800, s3;
	_ =	sdelay $0x1  }
0x1cc: {  	s3 =	sadd.s32 s5, s3  }
0x1cd: {  	s3 =	sshrl.u32 s3, $0x3  }
0x1ce: {  	s3 =	sadd.s32 s4, s3  }
0x1cf: {  	[hbm4b:s3+s6] =	stream.linear.scatter [tilespmem:s6], [sflag:$0x6], $0x6000, $0x38;
	[tilespmem:$0x1E400] =	vst v63  }
0x1d0: {  	s3 =	sadd.s32 $0x40, s1  }
0x1d1: {  	s9 =	sadd.s32 s8, s3  }
0x1d2: {  	s9 =	sshrl.u32 s9, $0x3  }
0x1d3: {  	s11 =	simm.s32 @!p0 $0x8;
	s9 =	smul.u32 $0x1800, s9  }
0x1d4: {  	_ =	swait.ge @!p0 [sflag:s11], $0x6000  }
0x1d5: {  	[sflag:s11] =	ssyncset.done @!p0 $0x0;
	s9 =	sadd.s32 s5, s9  }
0x1d6: {  	[sflag:s11] =	ssyncadd.s32 @!p0 $0xFFFFA000;
	s9 =	sshrl.u32 s9, $0x3  }
.Ltmp9:
0x1d7: {  	s11 =	simm.s32 $0x0;
	s12 =	sadd.s32 s2, s9;
	(pc) =	sbr.rel .LBB2_9-.Ltmp9, $4  }
0x1d8: {  	[tilespmem:s17], [sflag:$0x3] =	stream.linear.gather [hbm4b:s12+s11], $0x6000, $0x38;
	[tilespmem:$0x1E400] =	vst v63  }
0x1d9: {  	_ =	swait.ge [sflag:s18], $0x6000  }
0x1da: {  	[sflag:s18] =	ssyncset.done $0x0  }
0x1db: {  	s12 =	simm.s32 $0x0;
	[sflag:s18] =	ssyncadd.s32 $0xFFFFA000  }
.LBB2_12:
0x1dc: {  	(erf) = vrcp.f32 v29  }
0x1dd: {  	v19 =	vmul.f32 v32, v19;
	(erf) = vpow2.f32 v27  }
0x1de: {  	v26 =	vmul.f32 $1.442695020e+00, v28;
	(erf) = vpow2.f32 v20  }
0x1df: {  	v58 =	vpop (erf);
	v19 =	vmul.f32 $1.442695020e+00, v19;
	(erf) = vrcp.f32 v21  }
0x1e0: {  	v59 =	vpop (erf);
	(erf) = vpow2.f32 v26  }
0x1e1: {  	v60 =	vpop (erf);
	(erf) = vpow2.f32 v19  }
0x1e2: {  	v61 =	vpop (erf)  }
0x1e3: {  	v62 =	vpop (erf)  }
0x1e4: {  	v63 =	vpop (erf)  }
0x1e5: {  	v29 =	vpop (erf)  }
0x1e6: {  	v23 =	vmul.f32 $1.442695020e+00, v23;
	v30 =	vpop (erf)  }
0x1e7: {  	v31 =	vpop (erf)  }
0x1e8: {  	v20 =	vadd.f32 $1.000000000e+00, v58;
	v36 =	vpop (erf);
	(erf) = vpow2.f32 v23  }
0x1e9: {  	v37 =	vpop (erf)  }
0x1ea: {  	v38 =	vadd.f32 $1.000000000e+00, v63;
	(erf) = vrcp.f32 v20;
	v39 =	vpop (erf)  }
0x1eb: {  	(erf) = vrcp.f32 v24;
	v40 =	vadd.f32 $1.000000000e+00, v39  }
0x1ec: {  	v41 =	vadd.f32 $1.000000000e+00, v37;
	(erf) = vrcp.f32 v38  }
0x1ed: {  	v42 =	vadd.f32 $1.000000000e+00, v30;
	(erf) = vrcp.f32 v40  }
0x1ee: {  	v43 =	vadd.f32 $1.000000000e+00, v31;
	(erf) = vrcp.f32 v41  }
0x1ef: {  	v16 =	vmul.f32 v25, v16;
	v44 =	vadd.f32 $1.000000000e+00, v60;
	(erf) = vrcp.f32 v42  }
0x1f0: {  	v22 =	vadd.f32 $1.000000000e+00, v22;
	v15 =	vmul.f32 v59, v15;
	(erf) = vrcp.f32 v43  }
0x1f1: {  	[tilespmem:s14+$0x30] =	vst v16;
	v17 =	vmul.f32 v61, v17;
	v45 =	vadd.f32 $1.000000000e+00, v62;
	(erf) = vrcp.f32 v44;
	v46 =	vpop (erf)  }
0x1f2: {  	[tilespmem:s14+$0x70] =	vst v15;
	v9 =	vmul.f32 v29, v9;
	(erf) = vrcp.f32 v22;
	v19 =	vadd.f32 $1.000000000e+00, v46  }
0x1f3: {  	[tilespmem:s14+$0xFFFFFC40] =	vst v17;
	v48 =	vmul.f32 v36, v18;
	v47 =	vpop (erf);
	(erf) = vrcp.f32 v45  }
0x1f4: {  	[tilespmem:s14+$0x50] =	vst v9;
	v49 =	vpop (erf);
	v52 =	vmul.f32 v47, v10;
	(erf) = vrcp.f32 v19  }
0x1f5: {  	[tilespmem:s14+$0x60] =	vst v48;
	v50 =	vpop (erf);
	v11 =	vmul.f32 v49, v11  }
0x1f6: {  	[tilespmem:s14+$0x0] =	vst v52;
	v6 =	vmul.f32 v50, v6;
	v51 =	vpop (erf)  }
0x1f7: {  	[tilespmem:s14+$0xFFFFFC30] =	vst v11;
	v53 =	vpop (erf);
	v56 =	vmul.f32 v51, v14  }
0x1f8: {  	[tilespmem:s14+$0xFFFFFC10] =	vst v6;
	v5 =	vmul.f32 v53, v5;
	v54 =	vpop (erf)  }
0x1f9: {  	v55 =	vpop (erf);
	[tilespmem:s14+$0xFFFFFC00] =	vst v56;
	v60 =	vmul.f32 v54, v13  }
0x1fa: {  	[tilespmem:s14+$0xFFFFFC20] =	vst v5;
	v57 =	vpop (erf);
	v4 =	vmul.f32 v55, v4  }
0x1fb: {  	v58 =	vpop (erf);
	[tilespmem:s14+$0xFFFFFC60] =	vst v60;
	v3 =	vmul.f32 v57, v3  }
0x1fc: {  	v59 =	vpop (erf);
	[tilespmem:s14+$0x10] =	vst v4;
	v62 =	vmul.f32 v58, v12  }
0x1fd: {  	v61 =	vmul.f32 v59, v7;
	v63 =	vpop (erf);
	[tilespmem:s14+$0x40] =	vst v3  }
0x1fe: {  	v3 =	vmul.f32 v63, v8;
	[tilespmem:s14+$0x20] =	vst v62  }
0x1ff: {  	[tilespmem:s14+$0xFFFFFC50] =	vst v61  }
0x200: {  	[tilespmem:s14+$0xFFFFFC70] =	vst v3  }
.LBB2_13:
0x201: {  	s12 =	sadd.s32 $0x1, s12  }
0x202: {  	p1 =	sne.s32 s12, $0x20  }
.Ltmp10:
0x203: {  	_ = 	snop;
	(pc) =	sbr.rel @!p1 .LBB2_14-.Ltmp10, $2  }
0x204: {  	_ =	sdelay $0x2  }
0x205: {  	s11 =	sadd.s32 $0x1, s11  }
.LBB2_9:
0x206: {  	s14 =	sor.u32 s0, s12  }
0x207: {  	v3 =	vmov s14;
	_ =	sdelay $0x4  }
0x208: {  	v3 =	vld.idx.msk [tilespmem:v3+s15+$0x0], $0xffff;
	_ =	sdelay $0x4  }
0x209: {  	(v2sf) =	vpush v3, $0x0;
	_ =	sdelay $0xe  }
0x20a: {  	s26 =	spop (v2sf)  }
0x20b: {  	p1 =	sgt.f32 s26, $5.000000000e-01  }
.Ltmp11:
0x20c: {  	_ = 	snop;
	(pc) =	sbr.rel @!p1 .LBB2_13-.Ltmp11, $1  }
0x20d: {  	_ =	sdelay $0x3  }
0x20e: {  	s14 =	sshrl.u32 s12, $0x3  }
0x20f: {  	s25 =	sand.u32 $0x7, s11;
	s14 =	smul.u32 $0x6000, s14  }
0x210: {  	s25 =	sshll.u32 s25, $0x9  }
0x211: {  	s14 =	sor.u32 s25, s14  }
0x212: {  	s14 =	sshra.s32 s14, $0x2  }
0x213: {  	s14 =	sadd.s32 $0x6400, s14  }
0x214: {  	v6 =	vld [tilespmem:s14+$0xFFFFFC10]  }
0x215: {  	v15 =	vld [tilespmem:s14+$0x70]  }
0x216: {  	v16 =	vld [tilespmem:s14+$0x30]  }
0x217: {  	v9 =	vld [tilespmem:s14+$0x50];
	_ =	sdelay $0x1  }
0x218: {  	v4 =	vld [tilespmem:s14+$0x10]  }
0x219: {  	v17 =	vld [tilespmem:s14+$0xFFFFFC40];
	v3 =	vmul.f32 v6, v6  }
0x21a: {  	v5 =	vld [tilespmem:s14+$0xFFFFFC20];
	v7 =	vmul.f32 v15, v15;
	v20 =	vmul.f32 $-1.595769170e+00, v6  }
0x21b: {  	v8 =	vmul.f32 v16, v16;
	v12 =	vmul.f32 v9, v9  }
0x21c: {  	v10 =	vld [tilespmem:s14+$0x0];
	v13 =	vmul.f32 $-1.595769170e+00, v15;
	v7 =	vmul.f32 $4.471499850e-02, v7  }
0x21d: {  	v11 =	vld [tilespmem:s14+$0xFFFFFC30];
	v22 =	vmul.f32 $-1.595769170e+00, v9;
	v24 =	vmul.f32 $-1.595769170e+00, v4  }
0x21e: {  	v18 =	vmul.f32 v17, v17;
	v8 =	vmul.f32 $4.471499850e-02, v8;
	v14 =	vadd.f32 $1.000000000e+00, v7  }
0x21f: {  	v26 =	vmul.f32 $-1.595769170e+00, v5;
	v23 =	vmul.f32 $4.471499850e-02, v12  }
0x220: {  	v12 =	vmul.f32 $-1.595769170e+00, v16;
	v25 =	vmul.f32 v14, v13;
	v13 =	vadd.f32 $1.000000000e+00, v8  }
0x221: {  	v29 =	vmul.f32 v10, v10;
	v30 =	vmul.f32 $-1.595769170e+00, v17  }
0x222: {  	v32 =	vmul.f32 v11, v11;
	v12 =	vmul.f32 v13, v12  }
0x223: {  	v21 =	vmul.f32 $4.471499850e-02, v3;
	v3 =	vld [tilespmem:s14+$0x40];
	v28 =	vmul.f32 $4.471499850e-02, v18  }
0x224: {  	v18 =	vld [tilespmem:s14+$0x60];
	v32 =	vmul.f32 $4.471499850e-02, v32;
	v12 =	vmul.f32 $1.442695020e+00, v12  }
0x225: {  	v33 =	vmul.f32 $-1.595769170e+00, v10;
	v34 =	vmul.f32 $-1.595769170e+00, v11;
	v23 =	vadd.f32 $1.000000000e+00, v23  }
0x226: {  	v7 =	vld [tilespmem:s14+$0xFFFFFC50];
	v28 =	vadd.f32 $1.000000000e+00, v28;
	v32 =	vadd.f32 $1.000000000e+00, v32;
	(erf) = vpow2.f32 v12  }
0x227: {  	v29 =	vmul.f32 $4.471499850e-02, v29;
	v14 =	vld [tilespmem:s14+$0xFFFFFC00];
	v22 =	vmul.f32 v23, v22  }
0x228: {  	v8 =	vld [tilespmem:s14+$0xFFFFFC70];
	v28 =	vmul.f32 v28, v30;
	v32 =	vmul.f32 v32, v34  }
0x229: {  	v27 =	vmul.f32 $-1.595769170e+00, v3;
	v36 =	vmul.f32 v18, v18  }
0x22a: {  	v39 =	vmul.f32 $-1.595769170e+00, v18;
	v25 =	vmul.f32 $1.442695020e+00, v25  }
0x22b: {  	v13 =	vld [tilespmem:s14+$0xFFFFFC60];
	v22 =	vmul.f32 $1.442695020e+00, v22;
	v36 =	vmul.f32 $4.471499850e-02, v36  }
0x22c: {  	v31 =	vmul.f32 $-1.595769170e+00, v7;
	v37 =	vmul.f32 v7, v7  }
0x22d: {  	v19 =	vmul.f32 $-1.595769170e+00, v14;
	v35 =	vmul.f32 $-1.595769170e+00, v8;
	v36 =	vadd.f32 $1.000000000e+00, v36;
	v12 =	vld [tilespmem:s14+$0x20]  }
0x22e: {  	v38 =	vmul.f32 v14, v14;
	v37 =	vmul.f32 $4.471499850e-02, v37  }
0x22f: {  	v41 =	vmul.f32 v8, v8;
	v36 =	vmul.f32 v36, v39;
	v57 =	vpop (erf)  }
0x230: {  	v23 =	vmul.f32 $4.471499850e-02, v38;
	v56 =	vmul.f32 v13, v13;
	v39 =	vadd.f32 $1.000000000e+00, v57  }
0x231: {  	v40 =	vmul.f32 $-1.595769170e+00, v13;
	v36 =	vmul.f32 $1.442695020e+00, v36  }
0x232: {  	v42 =	vmul.f32 v12, v12;
	(erf) = vrcp.f32 v39  }
0x233: {  	v21 =	vadd.f32 $1.000000000e+00, v21;
	v58 =	vmul.f32 $-1.595769170e+00, v12;
	(erf) = vpow2.f32 v22  }
0x234: {  	v42 =	vmul.f32 $4.471499850e-02, v42;
	(erf) = vpow2.f32 v25  }
0x235: {  	v25 =	vmul.f32 $1.442695020e+00, v28;
	v28 =	vmul.f32 v21, v20  }
0x236: {  	v59 =	vadd.f32 $1.000000000e+00, v42;
	v21 =	vmul.f32 v3, v3;
	(erf) = vpow2.f32 v36  }
0x237: {  	(erf) = vpow2.f32 v25;
	v25 =	vadd.f32 $1.000000000e+00, v29;
	v29 =	vmul.f32 v4, v4  }
0x238: {  	v22 =	vmul.f32 v59, v58;
	v20 =	vmul.f32 $1.442695020e+00, v32  }
0x239: {  	v21 =	vmul.f32 $4.471499850e-02, v21;
	v29 =	vmul.f32 $4.471499850e-02, v29  }
0x23a: {  	v22 =	vmul.f32 $1.442695020e+00, v22;
	(erf) = vpow2.f32 v20;
	v20 =	vadd.f32 $1.000000000e+00, v37  }
0x23b: {  	v30 =	vmul.f32 $4.471499850e-02, v56;
	v21 =	vadd.f32 $1.000000000e+00, v21;
	v29 =	vadd.f32 $1.000000000e+00, v29  }
0x23c: {  	v61 =	vmul.f32 $4.471499850e-02, v41;
	v60 =	vmul.f32 v25, v33  }
0x23d: {  	v30 =	vadd.f32 $1.000000000e+00, v30;
	v31 =	vmul.f32 v20, v31;
	v25 =	vpop (erf);
	v24 =	vmul.f32 v29, v24  }
0x23e: {  	v20 =	vmul.f32 v21, v27;
	(erf) = vpow2.f32 v22;
	v22 =	vpop (erf)  }
0x23f: {  	v30 =	vmul.f32 v30, v40;
	v32 =	vadd.f32 $1.000000000e+00, v23;
	v62 =	vmul.f32 $1.442695020e+00, v60;
	v21 =	vpop (erf)  }
0x240: {  	v27 =	vmul.f32 v5, v5;
	v29 =	vmul.f32 $1.442695020e+00, v20;
	v21 =	vadd.f32 $1.000000000e+00, v21;
	v23 =	vpop (erf)  }
0x241: {  	(erf) = vpow2.f32 v62;
	v20 =	vmul.f32 $1.442695020e+00, v24;
	v24 =	vpop (erf)  }
0x242: {  	v31 =	vmul.f32 $1.442695020e+00, v31;
	(erf) = vrcp.f32 v21;
	v24 =	vadd.f32 $1.000000000e+00, v24  }
0x243: {  	v63 =	vmul.f32 $4.471499850e-02, v27;
	(erf) = vpow2.f32 v29  }
0x244: {  	v33 =	vadd.f32 $1.000000000e+00, v61;
	v27 =	vmul.f32 $1.442695020e+00, v30;
	v30 =	vmul.f32 $1.442695020e+00, v28  }
0x245: {  	v28 =	vadd.f32 $1.000000000e+00, v63;
	v21 =	vadd.f32 $1.000000000e+00, v23;
	(erf) = vrcp.f32 v24  }
0x246: {  	v23 =	vmul.f32 v33, v35;
	v29 =	vadd.f32 $1.000000000e+00, v22;
	(erf) = vpow2.f32 v31;
	v24 =	vpop (erf)  }
0x247: {  	s25 =	simm.s32 $0x0;
	s26 =	sadd.s32 $0x800, s14;
	v28 =	vmul.f32 v28, v26;
	(erf) = vpow2.f32 v30;
	v24 =	vadd.f32 $1.000000000e+00, v24;
	v22 =	vpop (erf)  }
.LBB2_11:
0x248: {  	v26 =	vld [tilespmem:s26+$0xFFFFFC10];
	s25 =	sadd.s32 $0x100, s25;
	v19 =	vmul.f32 v32, v19;
	(erf) = vrcp.f32 v29  }
0x249: {  	v34 =	vmul.f32 $1.442695020e+00, v28;
	v30 =	vld [tilespmem:s26+$0x30];
	p1 =	slt.u32 s25, $0x200;
	(erf) = vpow2.f32 v27  }
0x24a: {  	v31 =	vld [tilespmem:s26+$0x70];
	v19 =	vmul.f32 $1.442695020e+00, v19;
	v27 =	vpop (erf);
	(erf) = vpow2.f32 v20  }
0x24b: {  	v35 =	vmul.f32 v25, v16;
	v32 =	vld [tilespmem:s26+$0x50];
	(erf) = vrcp.f32 v21;
	v33 =	vpop (erf)  }
0x24c: {  	v29 =	vmul.f32 $1.442695020e+00, v23;
	v27 =	vadd.f32 $1.000000000e+00, v27;
	v21 =	vld [tilespmem:s26+$0x10];
	(erf) = vpow2.f32 v34;
	v28 =	vpop (erf)  }
0x24d: {  	v34 =	vmul.f32 v26, v26;
	v23 =	vld [tilespmem:s26+$0x20];
	[tilespmem:s14+$0x30] =	vst v35;
	(erf) = vpow2.f32 v19  }
0x24e: {  	v25 =	vmul.f32 $-1.595769170e+00, v26;
	v20 =	vld [tilespmem:s26+$0xFFFFFC20];
	v19 =	vpop (erf);
	(erf) = vpow2.f32 v29;
	v16 =	vmov v30  }
0x24f: {  	v35 =	vld [tilespmem:s26+$0xFFFFFC30];
	v36 =	vmul.f32 v31, v31;
	v37 =	vpop (erf);
	(erf) = vrcp.f32 v27  }
0x250: {  	v38 =	vmul.f32 $4.471499850e-02, v34;
	v29 =	vld [tilespmem:s26+$0xFFFFFC50];
	v27 =	vmul.f32 v32, v32;
	v37 =	vadd.f32 $1.000000000e+00, v37;
	v39 =	vpop (erf)  }
0x251: {  	v41 =	vmul.f32 $-1.595769170e+00, v31;
	v40 =	vld [tilespmem:s26+$0x0];
	v34 =	vmul.f32 $4.471499850e-02, v36;
	v36 =	vadd.f32 $1.000000000e+00, v22;
	v42 =	vpop (erf)  }
0x252: {  	v46 =	vadd.f32 $1.000000000e+00, v28;
	v44 =	vmul.f32 $-1.595769170e+00, v32;
	v43 =	vld [tilespmem:s26+$0xFFFFFC40];
	v45 =	vmul.f32 $4.471499850e-02, v27;
	v47 =	vpop (erf)  }
0x253: {  	v17 =	vmul.f32 v19, v17;
	v22 =	vmul.f32 $-1.595769170e+00, v21;
	v28 =	vld [tilespmem:s26+$0x40];
	v48 =	vadd.f32 $1.000000000e+00, v34;
	v49 =	vpop (erf)  }
0x254: {  	v51 =	vmul.f32 v30, v16;
	v27 =	vld [tilespmem:s26+$0xFFFFFC70];
	v45 =	vadd.f32 $1.000000000e+00, v45;
	(erf) = vrcp.f32 v24;
	v24 =	vpop (erf)  }
0x255: {  	v15 =	vmul.f32 v33, v15;
	v30 =	vadd.f32 $1.000000000e+00, v39;
	v34 =	vld [tilespmem:s26+$0xFFFFFC60];
	v41 =	vmul.f32 v48, v41;
	[tilespmem:s14+$0xFFFFFC40] =	vst v17;
	v33 =	vpop (erf)  }
0x256: {  	v54 =	vmul.f32 $4.471499850e-02, v51;
	v47 =	vadd.f32 $1.000000000e+00, v47;
	v18 =	vmul.f32 v24, v18;
	v39 =	vld [tilespmem:s26+$0xFFFFFC00];
	v19 =	vpop (erf)  }
0x257: {  	v48 =	vmul.f32 v43, v43;
	v19 =	vadd.f32 $1.000000000e+00, v19;
	[tilespmem:s14+$0x70] =	vst v15;
	(erf) = vrcp.f32 v30;
	v50 =	vpop (erf)  }
0x258: {  	v51 =	vmul.f32 $-1.595769170e+00, v16;
	v42 =	vmul.f32 v42, v9;
	v52 =	vadd.f32 $1.000000000e+00, v54;
	[tilespmem:s14+$0x60] =	vst v18;
	v53 =	vpop (erf)  }
0x259: {  	v9 =	vmovc v32;
	v24 =	vmul.f32 $-1.595769170e+00, v20;
	v15 =	vmovc v31;
	v17 =	vmov v43;
	v30 =	vmul.f32 $-1.595769170e+00, v28  }
0x25a: {  	v51 =	vmul.f32 v52, v51;
	v31 =	vadd.f32 $1.000000000e+00, v33;
	[tilespmem:s14+$0x50] =	vst v42;
	(erf) = vrcp.f32 v19  }
0x25b: {  	v32 =	vmul.f32 $4.471499850e-02, v48;
	v42 =	vmul.f32 v40, v40  }
0x25c: {  	v43 =	vmul.f32 $1.442695020e+00, v51;
	(erf) = vrcp.f32 v31  }
0x25d: {  	v33 =	vmul.f32 $-1.595769170e+00, v29;
	v48 =	vmul.f32 $-1.595769170e+00, v17;
	v18 =	vpop (erf)  }
0x25e: {  	v51 =	vmul.f32 v35, v35;
	v55 =	vmul.f32 v18, v11;
	v11 =	vmov v35  }
0x25f: {  	v19 =	vmul.f32 $-1.595769170e+00, v39;
	v35 =	vmul.f32 $-1.595769170e+00, v40;
	v18 =	vld [tilespmem:s26+$0x60]  }
0x260: {  	v38 =	vadd.f32 $1.000000000e+00, v38;
	v31 =	vmul.f32 $-1.595769170e+00, v27;
	v54 =	vmul.f32 $-1.595769170e+00, v11;
	[tilespmem:s14+$0xFFFFFC30] =	vst v55;
	v52 =	vpop (erf)  }
0x261: {  	v55 =	vmul.f32 v29, v29;
	(erf) = vpow2.f32 v43  }
0x262: {  	v49 =	vadd.f32 $1.000000000e+00, v49;
	v56 =	vmul.f32 v53, v10;
	v10 =	vmovc v40;
	v43 =	vmul.f32 $4.471499850e-02, v51  }
0x263: {  	v40 =	vadd.f32 $1.000000000e+00, v32;
	v32 =	vmul.f32 $4.471499850e-02, v55;
	v53 =	vpop (erf);
	(erf) = vrcp.f32 v47  }
0x264: {  	v43 =	vadd.f32 $1.000000000e+00, v43;
	v47 =	vmul.f32 $-1.595769170e+00, v18;
	[tilespmem:s14+$0x0] =	vst v56;
	(erf) = vrcp.f32 v49  }
0x265: {  	v49 =	vmul.f32 v18, v18;
	v51 =	vpop (erf);
	(erf) = vrcp.f32 v46  }
0x266: {  	v46 =	vadd.f32 $1.000000000e+00, v32;
	v32 =	vmul.f32 v45, v44;
	(erf) = vrcp.f32 v36  }
0x267: {  	v36 =	vmul.f32 v39, v39;
	(erf) = vrcp.f32 v37  }
0x268: {  	v44 =	vmul.f32 v51, v5;
	v5 =	vmov v20;
	v37 =	vmul.f32 $4.471499850e-02, v49  }
0x269: {  	v41 =	vmul.f32 $1.442695020e+00, v41;
	v36 =	vmul.f32 $4.471499850e-02, v36  }
0x26a: {  	v45 =	vmul.f32 v34, v34;
	v49 =	vmul.f32 $-1.595769170e+00, v34;
	v37 =	vadd.f32 $1.000000000e+00, v37;
	v51 =	vpop (erf);
	[tilespmem:s14+$0xFFFFFC20] =	vst v44  }
0x26b: {  	v50 =	vadd.f32 $1.000000000e+00, v50;
	v55 =	vmul.f32 $1.442695020e+00, v32;
	v44 =	vmul.f32 v27, v27  }
0x26c: {  	v56 =	vmul.f32 v52, v6;
	v51 =	vadd.f32 $1.000000000e+00, v51;
	v37 =	vmul.f32 v37, v47;
	v47 =	vpop (erf)  }
0x26d: {  	v57 =	vmul.f32 v53, v14;
	v32 =	vadd.f32 $1.000000000e+00, v36;
	v36 =	vmul.f32 v23, v23;
	v52 =	vpop (erf)  }
0x26e: {  	v6 =	vmov v26;
	v37 =	vmul.f32 $1.442695020e+00, v37;
	[tilespmem:s14+$0xFFFFFC10] =	vst v56;
	v52 =	vmul.f32 v52, v4;
	v53 =	vpop (erf)  }
0x26f: {  	v26 =	vmul.f32 $4.471499850e-02, v42;
	v4 =	vmov v21;
	(erf) = vrcp.f32 v51;
	[tilespmem:s14+$0xFFFFFC00] =	vst v57;
	v42 =	vpop (erf)  }
0x270: {  	v14 =	vmov v39;
	v36 =	vmul.f32 $4.471499850e-02, v36;
	[tilespmem:s14+$0x10] =	vst v52;
	v51 =	vpop (erf);
	(erf) = vrcp.f32 v50  }
0x271: {  	v26 =	vadd.f32 $1.000000000e+00, v26;
	v39 =	vmul.f32 $-1.595769170e+00, v23;
	v47 =	vmul.f32 v47, v13;
	v13 =	vmovc v34  }
0x272: {  	v34 =	vmul.f32 v40, v48;
	v40 =	vmul.f32 $4.471499850e-02, v45;
	v36 =	vadd.f32 $1.000000000e+00, v36  }
0x273: {  	v43 =	vmul.f32 v43, v54;
	v45 =	vmul.f32 v51, v7;
	v7 =	vmov v29;
	[tilespmem:s14+$0xFFFFFC60] =	vst v47  }
0x274: {  	v36 =	vmul.f32 v36, v39;
	v39 =	vmul.f32 v53, v3;
	v3 =	vmovc v28;
	v29 =	vadd.f32 $1.000000000e+00, v40  }
0x275: {  	v34 =	vmul.f32 $1.442695020e+00, v34;
	(erf) = vpow2.f32 v55;
	[tilespmem:s14+$0xFFFFFC50] =	vst v45  }
0x276: {  	v38 =	vmul.f32 v38, v25;
	(erf) = vpow2.f32 v41;
	[tilespmem:s14+$0x40] =	vst v39  }
0x277: {  	v36 =	vmul.f32 $1.442695020e+00, v36;
	(erf) = vpow2.f32 v37  }
0x278: {  	v39 =	vmul.f32 v42, v12;
	v12 =	vmov v23;
	v37 =	vmul.f32 $1.442695020e+00, v43;
	v25 =	vpop (erf)  }
0x279: {  	v23 =	vmul.f32 v28, v3;
	(erf) = vpow2.f32 v34;
	v28 =	vpop (erf)  }
0x27a: {  	v21 =	vmul.f32 v21, v4;
	v28 =	vmul.f32 v28, v8;
	[tilespmem:s14+$0x20] =	vst v39;
	v8 =	vmov v27  }
0x27b: {  	v23 =	vmul.f32 $4.471499850e-02, v23;
	(erf) = vpow2.f32 v37  }
0x27c: {  	v26 =	vmul.f32 v26, v35;
	v21 =	vmul.f32 $4.471499850e-02, v21;
	[tilespmem:s14+$0xFFFFFC70] =	vst v28;
	s14 =	smov.u32 s26  }
0x27d: {  	v27 =	vmul.f32 v29, v49;
	v23 =	vadd.f32 $1.000000000e+00, v23;
	v28 =	vmul.f32 $4.471499850e-02, v44  }
0x27e: {  	v26 =	vmul.f32 $1.442695020e+00, v26;
	v21 =	vadd.f32 $1.000000000e+00, v21;
	(erf) = vpow2.f32 v36;
	v29 =	vpop (erf)  }
0x27f: {  	v33 =	vmul.f32 v46, v33;
	v23 =	vmul.f32 v23, v30;
	v28 =	vadd.f32 $1.000000000e+00, v28;
	v30 =	vpop (erf)  }
0x280: {  	v34 =	vmul.f32 v20, v5;
	v20 =	vmul.f32 v21, v22;
	v21 =	vadd.f32 $1.000000000e+00, v30;
	v22 =	vpop (erf)  }
0x281: {  	v23 =	vmul.f32 $1.442695020e+00, v23;
	(erf) = vpow2.f32 v26  }
0x282: {  	v20 =	vmul.f32 $1.442695020e+00, v20;
	v26 =	vpop (erf);
	(erf) = vrcp.f32 v21  }
.Ltmp12:
0x283: {  	v30 =	vmul.f32 $4.471499850e-02, v34;
	v26 =	vadd.f32 $1.000000000e+00, v26;
	(erf) = vpow2.f32 v23;
	(pc) =	sbr.rel @p1 .LBB2_11-.Ltmp12, $4  }
0x284: {  	v33 =	vmul.f32 $1.442695020e+00, v33;
	v27 =	vmul.f32 $1.442695020e+00, v27;
	v21 =	vadd.f32 $1.000000000e+00, v22;
	v22 =	vpop (erf)  }
0x285: {  	v34 =	vmul.f32 $1.442695020e+00, v38;
	v30 =	vadd.f32 $1.000000000e+00, v30;
	(erf) = vrcp.f32 v26  }
0x286: {  	v29 =	vadd.f32 $1.000000000e+00, v29;
	v23 =	vmul.f32 v28, v31;
	(erf) = vpow2.f32 v33  }
0x287: {  	s26 =	sadd.s32 $0x800, s26;
	v28 =	vmul.f32 v30, v24;
	v24 =	vadd.f32 $1.000000000e+00, v22;
	(erf) = vpow2.f32 v34;
	v22 =	vpop (erf)  }
.Ltmp13:
0x288: {  	_ = 	snop;
	(pc) =	sbr.rel .LBB2_12-.Ltmp13, $1  }
0x289: {  	_ =	sdelay $0x3  }
.LBB2_14:
0x28a: {  	s0 =	sadd.s32 s4, s13  }
0x28b: {  	[hbm4b:s0+s6] =	stream.linear.scatter [tilespmem:s16], [sflag:$0x7], $0x6000, $0x38;
	[tilespmem:$0x1E400] =	vst v63  }
0x28c: {  	s0 =	sadd.s32 $0x60, s1  }
0x28d: {  	s11 =	sadd.s32 s8, s0  }
0x28e: {  	s11 =	sshrl.u32 s11, $0x3  }
0x28f: {  	s12 =	simm.s32 @!p0 $0x9;
	s11 =	smul.u32 $0x1800, s11  }
0x290: {  	_ =	swait.ge @!p0 [sflag:s12], $0x6000  }
0x291: {  	[sflag:s12] =	ssyncset.done @!p0 $0x0;
	s11 =	sadd.s32 s5, s11  }
0x292: {  	[sflag:s12] =	ssyncadd.s32 @!p0 $0xFFFFA000;
	s13 =	sshrl.u32 s11, $0x3  }
.Ltmp14:
0x293: {  	s11 =	simm.s32 $0x0;
	s26 =	sadd.s32 s2, s13;
	(pc) =	sbr.rel .LBB2_15-.Ltmp14, $4  }
0x294: {  	[tilespmem:s19], [sflag:$0x4] =	stream.linear.gather [hbm4b:s26+s11], $0x6000, $0x38;
	[tilespmem:$0x1E400] =	vst v63  }
0x295: {  	_ =	swait.ge [sflag:s20], $0x6000  }
0x296: {  	[sflag:s20] =	ssyncset.done $0x0  }
0x297: {  	s12 =	simm.s32 $0x0;
	[sflag:s20] =	ssyncadd.s32 $0xFFFFA000  }
.LBB2_18:
0x298: {  	(erf) = vrcp.f32 v29  }
0x299: {  	v19 =	vmul.f32 v32, v19;
	(erf) = vpow2.f32 v27  }
0x29a: {  	v26 =	vmul.f32 $1.442695020e+00, v28;
	(erf) = vpow2.f32 v20  }
0x29b: {  	v58 =	vpop (erf);
	v19 =	vmul.f32 $1.442695020e+00, v19;
	(erf) = vrcp.f32 v21  }
0x29c: {  	v59 =	vpop (erf);
	(erf) = vpow2.f32 v26  }
0x29d: {  	v60 =	vpop (erf);
	(erf) = vpow2.f32 v19  }
0x29e: {  	v61 =	vpop (erf)  }
0x29f: {  	v62 =	vpop (erf)  }
0x2a0: {  	v63 =	vpop (erf)  }
0x2a1: {  	v29 =	vpop (erf)  }
0x2a2: {  	v23 =	vmul.f32 $1.442695020e+00, v23;
	v30 =	vpop (erf)  }
0x2a3: {  	v31 =	vpop (erf)  }
0x2a4: {  	v20 =	vadd.f32 $1.000000000e+00, v58;
	v36 =	vpop (erf);
	(erf) = vpow2.f32 v23  }
0x2a5: {  	v37 =	vpop (erf)  }
0x2a6: {  	v38 =	vadd.f32 $1.000000000e+00, v63;
	(erf) = vrcp.f32 v20;
	v39 =	vpop (erf)  }
0x2a7: {  	(erf) = vrcp.f32 v24;
	v40 =	vadd.f32 $1.000000000e+00, v39  }
0x2a8: {  	v41 =	vadd.f32 $1.000000000e+00, v37;
	(erf) = vrcp.f32 v38  }
0x2a9: {  	v42 =	vadd.f32 $1.000000000e+00, v30;
	(erf) = vrcp.f32 v40  }
0x2aa: {  	v43 =	vadd.f32 $1.000000000e+00, v31;
	(erf) = vrcp.f32 v41  }
0x2ab: {  	v16 =	vmul.f32 v25, v16;
	v44 =	vadd.f32 $1.000000000e+00, v60;
	(erf) = vrcp.f32 v42  }
0x2ac: {  	v22 =	vadd.f32 $1.000000000e+00, v22;
	v15 =	vmul.f32 v59, v15;
	(erf) = vrcp.f32 v43  }
0x2ad: {  	[tilespmem:s14+$0x30] =	vst v16;
	v17 =	vmul.f32 v61, v17;
	v45 =	vadd.f32 $1.000000000e+00, v62;
	(erf) = vrcp.f32 v44;
	v46 =	vpop (erf)  }
0x2ae: {  	[tilespmem:s14+$0x70] =	vst v15;
	v9 =	vmul.f32 v29, v9;
	(erf) = vrcp.f32 v22;
	v19 =	vadd.f32 $1.000000000e+00, v46  }
0x2af: {  	[tilespmem:s14+$0xFFFFFC40] =	vst v17;
	v48 =	vmul.f32 v36, v18;
	v47 =	vpop (erf);
	(erf) = vrcp.f32 v45  }
0x2b0: {  	[tilespmem:s14+$0x50] =	vst v9;
	v49 =	vpop (erf);
	v52 =	vmul.f32 v47, v10;
	(erf) = vrcp.f32 v19  }
0x2b1: {  	[tilespmem:s14+$0x60] =	vst v48;
	v50 =	vpop (erf);
	v11 =	vmul.f32 v49, v11  }
0x2b2: {  	[tilespmem:s14+$0x0] =	vst v52;
	v6 =	vmul.f32 v50, v6;
	v51 =	vpop (erf)  }
0x2b3: {  	[tilespmem:s14+$0xFFFFFC30] =	vst v11;
	v53 =	vpop (erf);
	v56 =	vmul.f32 v51, v14  }
0x2b4: {  	[tilespmem:s14+$0xFFFFFC10] =	vst v6;
	v5 =	vmul.f32 v53, v5;
	v54 =	vpop (erf)  }
0x2b5: {  	v55 =	vpop (erf);
	[tilespmem:s14+$0xFFFFFC00] =	vst v56;
	v60 =	vmul.f32 v54, v13  }
0x2b6: {  	[tilespmem:s14+$0xFFFFFC20] =	vst v5;
	v57 =	vpop (erf);
	v4 =	vmul.f32 v55, v4  }
0x2b7: {  	v58 =	vpop (erf);
	[tilespmem:s14+$0xFFFFFC60] =	vst v60;
	v3 =	vmul.f32 v57, v3  }
0x2b8: {  	v59 =	vpop (erf);
	[tilespmem:s14+$0x10] =	vst v4;
	v62 =	vmul.f32 v58, v12  }
0x2b9: {  	v61 =	vmul.f32 v59, v7;
	v63 =	vpop (erf);
	[tilespmem:s14+$0x40] =	vst v3  }
0x2ba: {  	v3 =	vmul.f32 v63, v8;
	[tilespmem:s14+$0x20] =	vst v62  }
0x2bb: {  	[tilespmem:s14+$0xFFFFFC50] =	vst v61  }
0x2bc: {  	[tilespmem:s14+$0xFFFFFC70] =	vst v3  }
.LBB2_19:
0x2bd: {  	s12 =	sadd.s32 $0x1, s12  }
0x2be: {  	p1 =	sne.s32 s12, $0x20  }
.Ltmp15:
0x2bf: {  	_ = 	snop;
	(pc) =	sbr.rel @!p1 .LBB2_20-.Ltmp15, $2  }
0x2c0: {  	_ =	sdelay $0x2  }
0x2c1: {  	s11 =	sadd.s32 $0x1, s11  }
.LBB2_15:
0x2c2: {  	s14 =	sor.u32 s3, s12  }
0x2c3: {  	v3 =	vmov s14;
	_ =	sdelay $0x4  }
0x2c4: {  	v3 =	vld.idx.msk [tilespmem:v3+s15+$0x0], $0xffff;
	_ =	sdelay $0x4  }
0x2c5: {  	(v2sf) =	vpush v3, $0x0;
	_ =	sdelay $0xe  }
0x2c6: {  	s26 =	spop (v2sf)  }
0x2c7: {  	p1 =	sgt.f32 s26, $5.000000000e-01  }
.Ltmp16:
0x2c8: {  	_ = 	snop;
	(pc) =	sbr.rel @!p1 .LBB2_19-.Ltmp16, $1  }
0x2c9: {  	_ =	sdelay $0x3  }
0x2ca: {  	s14 =	sshrl.u32 s12, $0x3  }
0x2cb: {  	s25 =	sand.u32 $0x7, s11;
	s14 =	smul.u32 $0x6000, s14  }
0x2cc: {  	s25 =	sshll.u32 s25, $0x9  }
0x2cd: {  	s14 =	sor.u32 s25, s14  }
0x2ce: {  	s14 =	sshra.s32 s14, $0x2  }
0x2cf: {  	s14 =	sadd.s32 $0xC400, s14  }
0x2d0: {  	v6 =	vld [tilespmem:s14+$0xFFFFFC10]  }
0x2d1: {  	v15 =	vld [tilespmem:s14+$0x70]  }
0x2d2: {  	v16 =	vld [tilespmem:s14+$0x30]  }
0x2d3: {  	v9 =	vld [tilespmem:s14+$0x50];
	_ =	sdelay $0x1  }
0x2d4: {  	v4 =	vld [tilespmem:s14+$0x10]  }
0x2d5: {  	v17 =	vld [tilespmem:s14+$0xFFFFFC40];
	v3 =	vmul.f32 v6, v6  }
0x2d6: {  	v5 =	vld [tilespmem:s14+$0xFFFFFC20];
	v7 =	vmul.f32 v15, v15;
	v20 =	vmul.f32 $-1.595769170e+00, v6  }
0x2d7: {  	v8 =	vmul.f32 v16, v16;
	v12 =	vmul.f32 v9, v9  }
0x2d8: {  	v10 =	vld [tilespmem:s14+$0x0];
	v13 =	vmul.f32 $-1.595769170e+00, v15;
	v7 =	vmul.f32 $4.471499850e-02, v7  }
0x2d9: {  	v11 =	vld [tilespmem:s14+$0xFFFFFC30];
	v22 =	vmul.f32 $-1.595769170e+00, v9;
	v24 =	vmul.f32 $-1.595769170e+00, v4  }
0x2da: {  	v18 =	vmul.f32 v17, v17;
	v8 =	vmul.f32 $4.471499850e-02, v8;
	v14 =	vadd.f32 $1.000000000e+00, v7  }
0x2db: {  	v26 =	vmul.f32 $-1.595769170e+00, v5;
	v23 =	vmul.f32 $4.471499850e-02, v12  }
0x2dc: {  	v12 =	vmul.f32 $-1.595769170e+00, v16;
	v25 =	vmul.f32 v14, v13;
	v13 =	vadd.f32 $1.000000000e+00, v8  }
0x2dd: {  	v29 =	vmul.f32 v10, v10;
	v30 =	vmul.f32 $-1.595769170e+00, v17  }
0x2de: {  	v32 =	vmul.f32 v11, v11;
	v12 =	vmul.f32 v13, v12  }
0x2df: {  	v21 =	vmul.f32 $4.471499850e-02, v3;
	v3 =	vld [tilespmem:s14+$0x40];
	v28 =	vmul.f32 $4.471499850e-02, v18  }
0x2e0: {  	v18 =	vld [tilespmem:s14+$0x60];
	v32 =	vmul.f32 $4.471499850e-02, v32;
	v12 =	vmul.f32 $1.442695020e+00, v12  }
0x2e1: {  	v33 =	vmul.f32 $-1.595769170e+00, v10;
	v34 =	vmul.f32 $-1.595769170e+00, v11;
	v23 =	vadd.f32 $1.000000000e+00, v23  }
0x2e2: {  	v7 =	vld [tilespmem:s14+$0xFFFFFC50];
	v28 =	vadd.f32 $1.000000000e+00, v28;
	v32 =	vadd.f32 $1.000000000e+00, v32;
	(erf) = vpow2.f32 v12  }
0x2e3: {  	v29 =	vmul.f32 $4.471499850e-02, v29;
	v14 =	vld [tilespmem:s14+$0xFFFFFC00];
	v22 =	vmul.f32 v23, v22  }
0x2e4: {  	v8 =	vld [tilespmem:s14+$0xFFFFFC70];
	v28 =	vmul.f32 v28, v30;
	v32 =	vmul.f32 v32, v34  }
0x2e5: {  	v27 =	vmul.f32 $-1.595769170e+00, v3;
	v36 =	vmul.f32 v18, v18  }
0x2e6: {  	v39 =	vmul.f32 $-1.595769170e+00, v18;
	v25 =	vmul.f32 $1.442695020e+00, v25  }
0x2e7: {  	v13 =	vld [tilespmem:s14+$0xFFFFFC60];
	v22 =	vmul.f32 $1.442695020e+00, v22;
	v36 =	vmul.f32 $4.471499850e-02, v36  }
0x2e8: {  	v31 =	vmul.f32 $-1.595769170e+00, v7;
	v37 =	vmul.f32 v7, v7  }
0x2e9: {  	v19 =	vmul.f32 $-1.595769170e+00, v14;
	v35 =	vmul.f32 $-1.595769170e+00, v8;
	v36 =	vadd.f32 $1.000000000e+00, v36;
	v12 =	vld [tilespmem:s14+$0x20]  }
0x2ea: {  	v38 =	vmul.f32 v14, v14;
	v37 =	vmul.f32 $4.471499850e-02, v37  }
0x2eb: {  	v41 =	vmul.f32 v8, v8;
	v36 =	vmul.f32 v36, v39;
	v57 =	vpop (erf)  }
0x2ec: {  	v23 =	vmul.f32 $4.471499850e-02, v38;
	v56 =	vmul.f32 v13, v13;
	v39 =	vadd.f32 $1.000000000e+00, v57  }
0x2ed: {  	v40 =	vmul.f32 $-1.595769170e+00, v13;
	v36 =	vmul.f32 $1.442695020e+00, v36  }
0x2ee: {  	v42 =	vmul.f32 v12, v12;
	(erf) = vrcp.f32 v39  }
0x2ef: {  	v21 =	vadd.f32 $1.000000000e+00, v21;
	v58 =	vmul.f32 $-1.595769170e+00, v12;
	(erf) = vpow2.f32 v22  }
0x2f0: {  	v42 =	vmul.f32 $4.471499850e-02, v42;
	(erf) = vpow2.f32 v25  }
0x2f1: {  	v25 =	vmul.f32 $1.442695020e+00, v28;
	v28 =	vmul.f32 v21, v20  }
0x2f2: {  	v59 =	vadd.f32 $1.000000000e+00, v42;
	v21 =	vmul.f32 v3, v3;
	(erf) = vpow2.f32 v36  }
0x2f3: {  	(erf) = vpow2.f32 v25;
	v25 =	vadd.f32 $1.000000000e+00, v29;
	v29 =	vmul.f32 v4, v4  }
0x2f4: {  	v22 =	vmul.f32 v59, v58;
	v20 =	vmul.f32 $1.442695020e+00, v32  }
0x2f5: {  	v21 =	vmul.f32 $4.471499850e-02, v21;
	v29 =	vmul.f32 $4.471499850e-02, v29  }
0x2f6: {  	v22 =	vmul.f32 $1.442695020e+00, v22;
	(erf) = vpow2.f32 v20;
	v20 =	vadd.f32 $1.000000000e+00, v37  }
0x2f7: {  	v30 =	vmul.f32 $4.471499850e-02, v56;
	v21 =	vadd.f32 $1.000000000e+00, v21;
	v29 =	vadd.f32 $1.000000000e+00, v29  }
0x2f8: {  	v61 =	vmul.f32 $4.471499850e-02, v41;
	v60 =	vmul.f32 v25, v33  }
0x2f9: {  	v30 =	vadd.f32 $1.000000000e+00, v30;
	v31 =	vmul.f32 v20, v31;
	v25 =	vpop (erf);
	v24 =	vmul.f32 v29, v24  }
0x2fa: {  	v20 =	vmul.f32 v21, v27;
	(erf) = vpow2.f32 v22;
	v22 =	vpop (erf)  }
0x2fb: {  	v30 =	vmul.f32 v30, v40;
	v32 =	vadd.f32 $1.000000000e+00, v23;
	v62 =	vmul.f32 $1.442695020e+00, v60;
	v21 =	vpop (erf)  }
0x2fc: {  	v27 =	vmul.f32 v5, v5;
	v29 =	vmul.f32 $1.442695020e+00, v20;
	v21 =	vadd.f32 $1.000000000e+00, v21;
	v23 =	vpop (erf)  }
0x2fd: {  	(erf) = vpow2.f32 v62;
	v20 =	vmul.f32 $1.442695020e+00, v24;
	v24 =	vpop (erf)  }
0x2fe: {  	v31 =	vmul.f32 $1.442695020e+00, v31;
	(erf) = vrcp.f32 v21;
	v24 =	vadd.f32 $1.000000000e+00, v24  }
0x2ff: {  	v63 =	vmul.f32 $4.471499850e-02, v27;
	(erf) = vpow2.f32 v29  }
0x300: {  	v33 =	vadd.f32 $1.000000000e+00, v61;
	v27 =	vmul.f32 $1.442695020e+00, v30;
	v30 =	vmul.f32 $1.442695020e+00, v28  }
0x301: {  	v28 =	vadd.f32 $1.000000000e+00, v63;
	v21 =	vadd.f32 $1.000000000e+00, v23;
	(erf) = vrcp.f32 v24  }
0x302: {  	v23 =	vmul.f32 v33, v35;
	v29 =	vadd.f32 $1.000000000e+00, v22;
	(erf) = vpow2.f32 v31;
	v24 =	vpop (erf)  }
0x303: {  	s25 =	simm.s32 $0x0;
	s26 =	sadd.s32 $0x800, s14;
	v28 =	vmul.f32 v28, v26;
	(erf) = vpow2.f32 v30;
	v24 =	vadd.f32 $1.000000000e+00, v24;
	v22 =	vpop (erf)  }
.LBB2_17:
0x304: {  	v26 =	vld [tilespmem:s26+$0xFFFFFC10];
	s25 =	sadd.s32 $0x100, s25;
	v19 =	vmul.f32 v32, v19;
	(erf) = vrcp.f32 v29  }
0x305: {  	v34 =	vmul.f32 $1.442695020e+00, v28;
	v30 =	vld [tilespmem:s26+$0x30];
	p1 =	slt.u32 s25, $0x200;
	(erf) = vpow2.f32 v27  }
0x306: {  	v31 =	vld [tilespmem:s26+$0x70];
	v19 =	vmul.f32 $1.442695020e+00, v19;
	v27 =	vpop (erf);
	(erf) = vpow2.f32 v20  }
0x307: {  	v35 =	vmul.f32 v25, v16;
	v32 =	vld [tilespmem:s26+$0x50];
	(erf) = vrcp.f32 v21;
	v33 =	vpop (erf)  }
0x308: {  	v29 =	vmul.f32 $1.442695020e+00, v23;
	v27 =	vadd.f32 $1.000000000e+00, v27;
	v21 =	vld [tilespmem:s26+$0x10];
	(erf) = vpow2.f32 v34;
	v28 =	vpop (erf)  }
0x309: {  	v34 =	vmul.f32 v26, v26;
	v23 =	vld [tilespmem:s26+$0x20];
	[tilespmem:s14+$0x30] =	vst v35;
	(erf) = vpow2.f32 v19  }
0x30a: {  	v25 =	vmul.f32 $-1.595769170e+00, v26;
	v20 =	vld [tilespmem:s26+$0xFFFFFC20];
	v19 =	vpop (erf);
	(erf) = vpow2.f32 v29;
	v16 =	vmov v30  }
0x30b: {  	v35 =	vld [tilespmem:s26+$0xFFFFFC30];
	v36 =	vmul.f32 v31, v31;
	v37 =	vpop (erf);
	(erf) = vrcp.f32 v27  }
0x30c: {  	v38 =	vmul.f32 $4.471499850e-02, v34;
	v29 =	vld [tilespmem:s26+$0xFFFFFC50];
	v27 =	vmul.f32 v32, v32;
	v37 =	vadd.f32 $1.000000000e+00, v37;
	v39 =	vpop (erf)  }
0x30d: {  	v41 =	vmul.f32 $-1.595769170e+00, v31;
	v40 =	vld [tilespmem:s26+$0x0];
	v34 =	vmul.f32 $4.471499850e-02, v36;
	v36 =	vadd.f32 $1.000000000e+00, v22;
	v42 =	vpop (erf)  }
0x30e: {  	v46 =	vadd.f32 $1.000000000e+00, v28;
	v44 =	vmul.f32 $-1.595769170e+00, v32;
	v43 =	vld [tilespmem:s26+$0xFFFFFC40];
	v45 =	vmul.f32 $4.471499850e-02, v27;
	v47 =	vpop (erf)  }
0x30f: {  	v17 =	vmul.f32 v19, v17;
	v22 =	vmul.f32 $-1.595769170e+00, v21;
	v28 =	vld [tilespmem:s26+$0x40];
	v48 =	vadd.f32 $1.000000000e+00, v34;
	v49 =	vpop (erf)  }
0x310: {  	v51 =	vmul.f32 v30, v16;
	v27 =	vld [tilespmem:s26+$0xFFFFFC70];
	v45 =	vadd.f32 $1.000000000e+00, v45;
	(erf) = vrcp.f32 v24;
	v24 =	vpop (erf)  }
0x311: {  	v15 =	vmul.f32 v33, v15;
	v30 =	vadd.f32 $1.000000000e+00, v39;
	v34 =	vld [tilespmem:s26+$0xFFFFFC60];
	v41 =	vmul.f32 v48, v41;
	[tilespmem:s14+$0xFFFFFC40] =	vst v17;
	v33 =	vpop (erf)  }
0x312: {  	v54 =	vmul.f32 $4.471499850e-02, v51;
	v47 =	vadd.f32 $1.000000000e+00, v47;
	v18 =	vmul.f32 v24, v18;
	v39 =	vld [tilespmem:s26+$0xFFFFFC00];
	v19 =	vpop (erf)  }
0x313: {  	v48 =	vmul.f32 v43, v43;
	v19 =	vadd.f32 $1.000000000e+00, v19;
	[tilespmem:s14+$0x70] =	vst v15;
	(erf) = vrcp.f32 v30;
	v50 =	vpop (erf)  }
0x314: {  	v51 =	vmul.f32 $-1.595769170e+00, v16;
	v42 =	vmul.f32 v42, v9;
	v52 =	vadd.f32 $1.000000000e+00, v54;
	[tilespmem:s14+$0x60] =	vst v18;
	v53 =	vpop (erf)  }
0x315: {  	v9 =	vmovc v32;
	v24 =	vmul.f32 $-1.595769170e+00, v20;
	v15 =	vmovc v31;
	v17 =	vmov v43;
	v30 =	vmul.f32 $-1.595769170e+00, v28  }
0x316: {  	v51 =	vmul.f32 v52, v51;
	v31 =	vadd.f32 $1.000000000e+00, v33;
	[tilespmem:s14+$0x50] =	vst v42;
	(erf) = vrcp.f32 v19  }
0x317: {  	v32 =	vmul.f32 $4.471499850e-02, v48;
	v42 =	vmul.f32 v40, v40  }
0x318: {  	v43 =	vmul.f32 $1.442695020e+00, v51;
	(erf) = vrcp.f32 v31  }
0x319: {  	v33 =	vmul.f32 $-1.595769170e+00, v29;
	v48 =	vmul.f32 $-1.595769170e+00, v17;
	v18 =	vpop (erf)  }
0x31a: {  	v51 =	vmul.f32 v35, v35;
	v55 =	vmul.f32 v18, v11;
	v11 =	vmov v35  }
0x31b: {  	v19 =	vmul.f32 $-1.595769170e+00, v39;
	v35 =	vmul.f32 $-1.595769170e+00, v40;
	v18 =	vld [tilespmem:s26+$0x60]  }
0x31c: {  	v38 =	vadd.f32 $1.000000000e+00, v38;
	v31 =	vmul.f32 $-1.595769170e+00, v27;
	v54 =	vmul.f32 $-1.595769170e+00, v11;
	[tilespmem:s14+$0xFFFFFC30] =	vst v55;
	v52 =	vpop (erf)  }
0x31d: {  	v55 =	vmul.f32 v29, v29;
	(erf) = vpow2.f32 v43  }
0x31e: {  	v49 =	vadd.f32 $1.000000000e+00, v49;
	v56 =	vmul.f32 v53, v10;
	v10 =	vmovc v40;
	v43 =	vmul.f32 $4.471499850e-02, v51  }
0x31f: {  	v40 =	vadd.f32 $1.000000000e+00, v32;
	v32 =	vmul.f32 $4.471499850e-02, v55;
	v53 =	vpop (erf);
	(erf) = vrcp.f32 v47  }
0x320: {  	v43 =	vadd.f32 $1.000000000e+00, v43;
	v47 =	vmul.f32 $-1.595769170e+00, v18;
	[tilespmem:s14+$0x0] =	vst v56;
	(erf) = vrcp.f32 v49  }
0x321: {  	v49 =	vmul.f32 v18, v18;
	v51 =	vpop (erf);
	(erf) = vrcp.f32 v46  }
0x322: {  	v46 =	vadd.f32 $1.000000000e+00, v32;
	v32 =	vmul.f32 v45, v44;
	(erf) = vrcp.f32 v36  }
0x323: {  	v36 =	vmul.f32 v39, v39;
	(erf) = vrcp.f32 v37  }
0x324: {  	v44 =	vmul.f32 v51, v5;
	v5 =	vmov v20;
	v37 =	vmul.f32 $4.471499850e-02, v49  }
0x325: {  	v41 =	vmul.f32 $1.442695020e+00, v41;
	v36 =	vmul.f32 $4.471499850e-02, v36  }
0x326: {  	v45 =	vmul.f32 v34, v34;
	v49 =	vmul.f32 $-1.595769170e+00, v34;
	v37 =	vadd.f32 $1.000000000e+00, v37;
	v51 =	vpop (erf);
	[tilespmem:s14+$0xFFFFFC20] =	vst v44  }
0x327: {  	v50 =	vadd.f32 $1.000000000e+00, v50;
	v55 =	vmul.f32 $1.442695020e+00, v32;
	v44 =	vmul.f32 v27, v27  }
0x328: {  	v56 =	vmul.f32 v52, v6;
	v51 =	vadd.f32 $1.000000000e+00, v51;
	v37 =	vmul.f32 v37, v47;
	v47 =	vpop (erf)  }
0x329: {  	v57 =	vmul.f32 v53, v14;
	v32 =	vadd.f32 $1.000000000e+00, v36;
	v36 =	vmul.f32 v23, v23;
	v52 =	vpop (erf)  }
0x32a: {  	v6 =	vmov v26;
	v37 =	vmul.f32 $1.442695020e+00, v37;
	[tilespmem:s14+$0xFFFFFC10] =	vst v56;
	v52 =	vmul.f32 v52, v4;
	v53 =	vpop (erf)  }
0x32b: {  	v26 =	vmul.f32 $4.471499850e-02, v42;
	v4 =	vmov v21;
	(erf) = vrcp.f32 v51;
	[tilespmem:s14+$0xFFFFFC00] =	vst v57;
	v42 =	vpop (erf)  }
0x32c: {  	v14 =	vmov v39;
	v36 =	vmul.f32 $4.471499850e-02, v36;
	[tilespmem:s14+$0x10] =	vst v52;
	v51 =	vpop (erf);
	(erf) = vrcp.f32 v50  }
0x32d: {  	v26 =	vadd.f32 $1.000000000e+00, v26;
	v39 =	vmul.f32 $-1.595769170e+00, v23;
	v47 =	vmul.f32 v47, v13;
	v13 =	vmovc v34  }
0x32e: {  	v34 =	vmul.f32 v40, v48;
	v40 =	vmul.f32 $4.471499850e-02, v45;
	v36 =	vadd.f32 $1.000000000e+00, v36  }
0x32f: {  	v43 =	vmul.f32 v43, v54;
	v45 =	vmul.f32 v51, v7;
	v7 =	vmov v29;
	[tilespmem:s14+$0xFFFFFC60] =	vst v47  }
0x330: {  	v36 =	vmul.f32 v36, v39;
	v39 =	vmul.f32 v53, v3;
	v3 =	vmovc v28;
	v29 =	vadd.f32 $1.000000000e+00, v40  }
0x331: {  	v34 =	vmul.f32 $1.442695020e+00, v34;
	(erf) = vpow2.f32 v55;
	[tilespmem:s14+$0xFFFFFC50] =	vst v45  }
0x332: {  	v38 =	vmul.f32 v38, v25;
	(erf) = vpow2.f32 v41;
	[tilespmem:s14+$0x40] =	vst v39  }
0x333: {  	v36 =	vmul.f32 $1.442695020e+00, v36;
	(erf) = vpow2.f32 v37  }
0x334: {  	v39 =	vmul.f32 v42, v12;
	v12 =	vmov v23;
	v37 =	vmul.f32 $1.442695020e+00, v43;
	v25 =	vpop (erf)  }
0x335: {  	v23 =	vmul.f32 v28, v3;
	(erf) = vpow2.f32 v34;
	v28 =	vpop (erf)  }
0x336: {  	v21 =	vmul.f32 v21, v4;
	v28 =	vmul.f32 v28, v8;
	[tilespmem:s14+$0x20] =	vst v39;
	v8 =	vmov v27  }
0x337: {  	v23 =	vmul.f32 $4.471499850e-02, v23;
	(erf) = vpow2.f32 v37  }
0x338: {  	v26 =	vmul.f32 v26, v35;
	v21 =	vmul.f32 $4.471499850e-02, v21;
	[tilespmem:s14+$0xFFFFFC70] =	vst v28;
	s14 =	smov.u32 s26  }
0x339: {  	v27 =	vmul.f32 v29, v49;
	v23 =	vadd.f32 $1.000000000e+00, v23;
	v28 =	vmul.f32 $4.471499850e-02, v44  }
0x33a: {  	v26 =	vmul.f32 $1.442695020e+00, v26;
	v21 =	vadd.f32 $1.000000000e+00, v21;
	(erf) = vpow2.f32 v36;
	v29 =	vpop (erf)  }
0x33b: {  	v33 =	vmul.f32 v46, v33;
	v23 =	vmul.f32 v23, v30;
	v28 =	vadd.f32 $1.000000000e+00, v28;
	v30 =	vpop (erf)  }
0x33c: {  	v34 =	vmul.f32 v20, v5;
	v20 =	vmul.f32 v21, v22;
	v21 =	vadd.f32 $1.000000000e+00, v30;
	v22 =	vpop (erf)  }
0x33d: {  	v23 =	vmul.f32 $1.442695020e+00, v23;
	(erf) = vpow2.f32 v26  }
0x33e: {  	v20 =	vmul.f32 $1.442695020e+00, v20;
	v26 =	vpop (erf);
	(erf) = vrcp.f32 v21  }
.Ltmp17:
0x33f: {  	v30 =	vmul.f32 $4.471499850e-02, v34;
	v26 =	vadd.f32 $1.000000000e+00, v26;
	(erf) = vpow2.f32 v23;
	(pc) =	sbr.rel @p1 .LBB2_17-.Ltmp17, $4  }
0x340: {  	v33 =	vmul.f32 $1.442695020e+00, v33;
	v27 =	vmul.f32 $1.442695020e+00, v27;
	v21 =	vadd.f32 $1.000000000e+00, v22;
	v22 =	vpop (erf)  }
0x341: {  	v34 =	vmul.f32 $1.442695020e+00, v38;
	v30 =	vadd.f32 $1.000000000e+00, v30;
	(erf) = vrcp.f32 v26  }
0x342: {  	v29 =	vadd.f32 $1.000000000e+00, v29;
	v23 =	vmul.f32 v28, v31;
	(erf) = vpow2.f32 v33  }
0x343: {  	s26 =	sadd.s32 $0x800, s26;
	v28 =	vmul.f32 v30, v24;
	v24 =	vadd.f32 $1.000000000e+00, v22;
	(erf) = vpow2.f32 v34;
	v22 =	vpop (erf)  }
.Ltmp18:
0x344: {  	_ = 	snop;
	(pc) =	sbr.rel .LBB2_18-.Ltmp18, $1  }
0x345: {  	_ =	sdelay $0x3  }
.LBB2_20:
0x346: {  	s3 =	sadd.s32 s4, s9  }
0x347: {  	[hbm4b:s3+s6] =	stream.linear.scatter [tilespmem:s17], [sflag:$0x8], $0x6000, $0x38;
	[tilespmem:$0x1E400] =	vst v63  }
0x348: {  	s3 =	sadd.s32 $0x80, s1  }
0x349: {  	s26 =	sadd.s32 s8, s3  }
0x34a: {  	s9 =	sshrl.u32 s26, $0x3  }
0x34b: {  	s11 =	simm.s32 @!p0 $0xA;
	s9 =	smul.u32 $0x1800, s9  }
0x34c: {  	_ =	swait.ge @!p0 [sflag:s11], $0x6000  }
0x34d: {  	[sflag:s11] =	ssyncset.done @!p0 $0x0;
	s9 =	sadd.s32 s5, s9  }
0x34e: {  	[sflag:s11] =	ssyncadd.s32 @!p0 $0xFFFFA000;
	s9 =	sshrl.u32 s9, $0x3  }
.Ltmp19:
0x34f: {  	s11 =	simm.s32 $0x0;
	s12 =	sadd.s32 s2, s9;
	(pc) =	sbr.rel .LBB2_21-.Ltmp19, $4  }
0x350: {  	[tilespmem:s21], [sflag:$0x5] =	stream.linear.gather [hbm4b:s12+s11], $0x6000, $0x38;
	[tilespmem:$0x1E400] =	vst v63  }
0x351: {  	_ =	swait.ge [sflag:s22], $0x6000  }
0x352: {  	[sflag:s22] =	ssyncset.done $0x0  }
0x353: {  	s12 =	simm.s32 $0x0;
	[sflag:s22] =	ssyncadd.s32 $0xFFFFA000  }
.LBB2_24:
0x354: {  	(erf) = vrcp.f32 v29  }
0x355: {  	v19 =	vmul.f32 v32, v19;
	(erf) = vpow2.f32 v27  }
0x356: {  	v26 =	vmul.f32 $1.442695020e+00, v28;
	(erf) = vpow2.f32 v20  }
0x357: {  	v58 =	vpop (erf);
	v19 =	vmul.f32 $1.442695020e+00, v19;
	(erf) = vrcp.f32 v21  }
0x358: {  	v59 =	vpop (erf);
	(erf) = vpow2.f32 v26  }
0x359: {  	v60 =	vpop (erf);
	(erf) = vpow2.f32 v19  }
0x35a: {  	v61 =	vpop (erf)  }
0x35b: {  	v62 =	vpop (erf)  }
0x35c: {  	v63 =	vpop (erf)  }
0x35d: {  	v29 =	vpop (erf)  }
0x35e: {  	v23 =	vmul.f32 $1.442695020e+00, v23;
	v30 =	vpop (erf)  }
0x35f: {  	v31 =	vpop (erf)  }
0x360: {  	v20 =	vadd.f32 $1.000000000e+00, v58;
	v36 =	vpop (erf);
	(erf) = vpow2.f32 v23  }
0x361: {  	v37 =	vpop (erf)  }
0x362: {  	v38 =	vadd.f32 $1.000000000e+00, v63;
	(erf) = vrcp.f32 v20;
	v39 =	vpop (erf)  }
0x363: {  	(erf) = vrcp.f32 v24;
	v40 =	vadd.f32 $1.000000000e+00, v39  }
0x364: {  	v41 =	vadd.f32 $1.000000000e+00, v37;
	(erf) = vrcp.f32 v38  }
0x365: {  	v42 =	vadd.f32 $1.000000000e+00, v30;
	(erf) = vrcp.f32 v40  }
0x366: {  	v43 =	vadd.f32 $1.000000000e+00, v31;
	(erf) = vrcp.f32 v41  }
0x367: {  	v16 =	vmul.f32 v25, v16;
	v44 =	vadd.f32 $1.000000000e+00, v60;
	(erf) = vrcp.f32 v42  }
0x368: {  	v22 =	vadd.f32 $1.000000000e+00, v22;
	v15 =	vmul.f32 v59, v15;
	(erf) = vrcp.f32 v43  }
0x369: {  	[tilespmem:s14+$0x30] =	vst v16;
	v17 =	vmul.f32 v61, v17;
	v45 =	vadd.f32 $1.000000000e+00, v62;
	(erf) = vrcp.f32 v44;
	v46 =	vpop (erf)  }
0x36a: {  	[tilespmem:s14+$0x70] =	vst v15;
	v9 =	vmul.f32 v29, v9;
	(erf) = vrcp.f32 v22;
	v19 =	vadd.f32 $1.000000000e+00, v46  }
0x36b: {  	[tilespmem:s14+$0xFFFFFC40] =	vst v17;
	v48 =	vmul.f32 v36, v18;
	v47 =	vpop (erf);
	(erf) = vrcp.f32 v45  }
0x36c: {  	[tilespmem:s14+$0x50] =	vst v9;
	v49 =	vpop (erf);
	v52 =	vmul.f32 v47, v10;
	(erf) = vrcp.f32 v19  }
0x36d: {  	[tilespmem:s14+$0x60] =	vst v48;
	v50 =	vpop (erf);
	v11 =	vmul.f32 v49, v11  }
0x36e: {  	[tilespmem:s14+$0x0] =	vst v52;
	v6 =	vmul.f32 v50, v6;
	v51 =	vpop (erf)  }
0x36f: {  	[tilespmem:s14+$0xFFFFFC30] =	vst v11;
	v53 =	vpop (erf);
	v56 =	vmul.f32 v51, v14  }
0x370: {  	[tilespmem:s14+$0xFFFFFC10] =	vst v6;
	v5 =	vmul.f32 v53, v5;
	v54 =	vpop (erf)  }
0x371: {  	v55 =	vpop (erf);
	[tilespmem:s14+$0xFFFFFC00] =	vst v56;
	v60 =	vmul.f32 v54, v13  }
0x372: {  	[tilespmem:s14+$0xFFFFFC20] =	vst v5;
	v57 =	vpop (erf);
	v4 =	vmul.f32 v55, v4  }
0x373: {  	v58 =	vpop (erf);
	[tilespmem:s14+$0xFFFFFC60] =	vst v60;
	v3 =	vmul.f32 v57, v3  }
0x374: {  	v59 =	vpop (erf);
	[tilespmem:s14+$0x10] =	vst v4;
	v62 =	vmul.f32 v58, v12  }
0x375: {  	v61 =	vmul.f32 v59, v7;
	v63 =	vpop (erf);
	[tilespmem:s14+$0x40] =	vst v3  }
0x376: {  	v3 =	vmul.f32 v63, v8;
	[tilespmem:s14+$0x20] =	vst v62  }
0x377: {  	[tilespmem:s14+$0xFFFFFC50] =	vst v61  }
0x378: {  	[tilespmem:s14+$0xFFFFFC70] =	vst v3  }
.LBB2_25:
0x379: {  	s12 =	sadd.s32 $0x1, s12  }
0x37a: {  	p0 =	sne.s32 s12, $0x20  }
.Ltmp20:
0x37b: {  	_ = 	snop;
	(pc) =	sbr.rel @!p0 .LBB2_26-.Ltmp20, $2  }
0x37c: {  	_ =	sdelay $0x2  }
0x37d: {  	s11 =	sadd.s32 $0x1, s11  }
.LBB2_21:
0x37e: {  	s14 =	sor.u32 s0, s12  }
0x37f: {  	v3 =	vmov s14;
	_ =	sdelay $0x4  }
0x380: {  	v3 =	vld.idx.msk [tilespmem:v3+s15+$0x0], $0xffff;
	_ =	sdelay $0x4  }
0x381: {  	(v2sf) =	vpush v3, $0x0;
	_ =	sdelay $0xe  }
0x382: {  	s26 =	spop (v2sf)  }
0x383: {  	p0 =	sgt.f32 s26, $5.000000000e-01  }
.Ltmp21:
0x384: {  	_ = 	snop;
	(pc) =	sbr.rel @!p0 .LBB2_25-.Ltmp21, $1  }
0x385: {  	_ =	sdelay $0x3  }
0x386: {  	s14 =	sshrl.u32 s12, $0x3  }
0x387: {  	s25 =	sand.u32 $0x7, s11;
	s14 =	smul.u32 $0x6000, s14  }
0x388: {  	s25 =	sshll.u32 s25, $0x9  }
0x389: {  	s14 =	sor.u32 s25, s14  }
0x38a: {  	s14 =	sshra.s32 s14, $0x2  }
0x38b: {  	s14 =	sadd.s32 $0x12400, s14  }
0x38c: {  	v6 =	vld [tilespmem:s14+$0xFFFFFC10]  }
0x38d: {  	v15 =	vld [tilespmem:s14+$0x70]  }
0x38e: {  	v16 =	vld [tilespmem:s14+$0x30]  }
0x38f: {  	v9 =	vld [tilespmem:s14+$0x50];
	_ =	sdelay $0x1  }
0x390: {  	v4 =	vld [tilespmem:s14+$0x10]  }
0x391: {  	v17 =	vld [tilespmem:s14+$0xFFFFFC40];
	v3 =	vmul.f32 v6, v6  }
0x392: {  	v5 =	vld [tilespmem:s14+$0xFFFFFC20];
	v7 =	vmul.f32 v15, v15;
	v20 =	vmul.f32 $-1.595769170e+00, v6  }
0x393: {  	v8 =	vmul.f32 v16, v16;
	v12 =	vmul.f32 v9, v9  }
0x394: {  	v10 =	vld [tilespmem:s14+$0x0];
	v13 =	vmul.f32 $-1.595769170e+00, v15;
	v7 =	vmul.f32 $4.471499850e-02, v7  }
0x395: {  	v11 =	vld [tilespmem:s14+$0xFFFFFC30];
	v22 =	vmul.f32 $-1.595769170e+00, v9;
	v24 =	vmul.f32 $-1.595769170e+00, v4  }
0x396: {  	v18 =	vmul.f32 v17, v17;
	v8 =	vmul.f32 $4.471499850e-02, v8;
	v14 =	vadd.f32 $1.000000000e+00, v7  }
0x397: {  	v26 =	vmul.f32 $-1.595769170e+00, v5;
	v23 =	vmul.f32 $4.471499850e-02, v12  }
0x398: {  	v12 =	vmul.f32 $-1.595769170e+00, v16;
	v25 =	vmul.f32 v14, v13;
	v13 =	vadd.f32 $1.000000000e+00, v8  }
0x399: {  	v29 =	vmul.f32 v10, v10;
	v30 =	vmul.f32 $-1.595769170e+00, v17  }
0x39a: {  	v32 =	vmul.f32 v11, v11;
	v12 =	vmul.f32 v13, v12  }
0x39b: {  	v21 =	vmul.f32 $4.471499850e-02, v3;
	v3 =	vld [tilespmem:s14+$0x40];
	v28 =	vmul.f32 $4.471499850e-02, v18  }
0x39c: {  	v18 =	vld [tilespmem:s14+$0x60];
	v32 =	vmul.f32 $4.471499850e-02, v32;
	v12 =	vmul.f32 $1.442695020e+00, v12  }
0x39d: {  	v33 =	vmul.f32 $-1.595769170e+00, v10;
	v34 =	vmul.f32 $-1.595769170e+00, v11;
	v23 =	vadd.f32 $1.000000000e+00, v23  }
0x39e: {  	v7 =	vld [tilespmem:s14+$0xFFFFFC50];
	v28 =	vadd.f32 $1.000000000e+00, v28;
	v32 =	vadd.f32 $1.000000000e+00, v32;
	(erf) = vpow2.f32 v12  }
0x39f: {  	v29 =	vmul.f32 $4.471499850e-02, v29;
	v14 =	vld [tilespmem:s14+$0xFFFFFC00];
	v22 =	vmul.f32 v23, v22  }
0x3a0: {  	v8 =	vld [tilespmem:s14+$0xFFFFFC70];
	v28 =	vmul.f32 v28, v30;
	v32 =	vmul.f32 v32, v34  }
0x3a1: {  	v27 =	vmul.f32 $-1.595769170e+00, v3;
	v36 =	vmul.f32 v18, v18  }
0x3a2: {  	v39 =	vmul.f32 $-1.595769170e+00, v18;
	v25 =	vmul.f32 $1.442695020e+00, v25  }
0x3a3: {  	v13 =	vld [tilespmem:s14+$0xFFFFFC60];
	v22 =	vmul.f32 $1.442695020e+00, v22;
	v36 =	vmul.f32 $4.471499850e-02, v36  }
0x3a4: {  	v31 =	vmul.f32 $-1.595769170e+00, v7;
	v37 =	vmul.f32 v7, v7  }
0x3a5: {  	v19 =	vmul.f32 $-1.595769170e+00, v14;
	v35 =	vmul.f32 $-1.595769170e+00, v8;
	v36 =	vadd.f32 $1.000000000e+00, v36;
	v12 =	vld [tilespmem:s14+$0x20]  }
0x3a6: {  	v38 =	vmul.f32 v14, v14;
	v37 =	vmul.f32 $4.471499850e-02, v37  }
0x3a7: {  	v41 =	vmul.f32 v8, v8;
	v36 =	vmul.f32 v36, v39;
	v57 =	vpop (erf)  }
0x3a8: {  	v23 =	vmul.f32 $4.471499850e-02, v38;
	v56 =	vmul.f32 v13, v13;
	v39 =	vadd.f32 $1.000000000e+00, v57  }
0x3a9: {  	v40 =	vmul.f32 $-1.595769170e+00, v13;
	v36 =	vmul.f32 $1.442695020e+00, v36  }
0x3aa: {  	v42 =	vmul.f32 v12, v12;
	(erf) = vrcp.f32 v39  }
0x3ab: {  	v21 =	vadd.f32 $1.000000000e+00, v21;
	v58 =	vmul.f32 $-1.595769170e+00, v12;
	(erf) = vpow2.f32 v22  }
0x3ac: {  	v42 =	vmul.f32 $4.471499850e-02, v42;
	(erf) = vpow2.f32 v25  }
0x3ad: {  	v25 =	vmul.f32 $1.442695020e+00, v28;
	v28 =	vmul.f32 v21, v20  }
0x3ae: {  	v59 =	vadd.f32 $1.000000000e+00, v42;
	v21 =	vmul.f32 v3, v3;
	(erf) = vpow2.f32 v36  }
0x3af: {  	(erf) = vpow2.f32 v25;
	v25 =	vadd.f32 $1.000000000e+00, v29;
	v29 =	vmul.f32 v4, v4  }
0x3b0: {  	v22 =	vmul.f32 v59, v58;
	v20 =	vmul.f32 $1.442695020e+00, v32  }
0x3b1: {  	v21 =	vmul.f32 $4.471499850e-02, v21;
	v29 =	vmul.f32 $4.471499850e-02, v29  }
0x3b2: {  	v22 =	vmul.f32 $1.442695020e+00, v22;
	(erf) = vpow2.f32 v20;
	v20 =	vadd.f32 $1.000000000e+00, v37  }
0x3b3: {  	v30 =	vmul.f32 $4.471499850e-02, v56;
	v21 =	vadd.f32 $1.000000000e+00, v21;
	v29 =	vadd.f32 $1.000000000e+00, v29  }
0x3b4: {  	v61 =	vmul.f32 $4.471499850e-02, v41;
	v60 =	vmul.f32 v25, v33  }
0x3b5: {  	v30 =	vadd.f32 $1.000000000e+00, v30;
	v31 =	vmul.f32 v20, v31;
	v25 =	vpop (erf);
	v24 =	vmul.f32 v29, v24  }
0x3b6: {  	v20 =	vmul.f32 v21, v27;
	(erf) = vpow2.f32 v22;
	v22 =	vpop (erf)  }
0x3b7: {  	v30 =	vmul.f32 v30, v40;
	v32 =	vadd.f32 $1.000000000e+00, v23;
	v62 =	vmul.f32 $1.442695020e+00, v60;
	v21 =	vpop (erf)  }
0x3b8: {  	v27 =	vmul.f32 v5, v5;
	v29 =	vmul.f32 $1.442695020e+00, v20;
	v21 =	vadd.f32 $1.000000000e+00, v21;
	v23 =	vpop (erf)  }
0x3b9: {  	(erf) = vpow2.f32 v62;
	v20 =	vmul.f32 $1.442695020e+00, v24;
	v24 =	vpop (erf)  }
0x3ba: {  	v31 =	vmul.f32 $1.442695020e+00, v31;
	(erf) = vrcp.f32 v21;
	v24 =	vadd.f32 $1.000000000e+00, v24  }
0x3bb: {  	v63 =	vmul.f32 $4.471499850e-02, v27;
	(erf) = vpow2.f32 v29  }
0x3bc: {  	v33 =	vadd.f32 $1.000000000e+00, v61;
	v27 =	vmul.f32 $1.442695020e+00, v30;
	v30 =	vmul.f32 $1.442695020e+00, v28  }
0x3bd: {  	v28 =	vadd.f32 $1.000000000e+00, v63;
	v21 =	vadd.f32 $1.000000000e+00, v23;
	(erf) = vrcp.f32 v24  }
0x3be: {  	v23 =	vmul.f32 v33, v35;
	v29 =	vadd.f32 $1.000000000e+00, v22;
	(erf) = vpow2.f32 v31;
	v24 =	vpop (erf)  }
0x3bf: {  	s25 =	simm.s32 $0x0;
	s26 =	sadd.s32 $0x800, s14;
	v28 =	vmul.f32 v28, v26;
	(erf) = vpow2.f32 v30;
	v24 =	vadd.f32 $1.000000000e+00, v24;
	v22 =	vpop (erf)  }
.LBB2_23:
0x3c0: {  	v26 =	vld [tilespmem:s26+$0xFFFFFC10];
	s25 =	sadd.s32 $0x100, s25;
	v19 =	vmul.f32 v32, v19;
	(erf) = vrcp.f32 v29  }
0x3c1: {  	v34 =	vmul.f32 $1.442695020e+00, v28;
	v30 =	vld [tilespmem:s26+$0x30];
	p0 =	slt.u32 s25, $0x200;
	(erf) = vpow2.f32 v27  }
0x3c2: {  	v31 =	vld [tilespmem:s26+$0x70];
	v19 =	vmul.f32 $1.442695020e+00, v19;
	v27 =	vpop (erf);
	(erf) = vpow2.f32 v20  }
0x3c3: {  	v35 =	vmul.f32 v25, v16;
	v32 =	vld [tilespmem:s26+$0x50];
	(erf) = vrcp.f32 v21;
	v33 =	vpop (erf)  }
0x3c4: {  	v29 =	vmul.f32 $1.442695020e+00, v23;
	v27 =	vadd.f32 $1.000000000e+00, v27;
	v21 =	vld [tilespmem:s26+$0x10];
	(erf) = vpow2.f32 v34;
	v28 =	vpop (erf)  }
0x3c5: {  	v34 =	vmul.f32 v26, v26;
	v23 =	vld [tilespmem:s26+$0x20];
	[tilespmem:s14+$0x30] =	vst v35;
	(erf) = vpow2.f32 v19  }
0x3c6: {  	v25 =	vmul.f32 $-1.595769170e+00, v26;
	v20 =	vld [tilespmem:s26+$0xFFFFFC20];
	v19 =	vpop (erf);
	(erf) = vpow2.f32 v29;
	v16 =	vmov v30  }
0x3c7: {  	v35 =	vld [tilespmem:s26+$0xFFFFFC30];
	v36 =	vmul.f32 v31, v31;
	v37 =	vpop (erf);
	(erf) = vrcp.f32 v27  }
0x3c8: {  	v38 =	vmul.f32 $4.471499850e-02, v34;
	v29 =	vld [tilespmem:s26+$0xFFFFFC50];
	v27 =	vmul.f32 v32, v32;
	v37 =	vadd.f32 $1.000000000e+00, v37;
	v39 =	vpop (erf)  }
0x3c9: {  	v41 =	vmul.f32 $-1.595769170e+00, v31;
	v40 =	vld [tilespmem:s26+$0x0];
	v34 =	vmul.f32 $4.471499850e-02, v36;
	v36 =	vadd.f32 $1.000000000e+00, v22;
	v42 =	vpop (erf)  }
0x3ca: {  	v46 =	vadd.f32 $1.000000000e+00, v28;
	v44 =	vmul.f32 $-1.595769170e+00, v32;
	v43 =	vld [tilespmem:s26+$0xFFFFFC40];
	v45 =	vmul.f32 $4.471499850e-02, v27;
	v47 =	vpop (erf)  }
0x3cb: {  	v17 =	vmul.f32 v19, v17;
	v22 =	vmul.f32 $-1.595769170e+00, v21;
	v28 =	vld [tilespmem:s26+$0x40];
	v48 =	vadd.f32 $1.000000000e+00, v34;
	v49 =	vpop (erf)  }
0x3cc: {  	v51 =	vmul.f32 v30, v16;
	v27 =	vld [tilespmem:s26+$0xFFFFFC70];
	v45 =	vadd.f32 $1.000000000e+00, v45;
	(erf) = vrcp.f32 v24;
	v24 =	vpop (erf)  }
0x3cd: {  	v15 =	vmul.f32 v33, v15;
	v30 =	vadd.f32 $1.000000000e+00, v39;
	v34 =	vld [tilespmem:s26+$0xFFFFFC60];
	v41 =	vmul.f32 v48, v41;
	[tilespmem:s14+$0xFFFFFC40] =	vst v17;
	v33 =	vpop (erf)  }
0x3ce: {  	v54 =	vmul.f32 $4.471499850e-02, v51;
	v47 =	vadd.f32 $1.000000000e+00, v47;
	v18 =	vmul.f32 v24, v18;
	v39 =	vld [tilespmem:s26+$0xFFFFFC00];
	v19 =	vpop (erf)  }
0x3cf: {  	v48 =	vmul.f32 v43, v43;
	v19 =	vadd.f32 $1.000000000e+00, v19;
	[tilespmem:s14+$0x70] =	vst v15;
	(erf) = vrcp.f32 v30;
	v50 =	vpop (erf)  }
0x3d0: {  	v51 =	vmul.f32 $-1.595769170e+00, v16;
	v42 =	vmul.f32 v42, v9;
	v52 =	vadd.f32 $1.000000000e+00, v54;
	[tilespmem:s14+$0x60] =	vst v18;
	v53 =	vpop (erf)  }
0x3d1: {  	v9 =	vmovc v32;
	v24 =	vmul.f32 $-1.595769170e+00, v20;
	v15 =	vmovc v31;
	v17 =	vmov v43;
	v30 =	vmul.f32 $-1.595769170e+00, v28  }
0x3d2: {  	v51 =	vmul.f32 v52, v51;
	v31 =	vadd.f32 $1.000000000e+00, v33;
	[tilespmem:s14+$0x50] =	vst v42;
	(erf) = vrcp.f32 v19  }
0x3d3: {  	v32 =	vmul.f32 $4.471499850e-02, v48;
	v42 =	vmul.f32 v40, v40  }
0x3d4: {  	v43 =	vmul.f32 $1.442695020e+00, v51;
	(erf) = vrcp.f32 v31  }
0x3d5: {  	v33 =	vmul.f32 $-1.595769170e+00, v29;
	v48 =	vmul.f32 $-1.595769170e+00, v17;
	v18 =	vpop (erf)  }
0x3d6: {  	v51 =	vmul.f32 v35, v35;
	v55 =	vmul.f32 v18, v11;
	v11 =	vmov v35  }
0x3d7: {  	v19 =	vmul.f32 $-1.595769170e+00, v39;
	v35 =	vmul.f32 $-1.595769170e+00, v40;
	v18 =	vld [tilespmem:s26+$0x60]  }
0x3d8: {  	v38 =	vadd.f32 $1.000000000e+00, v38;
	v31 =	vmul.f32 $-1.595769170e+00, v27;
	v54 =	vmul.f32 $-1.595769170e+00, v11;
	[tilespmem:s14+$0xFFFFFC30] =	vst v55;
	v52 =	vpop (erf)  }
0x3d9: {  	v55 =	vmul.f32 v29, v29;
	(erf) = vpow2.f32 v43  }
0x3da: {  	v49 =	vadd.f32 $1.000000000e+00, v49;
	v56 =	vmul.f32 v53, v10;
	v10 =	vmovc v40;
	v43 =	vmul.f32 $4.471499850e-02, v51  }
0x3db: {  	v40 =	vadd.f32 $1.000000000e+00, v32;
	v32 =	vmul.f32 $4.471499850e-02, v55;
	v53 =	vpop (erf);
	(erf) = vrcp.f32 v47  }
0x3dc: {  	v43 =	vadd.f32 $1.000000000e+00, v43;
	v47 =	vmul.f32 $-1.595769170e+00, v18;
	[tilespmem:s14+$0x0] =	vst v56;
	(erf) = vrcp.f32 v49  }
0x3dd: {  	v49 =	vmul.f32 v18, v18;
	v51 =	vpop (erf);
	(erf) = vrcp.f32 v46  }
0x3de: {  	v46 =	vadd.f32 $1.000000000e+00, v32;
	v32 =	vmul.f32 v45, v44;
	(erf) = vrcp.f32 v36  }
0x3df: {  	v36 =	vmul.f32 v39, v39;
	(erf) = vrcp.f32 v37  }
0x3e0: {  	v44 =	vmul.f32 v51, v5;
	v5 =	vmov v20;
	v37 =	vmul.f32 $4.471499850e-02, v49  }
0x3e1: {  	v41 =	vmul.f32 $1.442695020e+00, v41;
	v36 =	vmul.f32 $4.471499850e-02, v36  }
0x3e2: {  	v45 =	vmul.f32 v34, v34;
	v49 =	vmul.f32 $-1.595769170e+00, v34;
	v37 =	vadd.f32 $1.000000000e+00, v37;
	v51 =	vpop (erf);
	[tilespmem:s14+$0xFFFFFC20] =	vst v44  }
0x3e3: {  	v50 =	vadd.f32 $1.000000000e+00, v50;
	v55 =	vmul.f32 $1.442695020e+00, v32;
	v44 =	vmul.f32 v27, v27  }
0x3e4: {  	v56 =	vmul.f32 v52, v6;
	v51 =	vadd.f32 $1.000000000e+00, v51;
	v37 =	vmul.f32 v37, v47;
	v47 =	vpop (erf)  }
0x3e5: {  	v57 =	vmul.f32 v53, v14;
	v32 =	vadd.f32 $1.000000000e+00, v36;
	v36 =	vmul.f32 v23, v23;
	v52 =	vpop (erf)  }
0x3e6: {  	v6 =	vmov v26;
	v37 =	vmul.f32 $1.442695020e+00, v37;
	[tilespmem:s14+$0xFFFFFC10] =	vst v56;
	v52 =	vmul.f32 v52, v4;
	v53 =	vpop (erf)  }
0x3e7: {  	v26 =	vmul.f32 $4.471499850e-02, v42;
	v4 =	vmov v21;
	(erf) = vrcp.f32 v51;
	[tilespmem:s14+$0xFFFFFC00] =	vst v57;
	v42 =	vpop (erf)  }
0x3e8: {  	v14 =	vmov v39;
	v36 =	vmul.f32 $4.471499850e-02, v36;
	[tilespmem:s14+$0x10] =	vst v52;
	v51 =	vpop (erf);
	(erf) = vrcp.f32 v50  }
0x3e9: {  	v26 =	vadd.f32 $1.000000000e+00, v26;
	v39 =	vmul.f32 $-1.595769170e+00, v23;
	v47 =	vmul.f32 v47, v13;
	v13 =	vmovc v34  }
0x3ea: {  	v34 =	vmul.f32 v40, v48;
	v40 =	vmul.f32 $4.471499850e-02, v45;
	v36 =	vadd.f32 $1.000000000e+00, v36  }
0x3eb: {  	v43 =	vmul.f32 v43, v54;
	v45 =	vmul.f32 v51, v7;
	v7 =	vmov v29;
	[tilespmem:s14+$0xFFFFFC60] =	vst v47  }
0x3ec: {  	v36 =	vmul.f32 v36, v39;
	v39 =	vmul.f32 v53, v3;
	v3 =	vmovc v28;
	v29 =	vadd.f32 $1.000000000e+00, v40  }
0x3ed: {  	v34 =	vmul.f32 $1.442695020e+00, v34;
	(erf) = vpow2.f32 v55;
	[tilespmem:s14+$0xFFFFFC50] =	vst v45  }
0x3ee: {  	v38 =	vmul.f32 v38, v25;
	(erf) = vpow2.f32 v41;
	[tilespmem:s14+$0x40] =	vst v39  }
0x3ef: {  	v36 =	vmul.f32 $1.442695020e+00, v36;
	(erf) = vpow2.f32 v37  }
0x3f0: {  	v39 =	vmul.f32 v42, v12;
	v12 =	vmov v23;
	v37 =	vmul.f32 $1.442695020e+00, v43;
	v25 =	vpop (erf)  }
0x3f1: {  	v23 =	vmul.f32 v28, v3;
	(erf) = vpow2.f32 v34;
	v28 =	vpop (erf)  }
0x3f2: {  	v21 =	vmul.f32 v21, v4;
	v28 =	vmul.f32 v28, v8;
	[tilespmem:s14+$0x20] =	vst v39;
	v8 =	vmov v27  }
0x3f3: {  	v23 =	vmul.f32 $4.471499850e-02, v23;
	(erf) = vpow2.f32 v37  }
0x3f4: {  	v26 =	vmul.f32 v26, v35;
	v21 =	vmul.f32 $4.471499850e-02, v21;
	[tilespmem:s14+$0xFFFFFC70] =	vst v28;
	s14 =	smov.u32 s26  }
0x3f5: {  	v27 =	vmul.f32 v29, v49;
	v23 =	vadd.f32 $1.000000000e+00, v23;
	v28 =	vmul.f32 $4.471499850e-02, v44  }
0x3f6: {  	v26 =	vmul.f32 $1.442695020e+00, v26;
	v21 =	vadd.f32 $1.000000000e+00, v21;
	(erf) = vpow2.f32 v36;
	v29 =	vpop (erf)  }
0x3f7: {  	v33 =	vmul.f32 v46, v33;
	v23 =	vmul.f32 v23, v30;
	v28 =	vadd.f32 $1.000000000e+00, v28;
	v30 =	vpop (erf)  }
0x3f8: {  	v34 =	vmul.f32 v20, v5;
	v20 =	vmul.f32 v21, v22;
	v21 =	vadd.f32 $1.000000000e+00, v30;
	v22 =	vpop (erf)  }
0x3f9: {  	v23 =	vmul.f32 $1.442695020e+00, v23;
	(erf) = vpow2.f32 v26  }
0x3fa: {  	v20 =	vmul.f32 $1.442695020e+00, v20;
	v26 =	vpop (erf);
	(erf) = vrcp.f32 v21  }
.Ltmp22:
0x3fb: {  	v30 =	vmul.f32 $4.471499850e-02, v34;
	v26 =	vadd.f32 $1.000000000e+00, v26;
	(erf) = vpow2.f32 v23;
	(pc) =	sbr.rel @p0 .LBB2_23-.Ltmp22, $4  }
0x3fc: {  	v33 =	vmul.f32 $1.442695020e+00, v33;
	v27 =	vmul.f32 $1.442695020e+00, v27;
	v21 =	vadd.f32 $1.000000000e+00, v22;
	v22 =	vpop (erf)  }
0x3fd: {  	v34 =	vmul.f32 $1.442695020e+00, v38;
	v30 =	vadd.f32 $1.000000000e+00, v30;
	(erf) = vrcp.f32 v26  }
0x3fe: {  	v29 =	vadd.f32 $1.000000000e+00, v29;
	v23 =	vmul.f32 v28, v31;
	(erf) = vpow2.f32 v33  }
0x3ff: {  	s26 =	sadd.s32 $0x800, s26;
	v28 =	vmul.f32 v30, v24;
	v24 =	vadd.f32 $1.000000000e+00, v22;
	(erf) = vpow2.f32 v34;
	v22 =	vpop (erf)  }
.Ltmp23:
0x400: {  	_ = 	snop;
	(pc) =	sbr.rel .LBB2_24-.Ltmp23, $1  }
0x401: {  	_ =	sdelay $0x3  }
.LBB2_26:
0x402: {  	s0 =	sadd.s32 s1, s10  }
0x403: {  	s1 =	sshrl.u32 s0, $0x3  }
0x404: {  	s11 =	sadd.s32 s4, s13;
	s0 =	simm.s32 $0x0;
	s1 =	smul.u32 $0x1800, s1  }
0x405: {  	[hbm4b:s11+s0] =	stream.linear.scatter [tilespmem:s19], [sflag:$0x9], $0x6000, $0x38;
	[tilespmem:$0x1E400] =	vst v63  }
0x406: {  	_ =	swait.ge [sflag:s23], $0x6000;
	s1 =	sadd.s32 s5, s1  }
0x407: {  	[sflag:s23] =	ssyncset.done $0x0;
	s1 =	sshrl.u32 s1, $0x3  }
.Ltmp24:
0x408: {  	[sflag:s23] =	ssyncadd.s32 $0xFFFFA000;
	s1 =	sadd.s32 s2, s1;
	(pc) =	sbr.rel .LBB2_27-.Ltmp24, $4  }
0x409: {  	[tilespmem:s0], [sflag:$0x1] =	stream.linear.gather [hbm4b:s1+s0], $0x6000, $0x38;
	[tilespmem:$0x1E400] =	vst v63  }
0x40a: {  	_ =	swait.ge [sflag:s24], $0x6000  }
0x40b: {  	[sflag:s24] =	ssyncset.done $0x0  }
0x40c: {  	s1 =	simm.s32 $0x0;
	[sflag:s24] =	ssyncadd.s32 $0xFFFFA000  }
.LBB2_30:
0x40d: {  	(erf) = vrcp.f32 v29  }
0x40e: {  	v19 =	vmul.f32 v32, v19;
	(erf) = vpow2.f32 v27  }
0x40f: {  	v26 =	vmul.f32 $1.442695020e+00, v28;
	(erf) = vpow2.f32 v20  }
0x410: {  	v58 =	vpop (erf);
	v19 =	vmul.f32 $1.442695020e+00, v19;
	(erf) = vrcp.f32 v21  }
0x411: {  	v59 =	vpop (erf);
	(erf) = vpow2.f32 v26  }
0x412: {  	v60 =	vpop (erf);
	(erf) = vpow2.f32 v19  }
0x413: {  	v61 =	vpop (erf)  }
0x414: {  	v62 =	vpop (erf)  }
0x415: {  	v63 =	vpop (erf)  }
0x416: {  	v29 =	vpop (erf)  }
0x417: {  	v23 =	vmul.f32 $1.442695020e+00, v23;
	v30 =	vpop (erf)  }
0x418: {  	v31 =	vpop (erf)  }
0x419: {  	v20 =	vadd.f32 $1.000000000e+00, v58;
	v36 =	vpop (erf);
	(erf) = vpow2.f32 v23  }
0x41a: {  	v37 =	vpop (erf)  }
0x41b: {  	v38 =	vadd.f32 $1.000000000e+00, v63;
	(erf) = vrcp.f32 v20;
	v39 =	vpop (erf)  }
0x41c: {  	(erf) = vrcp.f32 v24;
	v40 =	vadd.f32 $1.000000000e+00, v39  }
0x41d: {  	v41 =	vadd.f32 $1.000000000e+00, v37;
	(erf) = vrcp.f32 v38  }
0x41e: {  	v42 =	vadd.f32 $1.000000000e+00, v30;
	(erf) = vrcp.f32 v40  }
0x41f: {  	v43 =	vadd.f32 $1.000000000e+00, v31;
	(erf) = vrcp.f32 v41  }
0x420: {  	v16 =	vmul.f32 v25, v16;
	v44 =	vadd.f32 $1.000000000e+00, v60;
	(erf) = vrcp.f32 v42  }
0x421: {  	v22 =	vadd.f32 $1.000000000e+00, v22;
	v15 =	vmul.f32 v59, v15;
	(erf) = vrcp.f32 v43  }
0x422: {  	[tilespmem:s11+$0x30] =	vst v16;
	v17 =	vmul.f32 v61, v17;
	v45 =	vadd.f32 $1.000000000e+00, v62;
	(erf) = vrcp.f32 v44;
	v46 =	vpop (erf)  }
0x423: {  	[tilespmem:s11+$0x70] =	vst v15;
	v9 =	vmul.f32 v29, v9;
	(erf) = vrcp.f32 v22;
	v19 =	vadd.f32 $1.000000000e+00, v46  }
0x424: {  	[tilespmem:s11+$0xFFFFFC40] =	vst v17;
	v48 =	vmul.f32 v36, v18;
	v47 =	vpop (erf);
	(erf) = vrcp.f32 v45  }
0x425: {  	[tilespmem:s11+$0x50] =	vst v9;
	v49 =	vpop (erf);
	v52 =	vmul.f32 v47, v10;
	(erf) = vrcp.f32 v19  }
0x426: {  	[tilespmem:s11+$0x60] =	vst v48;
	v50 =	vpop (erf);
	v11 =	vmul.f32 v49, v11  }
0x427: {  	[tilespmem:s11+$0x0] =	vst v52;
	v6 =	vmul.f32 v50, v6;
	v51 =	vpop (erf)  }
0x428: {  	[tilespmem:s11+$0xFFFFFC30] =	vst v11;
	v53 =	vpop (erf);
	v56 =	vmul.f32 v51, v14  }
0x429: {  	[tilespmem:s11+$0xFFFFFC10] =	vst v6;
	v5 =	vmul.f32 v53, v5;
	v54 =	vpop (erf)  }
0x42a: {  	v55 =	vpop (erf);
	[tilespmem:s11+$0xFFFFFC00] =	vst v56;
	v60 =	vmul.f32 v54, v13  }
0x42b: {  	[tilespmem:s11+$0xFFFFFC20] =	vst v5;
	v57 =	vpop (erf);
	v4 =	vmul.f32 v55, v4  }
0x42c: {  	v58 =	vpop (erf);
	[tilespmem:s11+$0xFFFFFC60] =	vst v60;
	v3 =	vmul.f32 v57, v3  }
0x42d: {  	v59 =	vpop (erf);
	[tilespmem:s11+$0x10] =	vst v4;
	v62 =	vmul.f32 v58, v12  }
0x42e: {  	v61 =	vmul.f32 v59, v7;
	v63 =	vpop (erf);
	[tilespmem:s11+$0x40] =	vst v3  }
0x42f: {  	v3 =	vmul.f32 v63, v8;
	[tilespmem:s11+$0x20] =	vst v62  }
0x430: {  	[tilespmem:s11+$0xFFFFFC50] =	vst v61  }
0x431: {  	[tilespmem:s11+$0xFFFFFC70] =	vst v3  }
.LBB2_31:
0x432: {  	s1 =	sadd.s32 $0x1, s1  }
0x433: {  	p0 =	sne.s32 s1, $0x20  }
.Ltmp25:
0x434: {  	_ = 	snop;
	(pc) =	sbr.rel @!p0 .LBB2_32-.Ltmp25, $2  }
0x435: {  	_ =	sdelay $0x2  }
0x436: {  	s0 =	sadd.s32 $0x1, s0  }
.LBB2_27:
0x437: {  	s11 =	sor.u32 s3, s1  }
0x438: {  	v3 =	vmov s11;
	_ =	sdelay $0x4  }
0x439: {  	v3 =	vld.idx.msk [tilespmem:v3+s15+$0x0], $0xffff;
	_ =	sdelay $0x4  }
0x43a: {  	(v2sf) =	vpush v3, $0x0;
	_ =	sdelay $0xe  }
0x43b: {  	s26 =	spop (v2sf)  }
0x43c: {  	p0 =	sgt.f32 s26, $5.000000000e-01  }
.Ltmp26:
0x43d: {  	_ = 	snop;
	(pc) =	sbr.rel @!p0 .LBB2_31-.Ltmp26, $1  }
0x43e: {  	_ =	sdelay $0x3  }
0x43f: {  	s11 =	sshrl.u32 s1, $0x3  }
0x440: {  	s12 =	sand.u32 $0x7, s0;
	s11 =	smul.u32 $0x6000, s11  }
0x441: {  	s12 =	sshll.u32 s12, $0x9  }
0x442: {  	s11 =	sor.u32 s12, s11  }
0x443: {  	s11 =	sshra.s32 s11, $0x2  }
0x444: {  	s11 =	sadd.s32 $0x18400, s11  }
0x445: {  	v6 =	vld [tilespmem:s11+$0xFFFFFC10]  }
0x446: {  	v15 =	vld [tilespmem:s11+$0x70]  }
0x447: {  	v16 =	vld [tilespmem:s11+$0x30]  }
0x448: {  	v9 =	vld [tilespmem:s11+$0x50];
	_ =	sdelay $0x1  }
0x449: {  	v4 =	vld [tilespmem:s11+$0x10]  }
0x44a: {  	v17 =	vld [tilespmem:s11+$0xFFFFFC40];
	v3 =	vmul.f32 v6, v6  }
0x44b: {  	v5 =	vld [tilespmem:s11+$0xFFFFFC20];
	v7 =	vmul.f32 v15, v15;
	v20 =	vmul.f32 $-1.595769170e+00, v6  }
0x44c: {  	v8 =	vmul.f32 v16, v16;
	v12 =	vmul.f32 v9, v9  }
0x44d: {  	v10 =	vld [tilespmem:s11+$0x0];
	v13 =	vmul.f32 $-1.595769170e+00, v15;
	v7 =	vmul.f32 $4.471499850e-02, v7  }
0x44e: {  	v11 =	vld [tilespmem:s11+$0xFFFFFC30];
	v22 =	vmul.f32 $-1.595769170e+00, v9;
	v24 =	vmul.f32 $-1.595769170e+00, v4  }
0x44f: {  	v18 =	vmul.f32 v17, v17;
	v8 =	vmul.f32 $4.471499850e-02, v8;
	v14 =	vadd.f32 $1.000000000e+00, v7  }
0x450: {  	v26 =	vmul.f32 $-1.595769170e+00, v5;
	v23 =	vmul.f32 $4.471499850e-02, v12  }
0x451: {  	v12 =	vmul.f32 $-1.595769170e+00, v16;
	v25 =	vmul.f32 v14, v13;
	v13 =	vadd.f32 $1.000000000e+00, v8  }
0x452: {  	v29 =	vmul.f32 v10, v10;
	v30 =	vmul.f32 $-1.595769170e+00, v17  }
0x453: {  	v32 =	vmul.f32 v11, v11;
	v12 =	vmul.f32 v13, v12  }
0x454: {  	v21 =	vmul.f32 $4.471499850e-02, v3;
	v3 =	vld [tilespmem:s11+$0x40];
	v28 =	vmul.f32 $4.471499850e-02, v18  }
0x455: {  	v18 =	vld [tilespmem:s11+$0x60];
	v32 =	vmul.f32 $4.471499850e-02, v32;
	v12 =	vmul.f32 $1.442695020e+00, v12  }
0x456: {  	v33 =	vmul.f32 $-1.595769170e+00, v10;
	v34 =	vmul.f32 $-1.595769170e+00, v11;
	v23 =	vadd.f32 $1.000000000e+00, v23  }
0x457: {  	v7 =	vld [tilespmem:s11+$0xFFFFFC50];
	v28 =	vadd.f32 $1.000000000e+00, v28;
	v32 =	vadd.f32 $1.000000000e+00, v32;
	(erf) = vpow2.f32 v12  }
0x458: {  	v29 =	vmul.f32 $4.471499850e-02, v29;
	v14 =	vld [tilespmem:s11+$0xFFFFFC00];
	v22 =	vmul.f32 v23, v22  }
0x459: {  	v8 =	vld [tilespmem:s11+$0xFFFFFC70];
	v28 =	vmul.f32 v28, v30;
	v32 =	vmul.f32 v32, v34  }
0x45a: {  	v27 =	vmul.f32 $-1.595769170e+00, v3;
	v36 =	vmul.f32 v18, v18  }
0x45b: {  	v39 =	vmul.f32 $-1.595769170e+00, v18;
	v25 =	vmul.f32 $1.442695020e+00, v25  }
0x45c: {  	v13 =	vld [tilespmem:s11+$0xFFFFFC60];
	v22 =	vmul.f32 $1.442695020e+00, v22;
	v36 =	vmul.f32 $4.471499850e-02, v36  }
0x45d: {  	v31 =	vmul.f32 $-1.595769170e+00, v7;
	v37 =	vmul.f32 v7, v7  }
0x45e: {  	v19 =	vmul.f32 $-1.595769170e+00, v14;
	v35 =	vmul.f32 $-1.595769170e+00, v8;
	v36 =	vadd.f32 $1.000000000e+00, v36;
	v12 =	vld [tilespmem:s11+$0x20]  }
0x45f: {  	v38 =	vmul.f32 v14, v14;
	v37 =	vmul.f32 $4.471499850e-02, v37  }
0x460: {  	v41 =	vmul.f32 v8, v8;
	v36 =	vmul.f32 v36, v39;
	v57 =	vpop (erf)  }
0x461: {  	v23 =	vmul.f32 $4.471499850e-02, v38;
	v56 =	vmul.f32 v13, v13;
	v39 =	vadd.f32 $1.000000000e+00, v57  }
0x462: {  	v40 =	vmul.f32 $-1.595769170e+00, v13;
	v36 =	vmul.f32 $1.442695020e+00, v36  }
0x463: {  	v42 =	vmul.f32 v12, v12;
	(erf) = vrcp.f32 v39  }
0x464: {  	v21 =	vadd.f32 $1.000000000e+00, v21;
	v58 =	vmul.f32 $-1.595769170e+00, v12;
	(erf) = vpow2.f32 v22  }
0x465: {  	v42 =	vmul.f32 $4.471499850e-02, v42;
	(erf) = vpow2.f32 v25  }
0x466: {  	v25 =	vmul.f32 $1.442695020e+00, v28;
	v28 =	vmul.f32 v21, v20  }
0x467: {  	v59 =	vadd.f32 $1.000000000e+00, v42;
	v21 =	vmul.f32 v3, v3;
	(erf) = vpow2.f32 v36  }
0x468: {  	(erf) = vpow2.f32 v25;
	v25 =	vadd.f32 $1.000000000e+00, v29;
	v29 =	vmul.f32 v4, v4  }
0x469: {  	v22 =	vmul.f32 v59, v58;
	v20 =	vmul.f32 $1.442695020e+00, v32  }
0x46a: {  	v21 =	vmul.f32 $4.471499850e-02, v21;
	v29 =	vmul.f32 $4.471499850e-02, v29  }
0x46b: {  	v22 =	vmul.f32 $1.442695020e+00, v22;
	(erf) = vpow2.f32 v20;
	v20 =	vadd.f32 $1.000000000e+00, v37  }
0x46c: {  	v30 =	vmul.f32 $4.471499850e-02, v56;
	v21 =	vadd.f32 $1.000000000e+00, v21;
	v29 =	vadd.f32 $1.000000000e+00, v29  }
0x46d: {  	v61 =	vmul.f32 $4.471499850e-02, v41;
	v60 =	vmul.f32 v25, v33  }
0x46e: {  	v30 =	vadd.f32 $1.000000000e+00, v30;
	v31 =	vmul.f32 v20, v31;
	v25 =	vpop (erf);
	v24 =	vmul.f32 v29, v24  }
0x46f: {  	v20 =	vmul.f32 v21, v27;
	(erf) = vpow2.f32 v22;
	v22 =	vpop (erf)  }
0x470: {  	v30 =	vmul.f32 v30, v40;
	v32 =	vadd.f32 $1.000000000e+00, v23;
	v62 =	vmul.f32 $1.442695020e+00, v60;
	v21 =	vpop (erf)  }
0x471: {  	v27 =	vmul.f32 v5, v5;
	v29 =	vmul.f32 $1.442695020e+00, v20;
	v21 =	vadd.f32 $1.000000000e+00, v21;
	v23 =	vpop (erf)  }
0x472: {  	(erf) = vpow2.f32 v62;
	v20 =	vmul.f32 $1.442695020e+00, v24;
	v24 =	vpop (erf)  }
0x473: {  	v31 =	vmul.f32 $1.442695020e+00, v31;
	(erf) = vrcp.f32 v21;
	v24 =	vadd.f32 $1.000000000e+00, v24  }
0x474: {  	v63 =	vmul.f32 $4.471499850e-02, v27;
	(erf) = vpow2.f32 v29  }
0x475: {  	v33 =	vadd.f32 $1.000000000e+00, v61;
	v27 =	vmul.f32 $1.442695020e+00, v30;
	v30 =	vmul.f32 $1.442695020e+00, v28  }
0x476: {  	v28 =	vadd.f32 $1.000000000e+00, v63;
	v21 =	vadd.f32 $1.000000000e+00, v23;
	(erf) = vrcp.f32 v24  }
0x477: {  	v23 =	vmul.f32 v33, v35;
	v29 =	vadd.f32 $1.000000000e+00, v22;
	(erf) = vpow2.f32 v31;
	v24 =	vpop (erf)  }
0x478: {  	s12 =	simm.s32 $0x0;
	s13 =	sadd.s32 $0x800, s11;
	v28 =	vmul.f32 v28, v26;
	(erf) = vpow2.f32 v30;
	v24 =	vadd.f32 $1.000000000e+00, v24;
	v22 =	vpop (erf)  }
.LBB2_29:
0x479: {  	v26 =	vld [tilespmem:s13+$0xFFFFFC10];
	s12 =	sadd.s32 $0x100, s12;
	v19 =	vmul.f32 v32, v19;
	(erf) = vrcp.f32 v29  }
0x47a: {  	v34 =	vmul.f32 $1.442695020e+00, v28;
	v30 =	vld [tilespmem:s13+$0x30];
	p0 =	slt.u32 s12, $0x200;
	(erf) = vpow2.f32 v27  }
0x47b: {  	v31 =	vld [tilespmem:s13+$0x70];
	v19 =	vmul.f32 $1.442695020e+00, v19;
	v27 =	vpop (erf);
	(erf) = vpow2.f32 v20  }
0x47c: {  	v35 =	vmul.f32 v25, v16;
	v32 =	vld [tilespmem:s13+$0x50];
	(erf) = vrcp.f32 v21;
	v33 =	vpop (erf)  }
0x47d: {  	v29 =	vmul.f32 $1.442695020e+00, v23;
	v27 =	vadd.f32 $1.000000000e+00, v27;
	v21 =	vld [tilespmem:s13+$0x10];
	(erf) = vpow2.f32 v34;
	v28 =	vpop (erf)  }
0x47e: {  	v34 =	vmul.f32 v26, v26;
	v23 =	vld [tilespmem:s13+$0x20];
	[tilespmem:s11+$0x30] =	vst v35;
	(erf) = vpow2.f32 v19  }
0x47f: {  	v25 =	vmul.f32 $-1.595769170e+00, v26;
	v20 =	vld [tilespmem:s13+$0xFFFFFC20];
	v19 =	vpop (erf);
	(erf) = vpow2.f32 v29;
	v16 =	vmov v30  }
0x480: {  	v35 =	vld [tilespmem:s13+$0xFFFFFC30];
	v36 =	vmul.f32 v31, v31;
	v37 =	vpop (erf);
	(erf) = vrcp.f32 v27  }
0x481: {  	v38 =	vmul.f32 $4.471499850e-02, v34;
	v29 =	vld [tilespmem:s13+$0xFFFFFC50];
	v27 =	vmul.f32 v32, v32;
	v37 =	vadd.f32 $1.000000000e+00, v37;
	v39 =	vpop (erf)  }
0x482: {  	v41 =	vmul.f32 $-1.595769170e+00, v31;
	v40 =	vld [tilespmem:s13+$0x0];
	v34 =	vmul.f32 $4.471499850e-02, v36;
	v36 =	vadd.f32 $1.000000000e+00, v22;
	v42 =	vpop (erf)  }
0x483: {  	v46 =	vadd.f32 $1.000000000e+00, v28;
	v44 =	vmul.f32 $-1.595769170e+00, v32;
	v43 =	vld [tilespmem:s13+$0xFFFFFC40];
	v45 =	vmul.f32 $4.471499850e-02, v27;
	v47 =	vpop (erf)  }
0x484: {  	v17 =	vmul.f32 v19, v17;
	v22 =	vmul.f32 $-1.595769170e+00, v21;
	v28 =	vld [tilespmem:s13+$0x40];
	v48 =	vadd.f32 $1.000000000e+00, v34;
	v49 =	vpop (erf)  }
0x485: {  	v51 =	vmul.f32 v30, v16;
	v27 =	vld [tilespmem:s13+$0xFFFFFC70];
	v45 =	vadd.f32 $1.000000000e+00, v45;
	(erf) = vrcp.f32 v24;
	v24 =	vpop (erf)  }
0x486: {  	v15 =	vmul.f32 v33, v15;
	v30 =	vadd.f32 $1.000000000e+00, v39;
	v34 =	vld [tilespmem:s13+$0xFFFFFC60];
	v41 =	vmul.f32 v48, v41;
	[tilespmem:s11+$0xFFFFFC40] =	vst v17;
	v33 =	vpop (erf)  }
0x487: {  	v54 =	vmul.f32 $4.471499850e-02, v51;
	v47 =	vadd.f32 $1.000000000e+00, v47;
	v18 =	vmul.f32 v24, v18;
	v39 =	vld [tilespmem:s13+$0xFFFFFC00];
	v19 =	vpop (erf)  }
0x488: {  	v48 =	vmul.f32 v43, v43;
	v19 =	vadd.f32 $1.000000000e+00, v19;
	[tilespmem:s11+$0x70] =	vst v15;
	(erf) = vrcp.f32 v30;
	v50 =	vpop (erf)  }
0x489: {  	v51 =	vmul.f32 $-1.595769170e+00, v16;
	v42 =	vmul.f32 v42, v9;
	v52 =	vadd.f32 $1.000000000e+00, v54;
	[tilespmem:s11+$0x60] =	vst v18;
	v53 =	vpop (erf)  }
0x48a: {  	v9 =	vmovc v32;
	v24 =	vmul.f32 $-1.595769170e+00, v20;
	v15 =	vmovc v31;
	v17 =	vmov v43;
	v30 =	vmul.f32 $-1.595769170e+00, v28  }
0x48b: {  	v51 =	vmul.f32 v52, v51;
	v31 =	vadd.f32 $1.000000000e+00, v33;
	[tilespmem:s11+$0x50] =	vst v42;
	(erf) = vrcp.f32 v19  }
0x48c: {  	v32 =	vmul.f32 $4.471499850e-02, v48;
	v42 =	vmul.f32 v40, v40  }
0x48d: {  	v43 =	vmul.f32 $1.442695020e+00, v51;
	(erf) = vrcp.f32 v31  }
0x48e: {  	v33 =	vmul.f32 $-1.595769170e+00, v29;
	v48 =	vmul.f32 $-1.595769170e+00, v17;
	v18 =	vpop (erf)  }
0x48f: {  	v51 =	vmul.f32 v35, v35;
	v55 =	vmul.f32 v18, v11;
	v11 =	vmov v35  }
0x490: {  	v19 =	vmul.f32 $-1.595769170e+00, v39;
	v35 =	vmul.f32 $-1.595769170e+00, v40;
	v18 =	vld [tilespmem:s13+$0x60]  }
0x491: {  	v38 =	vadd.f32 $1.000000000e+00, v38;
	v31 =	vmul.f32 $-1.595769170e+00, v27;
	v54 =	vmul.f32 $-1.595769170e+00, v11;
	[tilespmem:s11+$0xFFFFFC30] =	vst v55;
	v52 =	vpop (erf)  }
0x492: {  	v55 =	vmul.f32 v29, v29;
	(erf) = vpow2.f32 v43  }
0x493: {  	v49 =	vadd.f32 $1.000000000e+00, v49;
	v56 =	vmul.f32 v53, v10;
	v10 =	vmovc v40;
	v43 =	vmul.f32 $4.471499850e-02, v51  }
0x494: {  	v40 =	vadd.f32 $1.000000000e+00, v32;
	v32 =	vmul.f32 $4.471499850e-02, v55;
	v53 =	vpop (erf);
	(erf) = vrcp.f32 v47  }
0x495: {  	v43 =	vadd.f32 $1.000000000e+00, v43;
	v47 =	vmul.f32 $-1.595769170e+00, v18;
	[tilespmem:s11+$0x0] =	vst v56;
	(erf) = vrcp.f32 v49  }
0x496: {  	v49 =	vmul.f32 v18, v18;
	v51 =	vpop (erf);
	(erf) = vrcp.f32 v46  }
0x497: {  	v46 =	vadd.f32 $1.000000000e+00, v32;
	v32 =	vmul.f32 v45, v44;
	(erf) = vrcp.f32 v36  }
0x498: {  	v36 =	vmul.f32 v39, v39;
	(erf) = vrcp.f32 v37  }
0x499: {  	v44 =	vmul.f32 v51, v5;
	v5 =	vmov v20;
	v37 =	vmul.f32 $4.471499850e-02, v49  }
0x49a: {  	v41 =	vmul.f32 $1.442695020e+00, v41;
	v36 =	vmul.f32 $4.471499850e-02, v36  }
0x49b: {  	v45 =	vmul.f32 v34, v34;
	v49 =	vmul.f32 $-1.595769170e+00, v34;
	v37 =	vadd.f32 $1.000000000e+00, v37;
	v51 =	vpop (erf);
	[tilespmem:s11+$0xFFFFFC20] =	vst v44  }
0x49c: {  	v50 =	vadd.f32 $1.000000000e+00, v50;
	v55 =	vmul.f32 $1.442695020e+00, v32;
	v44 =	vmul.f32 v27, v27  }
0x49d: {  	v56 =	vmul.f32 v52, v6;
	v51 =	vadd.f32 $1.000000000e+00, v51;
	v37 =	vmul.f32 v37, v47;
	v47 =	vpop (erf)  }
0x49e: {  	v57 =	vmul.f32 v53, v14;
	v32 =	vadd.f32 $1.000000000e+00, v36;
	v36 =	vmul.f32 v23, v23;
	v52 =	vpop (erf)  }
0x49f: {  	v6 =	vmov v26;
	v37 =	vmul.f32 $1.442695020e+00, v37;
	[tilespmem:s11+$0xFFFFFC10] =	vst v56;
	v52 =	vmul.f32 v52, v4;
	v53 =	vpop (erf)  }
0x4a0: {  	v26 =	vmul.f32 $4.471499850e-02, v42;
	v4 =	vmov v21;
	(erf) = vrcp.f32 v51;
	[tilespmem:s11+$0xFFFFFC00] =	vst v57;
	v42 =	vpop (erf)  }
0x4a1: {  	v14 =	vmov v39;
	v36 =	vmul.f32 $4.471499850e-02, v36;
	[tilespmem:s11+$0x10] =	vst v52;
	v51 =	vpop (erf);
	(erf) = vrcp.f32 v50  }
0x4a2: {  	v26 =	vadd.f32 $1.000000000e+00, v26;
	v39 =	vmul.f32 $-1.595769170e+00, v23;
	v47 =	vmul.f32 v47, v13;
	v13 =	vmovc v34  }
0x4a3: {  	v34 =	vmul.f32 v40, v48;
	v40 =	vmul.f32 $4.471499850e-02, v45;
	v36 =	vadd.f32 $1.000000000e+00, v36  }
0x4a4: {  	v43 =	vmul.f32 v43, v54;
	v45 =	vmul.f32 v51, v7;
	v7 =	vmov v29;
	[tilespmem:s11+$0xFFFFFC60] =	vst v47  }
0x4a5: {  	v36 =	vmul.f32 v36, v39;
	v39 =	vmul.f32 v53, v3;
	v3 =	vmovc v28;
	v29 =	vadd.f32 $1.000000000e+00, v40  }
0x4a6: {  	v34 =	vmul.f32 $1.442695020e+00, v34;
	(erf) = vpow2.f32 v55;
	[tilespmem:s11+$0xFFFFFC50] =	vst v45  }
0x4a7: {  	v38 =	vmul.f32 v38, v25;
	(erf) = vpow2.f32 v41;
	[tilespmem:s11+$0x40] =	vst v39  }
0x4a8: {  	v36 =	vmul.f32 $1.442695020e+00, v36;
	(erf) = vpow2.f32 v37  }
0x4a9: {  	v39 =	vmul.f32 v42, v12;
	v12 =	vmov v23;
	v37 =	vmul.f32 $1.442695020e+00, v43;
	v25 =	vpop (erf)  }
0x4aa: {  	v23 =	vmul.f32 v28, v3;
	(erf) = vpow2.f32 v34;
	v28 =	vpop (erf)  }
0x4ab: {  	v21 =	vmul.f32 v21, v4;
	v28 =	vmul.f32 v28, v8;
	[tilespmem:s11+$0x20] =	vst v39;
	v8 =	vmov v27  }
0x4ac: {  	v23 =	vmul.f32 $4.471499850e-02, v23;
	(erf) = vpow2.f32 v37  }
0x4ad: {  	v26 =	vmul.f32 v26, v35;
	v21 =	vmul.f32 $4.471499850e-02, v21;
	[tilespmem:s11+$0xFFFFFC70] =	vst v28;
	s11 =	smov.u32 s13  }
0x4ae: {  	v27 =	vmul.f32 v29, v49;
	v23 =	vadd.f32 $1.000000000e+00, v23;
	v28 =	vmul.f32 $4.471499850e-02, v44  }
0x4af: {  	v26 =	vmul.f32 $1.442695020e+00, v26;
	v21 =	vadd.f32 $1.000000000e+00, v21;
	(erf) = vpow2.f32 v36;
	v29 =	vpop (erf)  }
0x4b0: {  	v33 =	vmul.f32 v46, v33;
	v23 =	vmul.f32 v23, v30;
	v28 =	vadd.f32 $1.000000000e+00, v28;
	v30 =	vpop (erf)  }
0x4b1: {  	v34 =	vmul.f32 v20, v5;
	v20 =	vmul.f32 v21, v22;
	v21 =	vadd.f32 $1.000000000e+00, v30;
	v22 =	vpop (erf)  }
0x4b2: {  	v23 =	vmul.f32 $1.442695020e+00, v23;
	(erf) = vpow2.f32 v26  }
0x4b3: {  	v20 =	vmul.f32 $1.442695020e+00, v20;
	v26 =	vpop (erf);
	(erf) = vrcp.f32 v21  }
.Ltmp27:
0x4b4: {  	v30 =	vmul.f32 $4.471499850e-02, v34;
	v26 =	vadd.f32 $1.000000000e+00, v26;
	(erf) = vpow2.f32 v23;
	(pc) =	sbr.rel @p0 .LBB2_29-.Ltmp27, $4  }
0x4b5: {  	v33 =	vmul.f32 $1.442695020e+00, v33;
	v27 =	vmul.f32 $1.442695020e+00, v27;
	v21 =	vadd.f32 $1.000000000e+00, v22;
	v22 =	vpop (erf)  }
0x4b6: {  	v34 =	vmul.f32 $1.442695020e+00, v38;
	v30 =	vadd.f32 $1.000000000e+00, v30;
	(erf) = vrcp.f32 v26  }
0x4b7: {  	v29 =	vadd.f32 $1.000000000e+00, v29;
	v23 =	vmul.f32 v28, v31;
	(erf) = vpow2.f32 v33  }
0x4b8: {  	s13 =	sadd.s32 $0x800, s13;
	v28 =	vmul.f32 v30, v24;
	v24 =	vadd.f32 $1.000000000e+00, v22;
	(erf) = vpow2.f32 v34;
	v22 =	vpop (erf)  }
.Ltmp28:
0x4b9: {  	_ = 	snop;
	(pc) =	sbr.rel .LBB2_30-.Ltmp28, $1  }
0x4ba: {  	_ =	sdelay $0x3  }
.LBB2_33:
0x4bb: {  	s0 =	simm.s32 $0x7  }
0x4bc: {  	_ =	swait.ge [sflag:s0], $0x6000  }
.Ltmp29:
0x4bd: {  	[sflag:s0] =	ssyncset.done $0x0;
	(pc) =	sbr.rel .LBB2_34-.Ltmp29, $4  }
0x4be: {  	[sflag:s0] =	ssyncadd.s32 $0xFFFFA000  }
0x4bf: {  	_ =	swait.ge [sflag:s7], $0x6000  }
0x4c0: {  	[sflag:s7] =	ssyncset.done $0x0  }
0x4c1: {  	s1 =	simm.s32 $0x0;
	s0 =	simm.s32 $0x0;
	[sflag:s7] =	ssyncadd.s32 $0xFFFFA000  }
.LBB2_38:
0x4c2: {  	s1 =	sadd.s32 $0x1, s1  }
0x4c3: {  	p0 =	sne.s32 s1, $0x20  }
.Ltmp30:
0x4c4: {  	_ = 	snop;
	(pc) =	sbr.rel @!p0 .LBB2_39-.Ltmp30, $2  }
0x4c5: {  	_ =	sdelay $0x2  }
0x4c6: {  	s0 =	sadd.s32 $0x1, s0  }
.LBB2_34:
0x4c7: {  	s3 =	sor.u32 $0x1E0, s1  }
0x4c8: {  	v3 =	vmov s3;
	_ =	sdelay $0x4  }
0x4c9: {  	v3 =	vld.idx.msk [tilespmem:v3+s15+$0x0], $0xffff;
	_ =	sdelay $0x4  }
0x4ca: {  	(v2sf) =	vpush v3, $0x0;
	_ =	sdelay $0xe  }
0x4cb: {  	s31 =	spop (v2sf)  }
0x4cc: {  	p0 =	sgt.f32 s31, $5.000000000e-01  }
.Ltmp31:
0x4cd: {  	_ = 	snop;
	(pc) =	sbr.rel @!p0 .LBB2_38-.Ltmp31, $1  }
0x4ce: {  	_ =	sdelay $0x3  }
0x4cf: {  	s3 =	sshrl.u32 s1, $0x3  }
0x4d0: {  	s9 =	sand.u32 $0x7, s0;
	s3 =	smul.u32 $0x6000, s3  }
0x4d1: {  	s9 =	sshll.u32 s9, $0x9  }
0x4d2: {  	s3 =	sor.u32 s9, s3  }
0x4d3: {  	s3 =	sshra.s32 s3, $0x2  }
0x4d4: {  	s3 =	sor.u32 $0x400, s3  }
0x4d5: {  	v6 =	vld [tilespmem:s3+$0xFFFFFC10]  }
0x4d6: {  	v15 =	vld [tilespmem:s3+$0x70]  }
0x4d7: {  	v16 =	vld [tilespmem:s3+$0x30]  }
0x4d8: {  	v9 =	vld [tilespmem:s3+$0x50];
	_ =	sdelay $0x1  }
0x4d9: {  	v4 =	vld [tilespmem:s3+$0x10]  }
0x4da: {  	v17 =	vld [tilespmem:s3+$0xFFFFFC40];
	v3 =	vmul.f32 v6, v6  }
0x4db: {  	v5 =	vld [tilespmem:s3+$0xFFFFFC20];
	v7 =	vmul.f32 v15, v15;
	v20 =	vmul.f32 $-1.595769170e+00, v6  }
0x4dc: {  	v8 =	vmul.f32 v16, v16;
	v12 =	vmul.f32 v9, v9  }
0x4dd: {  	v10 =	vld [tilespmem:s3+$0x0];
	v13 =	vmul.f32 $-1.595769170e+00, v15;
	v7 =	vmul.f32 $4.471499850e-02, v7  }
0x4de: {  	v11 =	vld [tilespmem:s3+$0xFFFFFC30];
	v22 =	vmul.f32 $-1.595769170e+00, v9;
	v24 =	vmul.f32 $-1.595769170e+00, v4  }
0x4df: {  	v18 =	vmul.f32 v17, v17;
	v8 =	vmul.f32 $4.471499850e-02, v8;
	v14 =	vadd.f32 $1.000000000e+00, v7  }
0x4e0: {  	v26 =	vmul.f32 $-1.595769170e+00, v5;
	v23 =	vmul.f32 $4.471499850e-02, v12  }
0x4e1: {  	v12 =	vmul.f32 $-1.595769170e+00, v16;
	v25 =	vmul.f32 v14, v13;
	v13 =	vadd.f32 $1.000000000e+00, v8  }
0x4e2: {  	v29 =	vmul.f32 v10, v10;
	v30 =	vmul.f32 $-1.595769170e+00, v17  }
0x4e3: {  	v32 =	vmul.f32 v11, v11;
	v12 =	vmul.f32 v13, v12  }
0x4e4: {  	v21 =	vmul.f32 $4.471499850e-02, v3;
	v3 =	vld [tilespmem:s3+$0x40];
	v28 =	vmul.f32 $4.471499850e-02, v18  }
0x4e5: {  	v18 =	vld [tilespmem:s3+$0x60];
	v32 =	vmul.f32 $4.471499850e-02, v32;
	v12 =	vmul.f32 $1.442695020e+00, v12  }
0x4e6: {  	v33 =	vmul.f32 $-1.595769170e+00, v10;
	v34 =	vmul.f32 $-1.595769170e+00, v11;
	v23 =	vadd.f32 $1.000000000e+00, v23  }
0x4e7: {  	v7 =	vld [tilespmem:s3+$0xFFFFFC50];
	v28 =	vadd.f32 $1.000000000e+00, v28;
	v32 =	vadd.f32 $1.000000000e+00, v32;
	(erf) = vpow2.f32 v12  }
0x4e8: {  	v29 =	vmul.f32 $4.471499850e-02, v29;
	v14 =	vld [tilespmem:s3+$0xFFFFFC00];
	v22 =	vmul.f32 v23, v22  }
0x4e9: {  	v8 =	vld [tilespmem:s3+$0xFFFFFC70];
	v28 =	vmul.f32 v28, v30;
	v32 =	vmul.f32 v32, v34  }
0x4ea: {  	v27 =	vmul.f32 $-1.595769170e+00, v3;
	v36 =	vmul.f32 v18, v18  }
0x4eb: {  	v39 =	vmul.f32 $-1.595769170e+00, v18;
	v25 =	vmul.f32 $1.442695020e+00, v25  }
0x4ec: {  	v13 =	vld [tilespmem:s3+$0xFFFFFC60];
	v22 =	vmul.f32 $1.442695020e+00, v22;
	v36 =	vmul.f32 $4.471499850e-02, v36  }
0x4ed: {  	v31 =	vmul.f32 $-1.595769170e+00, v7;
	v37 =	vmul.f32 v7, v7  }
0x4ee: {  	v19 =	vmul.f32 $-1.595769170e+00, v14;
	v35 =	vmul.f32 $-1.595769170e+00, v8;
	v36 =	vadd.f32 $1.000000000e+00, v36;
	v12 =	vld [tilespmem:s3+$0x20]  }
0x4ef: {  	v38 =	vmul.f32 v14, v14;
	v37 =	vmul.f32 $4.471499850e-02, v37  }
0x4f0: {  	v41 =	vmul.f32 v8, v8;
	v36 =	vmul.f32 v36, v39;
	v57 =	vpop (erf)  }
0x4f1: {  	v23 =	vmul.f32 $4.471499850e-02, v38;
	v56 =	vmul.f32 v13, v13;
	v39 =	vadd.f32 $1.000000000e+00, v57  }
0x4f2: {  	v40 =	vmul.f32 $-1.595769170e+00, v13;
	v36 =	vmul.f32 $1.442695020e+00, v36  }
0x4f3: {  	v42 =	vmul.f32 v12, v12;
	(erf) = vrcp.f32 v39  }
0x4f4: {  	v21 =	vadd.f32 $1.000000000e+00, v21;
	v58 =	vmul.f32 $-1.595769170e+00, v12;
	(erf) = vpow2.f32 v22  }
0x4f5: {  	v42 =	vmul.f32 $4.471499850e-02, v42;
	(erf) = vpow2.f32 v25  }
0x4f6: {  	v25 =	vmul.f32 $1.442695020e+00, v28;
	v28 =	vmul.f32 v21, v20  }
0x4f7: {  	v59 =	vadd.f32 $1.000000000e+00, v42;
	v21 =	vmul.f32 v3, v3;
	(erf) = vpow2.f32 v36  }
0x4f8: {  	(erf) = vpow2.f32 v25;
	v25 =	vadd.f32 $1.000000000e+00, v29;
	v29 =	vmul.f32 v4, v4  }
0x4f9: {  	v22 =	vmul.f32 v59, v58;
	v20 =	vmul.f32 $1.442695020e+00, v32  }
0x4fa: {  	v21 =	vmul.f32 $4.471499850e-02, v21;
	v29 =	vmul.f32 $4.471499850e-02, v29  }
0x4fb: {  	v22 =	vmul.f32 $1.442695020e+00, v22;
	(erf) = vpow2.f32 v20;
	v20 =	vadd.f32 $1.000000000e+00, v37  }
0x4fc: {  	v30 =	vmul.f32 $4.471499850e-02, v56;
	v21 =	vadd.f32 $1.000000000e+00, v21;
	v29 =	vadd.f32 $1.000000000e+00, v29  }
0x4fd: {  	v61 =	vmul.f32 $4.471499850e-02, v41;
	v60 =	vmul.f32 v25, v33  }
0x4fe: {  	v30 =	vadd.f32 $1.000000000e+00, v30;
	v31 =	vmul.f32 v20, v31;
	v25 =	vpop (erf);
	v24 =	vmul.f32 v29, v24  }
0x4ff: {  	v20 =	vmul.f32 v21, v27;
	(erf) = vpow2.f32 v22;
	v22 =	vpop (erf)  }
0x500: {  	v30 =	vmul.f32 v30, v40;
	v32 =	vadd.f32 $1.000000000e+00, v23;
	v62 =	vmul.f32 $1.442695020e+00, v60;
	v21 =	vpop (erf)  }
0x501: {  	v27 =	vmul.f32 v5, v5;
	v29 =	vmul.f32 $1.442695020e+00, v20;
	v21 =	vadd.f32 $1.000000000e+00, v21;
	v23 =	vpop (erf)  }
0x502: {  	(erf) = vpow2.f32 v62;
	v20 =	vmul.f32 $1.442695020e+00, v24;
	v24 =	vpop (erf)  }
0x503: {  	v31 =	vmul.f32 $1.442695020e+00, v31;
	(erf) = vrcp.f32 v21;
	v24 =	vadd.f32 $1.000000000e+00, v24  }
0x504: {  	v63 =	vmul.f32 $4.471499850e-02, v27;
	(erf) = vpow2.f32 v29  }
0x505: {  	v33 =	vadd.f32 $1.000000000e+00, v61;
	v27 =	vmul.f32 $1.442695020e+00, v30;
	v30 =	vmul.f32 $1.442695020e+00, v28  }
0x506: {  	v28 =	vadd.f32 $1.000000000e+00, v63;
	v21 =	vadd.f32 $1.000000000e+00, v23;
	(erf) = vrcp.f32 v24  }
0x507: {  	v23 =	vmul.f32 v33, v35;
	v29 =	vadd.f32 $1.000000000e+00, v22;
	(erf) = vpow2.f32 v31;
	v24 =	vpop (erf)  }
0x508: {  	s9 =	simm.s32 $0x0;
	s11 =	sadd.s32 $0x800, s3;
	v28 =	vmul.f32 v28, v26;
	(erf) = vpow2.f32 v30;
	v24 =	vadd.f32 $1.000000000e+00, v24;
	v22 =	vpop (erf)  }
.LBB2_36:
0x509: {  	v26 =	vld [tilespmem:s11+$0xFFFFFC10];
	s9 =	sadd.s32 $0x100, s9;
	v19 =	vmul.f32 v32, v19;
	(erf) = vrcp.f32 v29  }
0x50a: {  	v30 =	vld [tilespmem:s11+$0x30];
	p0 =	slt.u32 s9, $0x200;
	v34 =	vmul.f32 $1.442695020e+00, v28;
	(erf) = vpow2.f32 v27  }
0x50b: {  	v31 =	vld [tilespmem:s11+$0x70];
	v19 =	vmul.f32 $1.442695020e+00, v19;
	v27 =	vpop (erf);
	(erf) = vpow2.f32 v20  }
0x50c: {  	v35 =	vmul.f32 v25, v16;
	v32 =	vld [tilespmem:s11+$0x50];
	(erf) = vrcp.f32 v21;
	v33 =	vpop (erf)  }
0x50d: {  	v29 =	vmul.f32 $1.442695020e+00, v23;
	v27 =	vadd.f32 $1.000000000e+00, v27;
	v21 =	vld [tilespmem:s11+$0x10];
	(erf) = vpow2.f32 v34;
	v28 =	vpop (erf)  }
0x50e: {  	v34 =	vmul.f32 v26, v26;
	v23 =	vld [tilespmem:s11+$0x20];
	[tilespmem:s3+$0x30] =	vst v35;
	(erf) = vpow2.f32 v19  }
0x50f: {  	v25 =	vmul.f32 $-1.595769170e+00, v26;
	v20 =	vld [tilespmem:s11+$0xFFFFFC20];
	v19 =	vpop (erf);
	(erf) = vpow2.f32 v29;
	v16 =	vmov v30  }
0x510: {  	v35 =	vld [tilespmem:s11+$0xFFFFFC30];
	v36 =	vmul.f32 v31, v31;
	v37 =	vpop (erf);
	(erf) = vrcp.f32 v27  }
0x511: {  	v38 =	vmul.f32 $4.471499850e-02, v34;
	v29 =	vld [tilespmem:s11+$0xFFFFFC50];
	v27 =	vmul.f32 v32, v32;
	v37 =	vadd.f32 $1.000000000e+00, v37;
	v39 =	vpop (erf)  }
0x512: {  	v41 =	vmul.f32 $-1.595769170e+00, v31;
	v40 =	vld [tilespmem:s11+$0x0];
	v34 =	vmul.f32 $4.471499850e-02, v36;
	v36 =	vadd.f32 $1.000000000e+00, v22;
	v42 =	vpop (erf)  }
0x513: {  	v46 =	vadd.f32 $1.000000000e+00, v28;
	v44 =	vmul.f32 $-1.595769170e+00, v32;
	v43 =	vld [tilespmem:s11+$0xFFFFFC40];
	v45 =	vmul.f32 $4.471499850e-02, v27;
	v47 =	vpop (erf)  }
0x514: {  	v17 =	vmul.f32 v19, v17;
	v22 =	vmul.f32 $-1.595769170e+00, v21;
	v28 =	vld [tilespmem:s11+$0x40];
	v48 =	vadd.f32 $1.000000000e+00, v34;
	v49 =	vpop (erf)  }
0x515: {  	v51 =	vmul.f32 v30, v16;
	v27 =	vld [tilespmem:s11+$0xFFFFFC70];
	v45 =	vadd.f32 $1.000000000e+00, v45;
	(erf) = vrcp.f32 v24;
	v24 =	vpop (erf)  }
0x516: {  	v15 =	vmul.f32 v33, v15;
	v30 =	vadd.f32 $1.000000000e+00, v39;
	v34 =	vld [tilespmem:s11+$0xFFFFFC60];
	v41 =	vmul.f32 v48, v41;
	[tilespmem:s3+$0xFFFFFC40] =	vst v17;
	v33 =	vpop (erf)  }
0x517: {  	v54 =	vmul.f32 $4.471499850e-02, v51;
	v47 =	vadd.f32 $1.000000000e+00, v47;
	v18 =	vmul.f32 v24, v18;
	v39 =	vld [tilespmem:s11+$0xFFFFFC00];
	v19 =	vpop (erf)  }
0x518: {  	v48 =	vmul.f32 v43, v43;
	v19 =	vadd.f32 $1.000000000e+00, v19;
	[tilespmem:s3+$0x70] =	vst v15;
	(erf) = vrcp.f32 v30;
	v50 =	vpop (erf)  }
0x519: {  	v51 =	vmul.f32 $-1.595769170e+00, v16;
	v42 =	vmul.f32 v42, v9;
	v52 =	vadd.f32 $1.000000000e+00, v54;
	[tilespmem:s3+$0x60] =	vst v18;
	v53 =	vpop (erf)  }
0x51a: {  	v9 =	vmovc v32;
	v24 =	vmul.f32 $-1.595769170e+00, v20;
	v15 =	vmovc v31;
	v17 =	vmov v43;
	v30 =	vmul.f32 $-1.595769170e+00, v28  }
0x51b: {  	v51 =	vmul.f32 v52, v51;
	v31 =	vadd.f32 $1.000000000e+00, v33;
	[tilespmem:s3+$0x50] =	vst v42;
	(erf) = vrcp.f32 v19  }
0x51c: {  	v32 =	vmul.f32 $4.471499850e-02, v48;
	v42 =	vmul.f32 v40, v40  }
0x51d: {  	v43 =	vmul.f32 $1.442695020e+00, v51;
	(erf) = vrcp.f32 v31  }
0x51e: {  	v33 =	vmul.f32 $-1.595769170e+00, v29;
	v48 =	vmul.f32 $-1.595769170e+00, v17;
	v18 =	vpop (erf)  }
0x51f: {  	v51 =	vmul.f32 v35, v35;
	v55 =	vmul.f32 v18, v11;
	v11 =	vmov v35  }
0x520: {  	v19 =	vmul.f32 $-1.595769170e+00, v39;
	v35 =	vmul.f32 $-1.595769170e+00, v40;
	v18 =	vld [tilespmem:s11+$0x60]  }
0x521: {  	v38 =	vadd.f32 $1.000000000e+00, v38;
	v31 =	vmul.f32 $-1.595769170e+00, v27;
	v54 =	vmul.f32 $-1.595769170e+00, v11;
	[tilespmem:s3+$0xFFFFFC30] =	vst v55;
	v52 =	vpop (erf)  }
0x522: {  	v55 =	vmul.f32 v29, v29;
	(erf) = vpow2.f32 v43  }
0x523: {  	v49 =	vadd.f32 $1.000000000e+00, v49;
	v56 =	vmul.f32 v53, v10;
	v10 =	vmovc v40;
	v43 =	vmul.f32 $4.471499850e-02, v51  }
0x524: {  	v40 =	vadd.f32 $1.000000000e+00, v32;
	v32 =	vmul.f32 $4.471499850e-02, v55;
	v53 =	vpop (erf);
	(erf) = vrcp.f32 v47  }
0x525: {  	v43 =	vadd.f32 $1.000000000e+00, v43;
	v47 =	vmul.f32 $-1.595769170e+00, v18;
	[tilespmem:s3+$0x0] =	vst v56;
	(erf) = vrcp.f32 v49  }
0x526: {  	v49 =	vmul.f32 v18, v18;
	v51 =	vpop (erf);
	(erf) = vrcp.f32 v46  }
0x527: {  	v46 =	vadd.f32 $1.000000000e+00, v32;
	v32 =	vmul.f32 v45, v44;
	(erf) = vrcp.f32 v36  }
0x528: {  	v36 =	vmul.f32 v39, v39;
	(erf) = vrcp.f32 v37  }
0x529: {  	v44 =	vmul.f32 v51, v5;
	v5 =	vmov v20;
	v37 =	vmul.f32 $4.471499850e-02, v49  }
0x52a: {  	v41 =	vmul.f32 $1.442695020e+00, v41;
	v36 =	vmul.f32 $4.471499850e-02, v36  }
0x52b: {  	v45 =	vmul.f32 v34, v34;
	v49 =	vmul.f32 $-1.595769170e+00, v34;
	v37 =	vadd.f32 $1.000000000e+00, v37;
	v51 =	vpop (erf);
	[tilespmem:s3+$0xFFFFFC20] =	vst v44  }
0x52c: {  	v50 =	vadd.f32 $1.000000000e+00, v50;
	v55 =	vmul.f32 $1.442695020e+00, v32;
	v44 =	vmul.f32 v27, v27  }
0x52d: {  	v56 =	vmul.f32 v52, v6;
	v51 =	vadd.f32 $1.000000000e+00, v51;
	v37 =	vmul.f32 v37, v47;
	v47 =	vpop (erf)  }
0x52e: {  	v57 =	vmul.f32 v53, v14;
	v32 =	vadd.f32 $1.000000000e+00, v36;
	v36 =	vmul.f32 v23, v23;
	v52 =	vpop (erf)  }
0x52f: {  	v6 =	vmov v26;
	v37 =	vmul.f32 $1.442695020e+00, v37;
	[tilespmem:s3+$0xFFFFFC10] =	vst v56;
	v52 =	vmul.f32 v52, v4;
	v53 =	vpop (erf)  }
0x530: {  	v26 =	vmul.f32 $4.471499850e-02, v42;
	v4 =	vmov v21;
	(erf) = vrcp.f32 v51;
	[tilespmem:s3+$0xFFFFFC00] =	vst v57;
	v42 =	vpop (erf)  }
0x531: {  	v14 =	vmov v39;
	v36 =	vmul.f32 $4.471499850e-02, v36;
	[tilespmem:s3+$0x10] =	vst v52;
	v51 =	vpop (erf);
	(erf) = vrcp.f32 v50  }
0x532: {  	v26 =	vadd.f32 $1.000000000e+00, v26;
	v39 =	vmul.f32 $-1.595769170e+00, v23;
	v47 =	vmul.f32 v47, v13;
	v13 =	vmovc v34  }
0x533: {  	v34 =	vmul.f32 v40, v48;
	v40 =	vmul.f32 $4.471499850e-02, v45;
	v36 =	vadd.f32 $1.000000000e+00, v36  }
0x534: {  	v43 =	vmul.f32 v43, v54;
	v45 =	vmul.f32 v51, v7;
	v7 =	vmov v29;
	[tilespmem:s3+$0xFFFFFC60] =	vst v47  }
0x535: {  	v36 =	vmul.f32 v36, v39;
	v39 =	vmul.f32 v53, v3;
	v3 =	vmovc v28;
	v29 =	vadd.f32 $1.000000000e+00, v40  }
0x536: {  	v34 =	vmul.f32 $1.442695020e+00, v34;
	(erf) = vpow2.f32 v55;
	[tilespmem:s3+$0xFFFFFC50] =	vst v45  }
0x537: {  	v38 =	vmul.f32 v38, v25;
	(erf) = vpow2.f32 v41;
	[tilespmem:s3+$0x40] =	vst v39  }
0x538: {  	v36 =	vmul.f32 $1.442695020e+00, v36;
	(erf) = vpow2.f32 v37  }
0x539: {  	v39 =	vmul.f32 v42, v12;
	v12 =	vmov v23;
	v37 =	vmul.f32 $1.442695020e+00, v43;
	v25 =	vpop (erf)  }
0x53a: {  	v23 =	vmul.f32 v28, v3;
	(erf) = vpow2.f32 v34;
	v28 =	vpop (erf)  }
0x53b: {  	v21 =	vmul.f32 v21, v4;
	v28 =	vmul.f32 v28, v8;
	[tilespmem:s3+$0x20] =	vst v39;
	v8 =	vmov v27  }
0x53c: {  	v23 =	vmul.f32 $4.471499850e-02, v23;
	(erf) = vpow2.f32 v37  }
0x53d: {  	v26 =	vmul.f32 v26, v35;
	v21 =	vmul.f32 $4.471499850e-02, v21;
	[tilespmem:s3+$0xFFFFFC70] =	vst v28;
	s3 =	smov.u32 s11  }
0x53e: {  	v27 =	vmul.f32 v29, v49;
	v23 =	vadd.f32 $1.000000000e+00, v23;
	v28 =	vmul.f32 $4.471499850e-02, v44  }
0x53f: {  	v26 =	vmul.f32 $1.442695020e+00, v26;
	v21 =	vadd.f32 $1.000000000e+00, v21;
	(erf) = vpow2.f32 v36;
	v29 =	vpop (erf)  }
0x540: {  	v33 =	vmul.f32 v46, v33;
	v23 =	vmul.f32 v23, v30;
	v28 =	vadd.f32 $1.000000000e+00, v28;
	v30 =	vpop (erf)  }
0x541: {  	v34 =	vmul.f32 v20, v5;
	v20 =	vmul.f32 v21, v22;
	v21 =	vadd.f32 $1.000000000e+00, v30;
	v22 =	vpop (erf)  }
0x542: {  	v23 =	vmul.f32 $1.442695020e+00, v23;
	(erf) = vpow2.f32 v26  }
0x543: {  	v20 =	vmul.f32 $1.442695020e+00, v20;
	v26 =	vpop (erf);
	(erf) = vrcp.f32 v21  }
.Ltmp32:
0x544: {  	v30 =	vmul.f32 $4.471499850e-02, v34;
	v26 =	vadd.f32 $1.000000000e+00, v26;
	(erf) = vpow2.f32 v23;
	(pc) =	sbr.rel @p0 .LBB2_36-.Ltmp32, $4  }
0x545: {  	v33 =	vmul.f32 $1.442695020e+00, v33;
	v27 =	vmul.f32 $1.442695020e+00, v27;
	v21 =	vadd.f32 $1.000000000e+00, v22;
	v22 =	vpop (erf)  }
0x546: {  	v34 =	vmul.f32 $1.442695020e+00, v38;
	v30 =	vadd.f32 $1.000000000e+00, v30;
	(erf) = vrcp.f32 v26  }
0x547: {  	v29 =	vadd.f32 $1.000000000e+00, v29;
	v23 =	vmul.f32 v28, v31;
	(erf) = vpow2.f32 v33  }
0x548: {  	s11 =	sadd.s32 $0x800, s11;
	v28 =	vmul.f32 v30, v24;
	v24 =	vadd.f32 $1.000000000e+00, v22;
	(erf) = vpow2.f32 v34;
	v22 =	vpop (erf)  }
0x549: {  	(erf) = vrcp.f32 v29  }
0x54a: {  	v19 =	vmul.f32 v32, v19;
	(erf) = vpow2.f32 v27  }
0x54b: {  	v26 =	vmul.f32 $1.442695020e+00, v28;
	(erf) = vpow2.f32 v20  }
0x54c: {  	v19 =	vmul.f32 $1.442695020e+00, v19;
	v58 =	vpop (erf);
	(erf) = vrcp.f32 v21  }
0x54d: {  	v59 =	vpop (erf);
	(erf) = vpow2.f32 v26  }
0x54e: {  	v60 =	vpop (erf);
	(erf) = vpow2.f32 v19  }
0x54f: {  	v61 =	vpop (erf)  }
0x550: {  	v62 =	vpop (erf)  }
0x551: {  	v63 =	vpop (erf)  }
0x552: {  	v29 =	vpop (erf)  }
0x553: {  	v23 =	vmul.f32 $1.442695020e+00, v23;
	v30 =	vpop (erf)  }
0x554: {  	v31 =	vpop (erf)  }
0x555: {  	v20 =	vadd.f32 $1.000000000e+00, v58;
	v36 =	vpop (erf);
	(erf) = vpow2.f32 v23  }
0x556: {  	v37 =	vpop (erf)  }
0x557: {  	v38 =	vadd.f32 $1.000000000e+00, v63;
	(erf) = vrcp.f32 v20;
	v39 =	vpop (erf)  }
0x558: {  	(erf) = vrcp.f32 v24;
	v40 =	vadd.f32 $1.000000000e+00, v39  }
0x559: {  	v41 =	vadd.f32 $1.000000000e+00, v37;
	(erf) = vrcp.f32 v38  }
0x55a: {  	v42 =	vadd.f32 $1.000000000e+00, v30;
	(erf) = vrcp.f32 v40  }
0x55b: {  	v43 =	vadd.f32 $1.000000000e+00, v31;
	(erf) = vrcp.f32 v41  }
0x55c: {  	v16 =	vmul.f32 v25, v16;
	v44 =	vadd.f32 $1.000000000e+00, v60;
	(erf) = vrcp.f32 v42  }
0x55d: {  	v22 =	vadd.f32 $1.000000000e+00, v22;
	v15 =	vmul.f32 v59, v15;
	(erf) = vrcp.f32 v43  }
0x55e: {  	[tilespmem:s3+$0x30] =	vst v16;
	v17 =	vmul.f32 v61, v17;
	v45 =	vadd.f32 $1.000000000e+00, v62;
	(erf) = vrcp.f32 v44;
	v46 =	vpop (erf)  }
0x55f: {  	[tilespmem:s3+$0x70] =	vst v15;
	v9 =	vmul.f32 v29, v9;
	(erf) = vrcp.f32 v22;
	v19 =	vadd.f32 $1.000000000e+00, v46  }
0x560: {  	[tilespmem:s3+$0xFFFFFC40] =	vst v17;
	v48 =	vmul.f32 v36, v18;
	v47 =	vpop (erf);
	(erf) = vrcp.f32 v45  }
0x561: {  	[tilespmem:s3+$0x50] =	vst v9;
	v49 =	vpop (erf);
	v52 =	vmul.f32 v47, v10;
	(erf) = vrcp.f32 v19  }
0x562: {  	[tilespmem:s3+$0x60] =	vst v48;
	v50 =	vpop (erf);
	v11 =	vmul.f32 v49, v11  }
0x563: {  	[tilespmem:s3+$0x0] =	vst v52;
	v6 =	vmul.f32 v50, v6;
	v51 =	vpop (erf)  }
0x564: {  	[tilespmem:s3+$0xFFFFFC30] =	vst v11;
	v53 =	vpop (erf);
	v56 =	vmul.f32 v51, v14  }
0x565: {  	[tilespmem:s3+$0xFFFFFC10] =	vst v6;
	v5 =	vmul.f32 v53, v5;
	v54 =	vpop (erf)  }
0x566: {  	v55 =	vpop (erf);
	[tilespmem:s3+$0xFFFFFC00] =	vst v56;
	v60 =	vmul.f32 v54, v13  }
0x567: {  	[tilespmem:s3+$0xFFFFFC20] =	vst v5;
	v57 =	vpop (erf);
	v4 =	vmul.f32 v55, v4  }
0x568: {  	v58 =	vpop (erf);
	[tilespmem:s3+$0xFFFFFC60] =	vst v60;
	v3 =	vmul.f32 v57, v3  }
.Ltmp33:
0x569: {  	v59 =	vpop (erf);
	[tilespmem:s3+$0x10] =	vst v4;
	v62 =	vmul.f32 v58, v12;
	(pc) =	sbr.rel .LBB2_38-.Ltmp33, $4  }
0x56a: {  	v61 =	vmul.f32 v59, v7;
	v63 =	vpop (erf);
	[tilespmem:s3+$0x40] =	vst v3  }
0x56b: {  	v3 =	vmul.f32 v63, v8;
	[tilespmem:s3+$0x20] =	vst v62  }
0x56c: {  	[tilespmem:s3+$0xFFFFFC50] =	vst v61  }
0x56d: {  	[tilespmem:s3+$0xFFFFFC70] =	vst v3  }
.LBB2_40:
0x56e: {  	_ =	sfence.sel $0x180000  }
0x56f: {  	[bflag:$0x0] =	sbarrier.arrive $0xFFFF  }
0x570: {  	_ =	strace $0x90000047  }
0x571: {  	s0 =	stileid.u32;
	[bflag:$0x2] =	sbarrier.arrive $0xFFFF  }
0x572: {  	p0 =	sne.s32 s0, $0x0;
	s0 =	rddreg [dreg:$0x3]  }
0x573: {  	s0 =	sadd.s32 @!p0 $0x100000, s0  }
0x574: {  	[sflag:s0] =	ssyncadd.tile.s32 @!p0 $0x1;
	_ =	shalt  }
.Lfunc_end2:
_tile_overlayer_lowered:
.L_overlay_start_2:
0x575: {  	(tag) =	ssettag $0x2  }
0x576: {  	s0 =	rddreg [dreg:$0x0];
	s2 =	stileid.u32  }
0x577: {  	s1 =	rddreg [dreg:$0x1];
	p0 =	sne.s32 s2, $0x0  }
0x578: {  	s3 =	rddreg [dreg:$0x2];
	[bflag:$0x3] =	sbarrier.arrive $0xFFFF;
	s2 =	simm.s32 @!p0 $0x1C0B  }
0x579: {  	[timem:s3], [sflag:s2] =	dma.local @!p0 [hbm:s0], s1  }
0x57a: {  	s0 =	simm.s32 @!p0 $0xB  }
0x57b: {  	_ =	swait.ge @!p0 [sflag:s0], s1  }
0x57c: {  	s1 =	ssub.s32 @!p0 $0x0, s1;
	[sflag:s0] =	ssyncset.done @!p0 $0x0  }
0x57d: {  	[sflag:s0] =	ssyncadd.s32 @!p0 s1  }
0x57e: {  	[bflag:$0x3] =	sbarrier.arrive $0xFFFF  }
0x57f: {  	_ =	shalt  }

</sc_bundles>
